<compile_context>
chip_gen: v7x
topology: tpu7x:2x2x1
jax: 0.10.2.dev20260603
libtpu: 0.0.44.dev20260713+nightly
codegen_flags: <defaults>
</compile_context>

<pallas_src>
import jax
import jax.numpy as jnp
from jax import lax
from jax.experimental import pallas as pl
from jax.experimental.pallas import tpu as pltpu
from jax.experimental.pallas import tpu_sc as plsc

_B, _N, _G, _K = 64, 2048, 128, 32
_L = 16
_NC, _NS = 2, 16
_NW = _NC * _NS
_BPW = _B // _NW
_NCH = _N // _L
_GCH = _G // _L
_BIG = 1e10
_HUGE = 3.0e38


def _bf16r(v):
    u = lax.bitcast_convert_type(v, jnp.uint32)
    u = (u + jnp.uint32(0x7FFF) + ((u >> jnp.uint32(16)) & jnp.uint32(1))) \
        & jnp.uint32(0xFFFF0000)
    return lax.bitcast_convert_type(u, jnp.float32)


def _sc_body(x_hbm, y_hbm, z_hbm, nbr_hbm, cen_hbm,
             x_v, y_v, z_v, dist_v, pn_v,
             cx_v, cy_v, cz_v, cn_v, vis_v, ord_v,
             bx_v, by_v, bz_v, bcx_v, bcy_v, bcz_v,
             nout_v, cout_v):
    wid = lax.axis_index("s") * _NC + lax.axis_index("c")
    iota = lax.iota(jnp.int32, _L)
    lane0 = iota == 0

    def splat_i(i):
        return jnp.full((_L,), i, jnp.int32)

    def gat(ref, idx_vec):
        return plsc.load_gather(ref, [idx_vec])

    def put1(ref, i, val_vec):
        plsc.store_scatter(ref, [splat_i(i)], val_vec, mask=lane0)

    def batch_body(kb, carry0):
        b = wid * _BPW + kb
        pltpu.sync_copy(x_hbm.at[b], x_v)
        pltpu.sync_copy(y_hbm.at[b], y_v)
        pltpu.sync_copy(z_hbm.at[b], z_v)

        @plsc.parallel_loop(0, _NCH, unroll=8)
        def _init_chunk(c):
            dist_v[pl.ds(c * _L, _L)] = jnp.full((_L,), _BIG, jnp.float32)

        def fps_step(i, far):
            fari = splat_i(far)
            cx = gat(x_v, fari)
            cy = gat(y_v, fari)
            cz = gat(z_v, fari)
            put1(cx_v, i, cx)
            put1(cy_v, i, cy)
            put1(cz_v, i, cz)

            _NACC = 4

            def chunk(c, carry):
                out = []
                for q in range(_NACC):
                    best, bidx = carry[q]
                    o = (c * _NACC + q) * _L
                    dx = x_v[pl.ds(o, _L)] - cx
                    dy = y_v[pl.ds(o, _L)] - cy
                    dz = z_v[pl.ds(o, _L)] - cz
                    d = (dx * dx + dy * dy) + dz * dz
                    nd = jnp.minimum(dist_v[pl.ds(o, _L)], d)
                    dist_v[pl.ds(o, _L)] = nd
                    m = nd > best
                    best = jnp.where(m, nd, best)
                    bidx = jnp.where(m, iota + o, bidx)
                    out.append((best, bidx))
                return tuple(out)

            acc0 = (jnp.full((_L,), -1.0, jnp.float32),
                    jnp.zeros((_L,), jnp.int32))
            accs = plsc.parallel_loop(0, _NCH // _NACC, unroll=2,
                                      carry=(acc0,) * _NACC)(chunk)
            bb = jnp.maximum(jnp.maximum(accs[0][0], accs[1][0]),
                             jnp.maximum(accs[2][0], accs[3][0]))
            mx = jnp.max(bb)
            cand = jnp.minimum(
                jnp.minimum(
                    jnp.where(accs[0][0] == mx, accs[0][1], jnp.int32(_N)),
                    jnp.where(accs[1][0] == mx, accs[1][1], jnp.int32(_N))),
                jnp.minimum(
                    jnp.where(accs[2][0] == mx, accs[2][1], jnp.int32(_N)),
                    jnp.where(accs[3][0] == mx, accs[3][1], jnp.int32(_N))))
            return jnp.min(cand)

        lax.fori_loop(0, _G, fps_step, jnp.int32(0))

        def cn_chunk(c, carry):
            o = c * _L
            a = cx_v[pl.ds(o, _L)]
            bb = cy_v[pl.ds(o, _L)]
            cc = cz_v[pl.ds(o, _L)]
            cn_v[pl.ds(o, _L)] = (a * a + bb * bb) + cc * cc
            return carry
        plsc.parallel_loop(0, _GCH, unroll=4)(
            lambda c: cn_chunk(c, 0) and None)

        def pn_chunk(c, carry):
            o = c * _L
            a = x_v[pl.ds(o, _L)]
            bb = y_v[pl.ds(o, _L)]
            cc = z_v[pl.ds(o, _L)]
            pn_v[pl.ds(o, _L)] = (a * a + bb * bb) + cc * cc
            bx_v[pl.ds(o, _L)] = _bf16r(a)
            by_v[pl.ds(o, _L)] = _bf16r(bb)
            bz_v[pl.ds(o, _L)] = _bf16r(cc)
            return carry
        plsc.parallel_loop(0, _NCH, unroll=8)(
            lambda c: pn_chunk(c, 0) and None)

        def bc_chunk(c, carry):
            o = c * _L
            bcx_v[pl.ds(o, _L)] = _bf16r(cx_v[pl.ds(o, _L)])
            bcy_v[pl.ds(o, _L)] = _bf16r(cy_v[pl.ds(o, _L)])
            bcz_v[pl.ds(o, _L)] = _bf16r(cz_v[pl.ds(o, _L)])
            return carry
        plsc.parallel_loop(0, _GCH, unroll=4)(
            lambda c: bc_chunk(c, 0) and None)

        def vis_chunk(c, carry):
            vis_v[pl.ds(c * _L, _L)] = jnp.zeros((_L,), jnp.float32)
            return carry
        plsc.parallel_loop(0, _GCH, unroll=4)(
            lambda c: vis_chunk(c, 0) and None)
        put1(vis_v, 0, jnp.full((_L,), _HUGE, jnp.float32))
        put1(ord_v, 0, jnp.zeros((_L,), jnp.int32))

        def morton_step(i, cur):
            curi = splat_i(cur)
            ccx = gat(bcx_v, curi)
            ccy = gat(bcy_v, curi)
            ccz = gat(bcz_v, curi)
            ccn = gat(cn_v, curi)

            def chunk(c, carry):
                best, bidx = carry
                o = c * _L
                gx = bcx_v[pl.ds(o, _L)]
                gy = bcy_v[pl.ds(o, _L)]
                gz = bcz_v[pl.ds(o, _L)]
                p0 = ccx * gx
                p1 = ccy * gy
                p2 = ccz * gz
                s = p0 + p1
                t1 = s - p0
                e = (p0 - (s - t1)) + (p1 - t1)
                t = s + p2
                t2 = t - s
                f = (s - (t - t2)) + (p2 - t2)
                dot = t + (e + f)
                d2 = (ccn + cn_v[pl.ds(o, _L)]) - 2.0 * dot
                d2 = jnp.maximum(d2, 0.0)
                val = jnp.where(vis_v[pl.ds(o, _L)] > 0.0, _HUGE, d2)
                m = val < best
                best = jnp.where(m, val, best)
                bidx = jnp.where(m, iota + o, bidx)
                return best, bidx

            best, bidx = plsc.parallel_loop(
                0, _GCH, unroll=4,
                carry=(jnp.full((_L,), jnp.inf, jnp.float32),
                       jnp.zeros((_L,), jnp.int32)))(chunk)
            mn = jnp.min(best)
            cand = jnp.where(best == mn, bidx, jnp.int32(_G))
            nxt = jnp.min(cand)
            put1(vis_v, nxt, jnp.full((_L,), _HUGE, jnp.float32))
            put1(ord_v, i, splat_i(nxt))
            return nxt

        lax.fori_loop(1, _G, morton_step, jnp.int32(0))

        def knn_one(gp):
            gvec = gat(ord_v, splat_i(gp))
            gx = gat(cx_v, gvec)
            gy = gat(cy_v, gvec)
            gz = gat(cz_v, gvec)
            gn = gat(cn_v, gvec)
            gxr = gat(bcx_v, gvec)
            gyr = gat(bcy_v, gvec)
            gzr = gat(bcz_v, gvec)

            def merge16(buf, d2, idx):
                s0, s1, i0, i1 = buf
                dk, ik = plsc.sort_key_val(d2, idx)
                rdk = lax.rev(dk, (0,))
                rik = lax.rev(ik, (0,))
                mm = s1 < rdk
                lk = jnp.where(mm, s1, rdk)
                li = jnp.where(mm, i1, rik)
                lk, li = plsc.sort_key_val(lk, li)
                rlk = lax.rev(lk, (0,))
                rli = lax.rev(li, (0,))
                mm2 = s0 < rlk
                lo_k = jnp.where(mm2, s0, rlk)
                lo_i = jnp.where(mm2, i0, rli)
                hi_k = jnp.where(mm2, rlk, s0)
                hi_i = jnp.where(mm2, rli, i0)
                s0n, i0n = plsc.sort_key_val(lo_k, lo_i)
                s1n, i1n = plsc.sort_key_val(hi_k, hi_i)
                return (s0n, s1n, i0n, i1n)

            _NBUF = 4

            def group(c4, bufs):
                out = []
                for q in range(_NBUF):
                    o = (c4 * _NBUF + q) * _L
                    xv = bx_v[pl.ds(o, _L)]
                    yv = by_v[pl.ds(o, _L)]
                    zv = bz_v[pl.ds(o, _L)]
                    p0 = gxr * xv
                    p1 = gyr * yv
                    p2 = gzr * zv
                    s = p0 + p1
                    t1 = s - p0
                    e = (p0 - (s - t1)) + (p1 - t1)
                    t = s + p2
                    t2 = t - s
                    f = (s - (t - t2)) + (p2 - t2)
                    dot = t + (e + f)
                    d2 = (gn + pn_v[pl.ds(o, _L)]) - 2.0 * dot
                    d2 = jnp.maximum(d2, 0.0)
                    out.append(merge16(bufs[q], d2, iota + o))
                return tuple(out)

            buf0 = (jnp.full((_L,), _HUGE, jnp.float32),
                    jnp.full((_L,), _HUGE, jnp.float32),
                    jnp.zeros((_L,), jnp.int32),
                    jnp.zeros((_L,), jnp.int32))
            bufs = plsc.parallel_loop(0, _NCH // _NBUF, unroll=2,
                                      carry=(buf0,) * _NBUF)(group)

            def pairmerge(a, b):
                a0, a1, ai0, ai1 = a
                b0, b1, bi0, bi1 = b
                rb0 = lax.rev(b0, (0,))
                rb1 = lax.rev(b1, (0,))
                rbi0 = lax.rev(bi0, (0,))
                rbi1 = lax.rev(bi1, (0,))
                mm0 = a0 < rb1
                m0 = jnp.where(mm0, a0, rb1)
                mi0 = jnp.where(mm0, ai0, rbi1)
                mm1 = a1 < rb0
                m1 = jnp.where(mm1, a1, rb0)
                mi1 = jnp.where(mm1, ai1, rbi0)
                cc = m0 < m1
                lo = jnp.where(cc, m0, m1)
                loi = jnp.where(cc, mi0, mi1)
                hi = jnp.where(cc, m1, m0)
                hii = jnp.where(cc, mi1, mi0)
                s0n, i0n = plsc.sort_key_val(lo, loi)
                s1n, i1n = plsc.sort_key_val(hi, hii)
                return (s0n, s1n, i0n, i1n)

            mA = pairmerge(bufs[0], bufs[1])
            mB = pairmerge(bufs[2], bufs[3])
            s0, s1, i0, i1 = pairmerge(mA, mB)

            base = gp * (_K * 3)
            pos0 = base + 3 * iota
            nx0 = plsc.load_gather(x_v, [i0]) - gx
            ny0 = plsc.load_gather(y_v, [i0]) - gy
            nz0 = plsc.load_gather(z_v, [i0]) - gz
            plsc.store_scatter(nout_v, [pos0], nx0)
            plsc.store_scatter(nout_v, [pos0 + 1], ny0)
            plsc.store_scatter(nout_v, [pos0 + 2], nz0)
            pos1 = base + 3 * _L + 3 * iota
            nx1 = plsc.load_gather(x_v, [i1]) - gx
            ny1 = plsc.load_gather(y_v, [i1]) - gy
            nz1 = plsc.load_gather(z_v, [i1]) - gz
            plsc.store_scatter(nout_v, [pos1], nx1)
            plsc.store_scatter(nout_v, [pos1 + 1], ny1)
            plsc.store_scatter(nout_v, [pos1 + 2], nz1)
            cval = jnp.where(iota == 0, gx, jnp.where(iota == 1, gy, gz))
            plsc.store_scatter(cout_v, [3 * gp + iota], cval,
                               mask=iota < jnp.int32(3))

        plsc.parallel_loop(0, _G, unroll=2)(knn_one)

        pltpu.sync_copy(nout_v, nbr_hbm.at[b])
        pltpu.sync_copy(cout_v, cen_hbm.at[b])
        return carry0

    lax.fori_loop(0, _BPW, batch_body, 0)


import functools


@functools.cache
def _build_sc_call():
    mesh = plsc.VectorSubcoreMesh(core_axis_name="c", subcore_axis_name="s",
                                  num_cores=_NC, num_subcores=_NS)
    return pl.kernel(
        _sc_body,
        compiler_params=pltpu.CompilerParams(needs_layout_passes=False),
        out_type=(jax.ShapeDtypeStruct((_B, _G * _K * 3), jnp.float32),
                  jax.ShapeDtypeStruct((_B, _G * 3), jnp.float32)),
        mesh=mesh,
        scratch_types=[
            pltpu.VMEM((_N,), jnp.float32),
            pltpu.VMEM((_N,), jnp.float32),
            pltpu.VMEM((_N,), jnp.float32),
            pltpu.VMEM((_N,), jnp.float32),
            pltpu.VMEM((_N,), jnp.float32),
            pltpu.VMEM((_G,), jnp.float32),
            pltpu.VMEM((_G,), jnp.float32),
            pltpu.VMEM((_G,), jnp.float32),
            pltpu.VMEM((_G,), jnp.float32),
            pltpu.VMEM((_G,), jnp.float32),
            pltpu.VMEM((_G,), jnp.int32),
            pltpu.VMEM((_N,), jnp.float32),
            pltpu.VMEM((_N,), jnp.float32),
            pltpu.VMEM((_N,), jnp.float32),
            pltpu.VMEM((_G,), jnp.float32),
            pltpu.VMEM((_G,), jnp.float32),
            pltpu.VMEM((_G,), jnp.float32),
            pltpu.VMEM((_G * _K * 3,), jnp.float32),
            pltpu.VMEM((_G * 3,), jnp.float32),
        ],
    )


def kernel(xyz):
    x = xyz[:, :, 0]
    y = xyz[:, :, 1]
    z = xyz[:, :, 2]
    nbr, cen = _build_sc_call()(x, y, z)
    return (nbr.reshape(_B, _G, _K, 3), cen.reshape(_B, _G, 3))

# --- scband reference (transcript-rebuilt; emitter-appended) ---
"""Pipeline reference for scband-point-transformer-38216619000514 (READ-ONLY COPY).

The authoritative reference and input builder live on the scoring server;
editing this copy changes nothing except your own understanding.
"""

import jax, jax.numpy as jnp
import numpy as np

NUM_GROUP = 128
GROUP_SIZE = 32
BIG = 1e10


def cdist(a, b):
    # a: [B, M, 3], b: [B, N, 3] -> [B, M, N]
    d2 = (jnp.sum(a * a, axis=-1)[:, :, None]
          + jnp.sum(b * b, axis=-1)[:, None, :]
          - 2.0 * jnp.einsum('bmd,bnd->bmn', a, b))
    return jnp.sqrt(jnp.maximum(d2, 0.0))


def fps_indices(xyz, M):
    # farthest point sampling (misc.fps) -> int32 [B, M]
    B, N, _ = xyz.shape
    dists = jnp.full((B, N), BIG, dtype=xyz.dtype)
    farthest = jnp.zeros((B,), dtype=jnp.int32)
    idxs = jnp.zeros((B, M), dtype=jnp.int32)

    def body(i, state):
        dists, farthest, idxs = state
        idxs = idxs.at[:, i].set(farthest)
        centroid = jnp.take_along_axis(xyz, farthest[:, None, None], axis=1)  # [B,1,3]
        d = jnp.sum((xyz - centroid) ** 2, axis=-1)
        dists = jnp.minimum(dists, d)
        farthest = jnp.argmax(dists, axis=-1).astype(jnp.int32)
        return (dists, farthest, idxs)

    _, _, idxs = jax.lax.fori_loop(0, M, body, (dists, farthest, idxs))
    return idxs


def morton_order(center):
    # simplied_morton_sorting: greedy nearest-neighbor chain over centers, start at index 0
    B, G, _ = center.shape
    D = cdist(center, center)
    D = D.at[:, jnp.arange(G), jnp.arange(G)].set(BIG)  # diagonal -> inf
    D = D.at[:, :, 0].set(BIG)  # mark point 0 visited
    order = jnp.zeros((B, G), dtype=jnp.int32)  # order[:,0] = 0
    current = jnp.zeros((B,), dtype=jnp.int32)

    def body(i, state):
        D, current, order = state
        row = jnp.take_along_axis(D, current[:, None, None], axis=1)[:, 0, :]  # [B,G]
        nxt = jnp.argmin(row, axis=-1).astype(jnp.int32)
        D = D.at[jnp.arange(B), :, nxt].set(BIG)
        order = order.at[:, i].set(nxt)
        return (D, nxt, order)

    _, _, order = jax.lax.fori_loop(1, G, body, (D, current, order))
    return order


def setup_inputs(seed: int = 0) -> dict:
    key = jax.random.key(seed)
    xyz = jax.random.normal(key, (64, 2048, 3), dtype=jnp.float32)
    return {"xyz": xyz}


def reference(xyz):
    B, N, _ = xyz.shape
    # FPS centers (indices are discrete; gradient flows through gather)
    idxs = fps_indices(jax.lax.stop_gradient(xyz), NUM_GROUP)
    center = jnp.take_along_axis(xyz, idxs[:, :, None], axis=1)  # [B, G, 3]
    # KNN: k nearest points to each center
    dist = cdist(jax.lax.stop_gradient(center), jax.lax.stop_gradient(xyz))  # [B, G, N]
    _, knn_idx = jax.lax.top_k(-dist, GROUP_SIZE)  # [B, G, k]
    neighborhood = jnp.take_along_axis(xyz[:, None, :, :], knn_idx[..., None], axis=2)  # [B, G, k, 3]
    neighborhood = neighborhood - center[:, :, None, :]
    # morton-style greedy reordering of groups
    order = morton_order(jax.lax.stop_gradient(center))  # [B, G]
    neighborhood = jnp.take_along_axis(neighborhood, order[:, :, None, None], axis=1)
    center = jnp.take_along_axis(center, order[:, :, None], axis=1)
    return neighborhood, center

if __name__ == "__main__":
    import jax
    _d = setup_inputs()
    print(jax.jit(kernel)(*tuple(_d.values())))

</pallas_src>

<mosaic_0001>
#map = affine_map<(d0, d1) -> (0, 0)>
module attributes {stable_mosaic.version = 14 : i64} {
  func.func @_sc_body(%arg0: i32, %arg1: i32, %arg2: memref<64x2048xf32, #tpu.memory_space<hbm>>, %arg3: memref<64x2048xf32, #tpu.memory_space<hbm>>, %arg4: memref<64x2048xf32, #tpu.memory_space<hbm>>, %arg5: memref<64x12288xf32, #tpu.memory_space<hbm>>, %arg6: memref<64x384xf32, #tpu.memory_space<hbm>>, %arg7: memref<2048xf32, #tpu.memory_space<vmem>>, %arg8: memref<2048xf32, #tpu.memory_space<vmem>>, %arg9: memref<2048xf32, #tpu.memory_space<vmem>>, %arg10: memref<2048xf32, #tpu.memory_space<vmem>>, %arg11: memref<2048xf32, #tpu.memory_space<vmem>>, %arg12: memref<128xf32, #tpu.memory_space<vmem>>, %arg13: memref<128xf32, #tpu.memory_space<vmem>>, %arg14: memref<128xf32, #tpu.memory_space<vmem>>, %arg15: memref<128xf32, #tpu.memory_space<vmem>>, %arg16: memref<128xf32, #tpu.memory_space<vmem>>, %arg17: memref<128xi32, #tpu.memory_space<vmem>>, %arg18: memref<2048xf32, #tpu.memory_space<vmem>>, %arg19: memref<2048xf32, #tpu.memory_space<vmem>>, %arg20: memref<2048xf32, #tpu.memory_space<vmem>>, %arg21: memref<128xf32, #tpu.memory_space<vmem>>, %arg22: memref<128xf32, #tpu.memory_space<vmem>>, %arg23: memref<128xf32, #tpu.memory_space<vmem>>, %arg24: memref<12288xf32, #tpu.memory_space<vmem>>, %arg25: memref<384xf32, #tpu.memory_space<vmem>>) attributes {dimension_semantics = [#tpu.dimension_semantics<core_parallel>, #tpu.dimension_semantics<subcore_parallel>], iteration_bounds = array<i64: 2, 16>, scalar_prefetch = 0 : i64, scratch_operands = 19 : i64, tpu.core_type = #tpu.core_type<sc_vector_subcore>, window_params = [{transform_indices = #map}, {transform_indices = #map}, {transform_indices = #map}, {transform_indices = #map}, {transform_indices = #map}]} {
    %mul3A = arith.constant 2 : i32
    %mul3A_0 = arith.muli %arg1, %mul3A : i32
    %add3A = arith.addi %mul3A_0, %arg0 : i32
    %iota3A = tpu.iota {dimensions = array<i32: 0>} : vector<16xi32>
    %eq3A = arith.constant 0 : i32
    %eq3A_1 = vector.broadcast %eq3A : i32 to vector<16xi32>
    %eq3A_2 = arith.cmpi eq, %iota3A, %eq3A_1 : vector<16xi32>
    %scan3A = arith.constant 0 : i32
    %scan3A_3 = arith.constant 0 : i32
    %scan3A_4 = arith.constant 2 : i32
    %scan3A_5 = arith.addi %scan3A_3, %scan3A_4 : i32
    %scan3A_6 = arith.constant 1 : i32
    scf.for %scan3A_8 = %scan3A_3 to %scan3A_5 step %scan3A_6  : i32 {
      %mul3A_9 = arith.constant 2 : i32
      %mul3A_10 = arith.muli %add3A, %mul3A_9 : i32
      %add3A_11 = arith.addi %mul3A_10, %scan3A_8 : i32
      "tpu.region"() ({
        %run_scoped3A = tpu.sem_alloc : memref<!tpu.dma_semaphore, #tpu.memory_space<semaphore_mem>>
        %dma_start3A = arith.constant 0 : i32
        %dma_start3A_50 = tpu.memref_slice %arg2[%add3A_11, %dma_start3A] : memref<64x2048xf32, #tpu.memory_space<hbm>> -> memref<1x2048xf32, #tpu.memory_space<hbm>>
        %dma_start3A_51 = tpu.memref_squeeze %dma_start3A_50 : memref<1x2048xf32, #tpu.memory_space<hbm>> -> memref<2048xf32, #tpu.memory_space<hbm>>
        %dma_start3A_52 = arith.constant 0 : i32
        %dma_start3A_53 = tpu.memref_slice %arg2[%add3A_11, %dma_start3A_52] : memref<64x2048xf32, #tpu.memory_space<hbm>> -> memref<1x2048xf32, #tpu.memory_space<hbm>>
        %dma_start3A_54 = tpu.memref_squeeze %dma_start3A_53 : memref<1x2048xf32, #tpu.memory_space<hbm>> -> memref<2048xf32, #tpu.memory_space<hbm>>
        tpu.enqueue_dma source(%dma_start3A_54 : memref<2048xf32, #tpu.memory_space<hbm>>) target(%arg7 : memref<2048xf32, #tpu.memory_space<vmem>>) target_semaphore(%run_scoped3A : memref<!tpu.dma_semaphore, #tpu.memory_space<semaphore_mem>>)
        %dma_wait3A = arith.constant 0 : i32
        %dma_wait3A_55 = tpu.memref_slice %arg2[%add3A_11, %dma_wait3A] : memref<64x2048xf32, #tpu.memory_space<hbm>> -> memref<1x2048xf32, #tpu.memory_space<hbm>>
        %dma_wait3A_56 = tpu.memref_squeeze %dma_wait3A_55 : memref<1x2048xf32, #tpu.memory_space<hbm>> -> memref<2048xf32, #tpu.memory_space<hbm>>
        %dma_wait3A_57 = arith.constant 0 : i32
        %dma_wait3A_58 = tpu.memref_slice %arg2[%add3A_11, %dma_wait3A_57] : memref<64x2048xf32, #tpu.memory_space<hbm>> -> memref<1x2048xf32, #tpu.memory_space<hbm>>
        %dma_wait3A_59 = tpu.memref_squeeze %dma_wait3A_58 : memref<1x2048xf32, #tpu.memory_space<hbm>> -> memref<2048xf32, #tpu.memory_space<hbm>>
        tpu.wait_dma2 semaphore(%run_scoped3A : memref<!tpu.dma_semaphore, #tpu.memory_space<semaphore_mem>>) src(%dma_wait3A_59 : memref<2048xf32, #tpu.memory_space<hbm>>) dst(%arg7 : memref<2048xf32, #tpu.memory_space<vmem>>)
        tpu.yield
      }) : () -> ()
      "tpu.region"() ({
        %run_scoped3A = tpu.sem_alloc : memref<!tpu.dma_semaphore, #tpu.memory_space<semaphore_mem>>
        %dma_start3A = arith.constant 0 : i32
        %dma_start3A_50 = tpu.memref_slice %arg3[%add3A_11, %dma_start3A] : memref<64x2048xf32, #tpu.memory_space<hbm>> -> memref<1x2048xf32, #tpu.memory_space<hbm>>
        %dma_start3A_51 = tpu.memref_squeeze %dma_start3A_50 : memref<1x2048xf32, #tpu.memory_space<hbm>> -> memref<2048xf32, #tpu.memory_space<hbm>>
        %dma_start3A_52 = arith.constant 0 : i32
        %dma_start3A_53 = tpu.memref_slice %arg3[%add3A_11, %dma_start3A_52] : memref<64x2048xf32, #tpu.memory_space<hbm>> -> memref<1x2048xf32, #tpu.memory_space<hbm>>
        %dma_start3A_54 = tpu.memref_squeeze %dma_start3A_53 : memref<1x2048xf32, #tpu.memory_space<hbm>> -> memref<2048xf32, #tpu.memory_space<hbm>>
        tpu.enqueue_dma source(%dma_start3A_54 : memref<2048xf32, #tpu.memory_space<hbm>>) target(%arg8 : memref<2048xf32, #tpu.memory_space<vmem>>) target_semaphore(%run_scoped3A : memref<!tpu.dma_semaphore, #tpu.memory_space<semaphore_mem>>)
        %dma_wait3A = arith.constant 0 : i32
        %dma_wait3A_55 = tpu.memref_slice %arg3[%add3A_11, %dma_wait3A] : memref<64x2048xf32, #tpu.memory_space<hbm>> -> memref<1x2048xf32, #tpu.memory_space<hbm>>
        %dma_wait3A_56 = tpu.memref_squeeze %dma_wait3A_55 : memref<1x2048xf32, #tpu.memory_space<hbm>> -> memref<2048xf32, #tpu.memory_space<hbm>>
        %dma_wait3A_57 = arith.constant 0 : i32
        %dma_wait3A_58 = tpu.memref_slice %arg3[%add3A_11, %dma_wait3A_57] : memref<64x2048xf32, #tpu.memory_space<hbm>> -> memref<1x2048xf32, #tpu.memory_space<hbm>>
        %dma_wait3A_59 = tpu.memref_squeeze %dma_wait3A_58 : memref<1x2048xf32, #tpu.memory_space<hbm>> -> memref<2048xf32, #tpu.memory_space<hbm>>
        tpu.wait_dma2 semaphore(%run_scoped3A : memref<!tpu.dma_semaphore, #tpu.memory_space<semaphore_mem>>) src(%dma_wait3A_59 : memref<2048xf32, #tpu.memory_space<hbm>>) dst(%arg8 : memref<2048xf32, #tpu.memory_space<vmem>>)
        tpu.yield
      }) : () -> ()
      "tpu.region"() ({
        %run_scoped3A = tpu.sem_alloc : memref<!tpu.dma_semaphore, #tpu.memory_space<semaphore_mem>>
        %dma_start3A = arith.constant 0 : i32
        %dma_start3A_50 = tpu.memref_slice %arg4[%add3A_11, %dma_start3A] : memref<64x2048xf32, #tpu.memory_space<hbm>> -> memref<1x2048xf32, #tpu.memory_space<hbm>>
        %dma_start3A_51 = tpu.memref_squeeze %dma_start3A_50 : memref<1x2048xf32, #tpu.memory_space<hbm>> -> memref<2048xf32, #tpu.memory_space<hbm>>
        %dma_start3A_52 = arith.constant 0 : i32
        %dma_start3A_53 = tpu.memref_slice %arg4[%add3A_11, %dma_start3A_52] : memref<64x2048xf32, #tpu.memory_space<hbm>> -> memref<1x2048xf32, #tpu.memory_space<hbm>>
        %dma_start3A_54 = tpu.memref_squeeze %dma_start3A_53 : memref<1x2048xf32, #tpu.memory_space<hbm>> -> memref<2048xf32, #tpu.memory_space<hbm>>
        tpu.enqueue_dma source(%dma_start3A_54 : memref<2048xf32, #tpu.memory_space<hbm>>) target(%arg9 : memref<2048xf32, #tpu.memory_space<vmem>>) target_semaphore(%run_scoped3A : memref<!tpu.dma_semaphore, #tpu.memory_space<semaphore_mem>>)
        %dma_wait3A = arith.constant 0 : i32
        %dma_wait3A_55 = tpu.memref_slice %arg4[%add3A_11, %dma_wait3A] : memref<64x2048xf32, #tpu.memory_space<hbm>> -> memref<1x2048xf32, #tpu.memory_space<hbm>>
        %dma_wait3A_56 = tpu.memref_squeeze %dma_wait3A_55 : memref<1x2048xf32, #tpu.memory_space<hbm>> -> memref<2048xf32, #tpu.memory_space<hbm>>
        %dma_wait3A_57 = arith.constant 0 : i32
        %dma_wait3A_58 = tpu.memref_slice %arg4[%add3A_11, %dma_wait3A_57] : memref<64x2048xf32, #tpu.memory_space<hbm>> -> memref<1x2048xf32, #tpu.memory_space<hbm>>
        %dma_wait3A_59 = tpu.memref_squeeze %dma_wait3A_58 : memref<1x2048xf32, #tpu.memory_space<hbm>> -> memref<2048xf32, #tpu.memory_space<hbm>>
        tpu.wait_dma2 semaphore(%run_scoped3A : memref<!tpu.dma_semaphore, #tpu.memory_space<semaphore_mem>>) src(%dma_wait3A_59 : memref<2048xf32, #tpu.memory_space<hbm>>) dst(%arg9 : memref<2048xf32, #tpu.memory_space<vmem>>)
        tpu.yield
      }) : () -> ()
      %parallel_loop3A = arith.constant 0 : i32
      %parallel_loop3A_12 = arith.constant 128 : i32
      %parallel_loop3A_13 = arith.constant 1 : i32
      scf.for %parallel_loop3A_50 = %parallel_loop3A to %parallel_loop3A_12 step %parallel_loop3A_13  : i32 {
        %parallel_loop3A_51 = arith.constant 1.000000e+10 : f32
        %parallel_loop3A_52 = vector.broadcast %parallel_loop3A_51 : f32 to vector<16xf32>
        %parallel_loop3A_53 = arith.constant 16 : i32
        %parallel_loop3A_54 = arith.muli %parallel_loop3A_50, %parallel_loop3A_53 : i32
        %parallel_loop3A_55 = arith.index_cast %parallel_loop3A_54 : i32 to index
        %parallel_loop3A_56 = tpu.vector_load %arg10[%parallel_loop3A_55] {strides = array<i32>} : memref<2048xf32, #tpu.memory_space<vmem>>, vector<16xf32>,
        tpu.vector_store %arg10[%parallel_loop3A_55], %parallel_loop3A_52 {strides = array<i32>} : memref<2048xf32, #tpu.memory_space<vmem>>, vector<16xf32>,
      } {sc.loop_unroll_factor = 8 : i64, sc.parallel_access}
      %scan3A_14 = arith.constant 0 : i32
      %scan3A_15 = arith.constant 0 : i32
      %scan3A_16 = arith.constant 128 : i32
      %scan3A_17 = arith.addi %scan3A_15, %scan3A_16 : i32
      %scan3A_18 = arith.constant 1 : i32
      %scan3A_19 = scf.for %scan3A_50 = %scan3A_15 to %scan3A_17 step %scan3A_18 iter_args(%scan3A_51 = %scan3A_14) -> (i32)  : i32 {
        %broadcast_in_dim3A_52 = vector.broadcast %scan3A_51 : i32 to vector<16xi32>
        %gather3A = tpu.vector_load_idx %arg7[%broadcast_in_dim3A_52] : memref<2048xf32, #tpu.memory_space<vmem>>[vector<16xi32>], vector<16xf32>,
        %gather3A_53 = tpu.vector_load_idx %arg8[%broadcast_in_dim3A_52] : memref<2048xf32, #tpu.memory_space<vmem>>[vector<16xi32>], vector<16xf32>,
        %gather3A_54 = tpu.vector_load_idx %arg9[%broadcast_in_dim3A_52] : memref<2048xf32, #tpu.memory_space<vmem>>[vector<16xi32>], vector<16xf32>,
        %broadcast_in_dim3A_55 = vector.broadcast %scan3A_50 : i32 to vector<16xi32>
        tpu.vector_store_idx %arg12[%broadcast_in_dim3A_55], %gather3A masked %eq3A_2 : memref<128xf32, #tpu.memory_space<vmem>>[vector<16xi32>], vector<16xf32>, vector<16xi1>
        %broadcast_in_dim3A_56 = vector.broadcast %scan3A_50 : i32 to vector<16xi32>
        tpu.vector_store_idx %arg13[%broadcast_in_dim3A_56], %gather3A_53 masked %eq3A_2 : memref<128xf32, #tpu.memory_space<vmem>>[vector<16xi32>], vector<16xf32>, vector<16xi1>
        %broadcast_in_dim3A_57 = vector.broadcast %scan3A_50 : i32 to vector<16xi32>
        tpu.vector_store_idx %arg14[%broadcast_in_dim3A_57], %gather3A_54 masked %eq3A_2 : memref<128xf32, #tpu.memory_space<vmem>>[vector<16xi32>], vector<16xf32>, vector<16xi1>
        %broadcast_in_dim3A_58 = arith.constant -1.000000e+00 : f32
        %broadcast_in_dim3A_59 = vector.broadcast %broadcast_in_dim3A_58 : f32 to vector<16xf32>
        %broadcast_in_dim3A_60 = arith.constant 0 : i32
        %broadcast_in_dim3A_61 = vector.broadcast %broadcast_in_dim3A_60 : i32 to vector<16xi32>
        %parallel_loop3A_62 = arith.constant 0 : i32
        %parallel_loop3A_63 = arith.constant 32 : i32
        %parallel_loop3A_64 = arith.constant 1 : i32
        %parallel_loop3A_65:8 = scf.for %parallel_loop3A_98 = %parallel_loop3A_62 to %parallel_loop3A_63 step %parallel_loop3A_64 iter_args(%parallel_loop3A_99 = %broadcast_in_dim3A_59, %parallel_loop3A_100 = %broadcast_in_dim3A_61, %parallel_loop3A_101 = %broadcast_in_dim3A_59, %parallel_loop3A_102 = %broadcast_in_dim3A_61, %parallel_loop3A_103 = %broadcast_in_dim3A_59, %parallel_loop3A_104 = %broadcast_in_dim3A_61, %parallel_loop3A_105 = %broadcast_in_dim3A_59, %parallel_loop3A_106 = %broadcast_in_dim3A_61) -> (vector<16xf32>, vector<16xi32>, vector<16xf32>, vector<16xi32>, vector<16xf32>, vector<16xi32>, vector<16xf32>, vector<16xi32>)  : i32 {
          %parallel_loop3A_107 = arith.constant 4 : i32
          %parallel_loop3A_108 = arith.muli %parallel_loop3A_98, %parallel_loop3A_107 : i32
          %parallel_loop3A_109 = arith.constant 0 : i32
          %parallel_loop3A_110 = arith.addi %parallel_loop3A_108, %parallel_loop3A_109 : i32
          %parallel_loop3A_111 = arith.constant 16 : i32
          %parallel_loop3A_112 = arith.muli %parallel_loop3A_110, %parallel_loop3A_111 : i32
          %parallel_loop3A_113 = arith.index_cast %parallel_loop3A_112 : i32 to index
          %parallel_loop3A_114 = tpu.vector_load %arg7[%parallel_loop3A_113] {strides = array<i32>} : memref<2048xf32, #tpu.memory_space<vmem>>, vector<16xf32>,
          %parallel_loop3A_115 = arith.subf %parallel_loop3A_114, %gather3A : vector<16xf32>
          %parallel_loop3A_116 = arith.index_cast %parallel_loop3A_112 : i32 to index
          %parallel_loop3A_117 = tpu.vector_load %arg8[%parallel_loop3A_116] {strides = array<i32>} : memref<2048xf32, #tpu.memory_space<vmem>>, vector<16xf32>,
          %parallel_loop3A_118 = arith.subf %parallel_loop3A_117, %gather3A_53 : vector<16xf32>
          %parallel_loop3A_119 = arith.index_cast %parallel_loop3A_112 : i32 to index
          %parallel_loop3A_120 = tpu.vector_load %arg9[%parallel_loop3A_119] {strides = array<i32>} : memref<2048xf32, #tpu.memory_space<vmem>>, vector<16xf32>,
          %parallel_loop3A_121 = arith.subf %parallel_loop3A_120, %gather3A_54 : vector<16xf32>
          %parallel_loop3A_122 = arith.mulf %parallel_loop3A_115, %parallel_loop3A_115 : vector<16xf32>
          %parallel_loop3A_123 = arith.mulf %parallel_loop3A_118, %parallel_loop3A_118 : vector<16xf32>
          %parallel_loop3A_124 = arith.addf %parallel_loop3A_122, %parallel_loop3A_123 : vector<16xf32>
          %parallel_loop3A_125 = arith.mulf %parallel_loop3A_121, %parallel_loop3A_121 : vector<16xf32>
          %parallel_loop3A_126 = arith.addf %parallel_loop3A_124, %parallel_loop3A_125 : vector<16xf32>
          %parallel_loop3A_127 = arith.index_cast %parallel_loop3A_112 : i32 to index
          %parallel_loop3A_128 = tpu.vector_load %arg10[%parallel_loop3A_127] {strides = array<i32>} : memref<2048xf32, #tpu.memory_space<vmem>>, vector<16xf32>,
          %parallel_loop3A_129 = arith.minimumf %parallel_loop3A_128, %parallel_loop3A_126 : vector<16xf32>
          %parallel_loop3A_130 = arith.index_cast %parallel_loop3A_112 : i32 to index
          %parallel_loop3A_131 = tpu.vector_load %arg10[%parallel_loop3A_130] {strides = array<i32>} : memref<2048xf32, #tpu.memory_space<vmem>>, vector<16xf32>,
          tpu.vector_store %arg10[%parallel_loop3A_130], %parallel_loop3A_129 {strides = array<i32>} : memref<2048xf32, #tpu.memory_space<vmem>>, vector<16xf32>,
          %parallel_loop3A_132 = arith.cmpf ogt, %parallel_loop3A_129, %parallel_loop3A_99 : vector<16xf32>
          %parallel_loop3A_133 = arith.select %parallel_loop3A_132, %parallel_loop3A_129, %parallel_loop3A_99 : vector<16xi1>, vector<16xf32>
          %parallel_loop3A_134 = vector.broadcast %parallel_loop3A_112 : i32 to vector<16xi32>
          %parallel_loop3A_135 = arith.addi %iota3A, %parallel_loop3A_134 : vector<16xi32>
          %parallel_loop3A_136 = arith.select %parallel_loop3A_132, %parallel_loop3A_135, %parallel_loop3A_100 : vector<16xi1>, vector<16xi32>
          %parallel_loop3A_137 = arith.constant 4 : i32
          %parallel_loop3A_138 = arith.muli %parallel_loop3A_98, %parallel_loop3A_137 : i32
          %parallel_loop3A_139 = arith.constant 1 : i32
          %parallel_loop3A_140 = arith.addi %parallel_loop3A_138, %parallel_loop3A_139 : i32
          %parallel_loop3A_141 = arith.constant 16 : i32
          %parallel_loop3A_142 = arith.muli %parallel_loop3A_140, %parallel_loop3A_141 : i32
          %parallel_loop3A_143 = arith.index_cast %parallel_loop3A_142 : i32 to index
          %parallel_loop3A_144 = tpu.vector_load %arg7[%parallel_loop3A_143] {strides = array<i32>} : memref<2048xf32, #tpu.memory_space<vmem>>, vector<16xf32>,
          %parallel_loop3A_145 = arith.subf %parallel_loop3A_144, %gather3A : vector<16xf32>
          %parallel_loop3A_146 = arith.index_cast %parallel_loop3A_142 : i32 to index
          %parallel_loop3A_147 = tpu.vector_load %arg8[%parallel_loop3A_146] {strides = array<i32>} : memref<2048xf32, #tpu.memory_space<vmem>>, vector<16xf32>,
          %parallel_loop3A_148 = arith.subf %parallel_loop3A_147, %gather3A_53 : vector<16xf32>
          %parallel_loop3A_149 = arith.index_cast %parallel_loop3A_142 : i32 to index
          %parallel_loop3A_150 = tpu.vector_load %arg9[%parallel_loop3A_149] {strides = array<i32>} : memref<2048xf32, #tpu.memory_space<vmem>>, vector<16xf32>,
          %parallel_loop3A_151 = arith.subf %parallel_loop3A_150, %gather3A_54 : vector<16xf32>
          %parallel_loop3A_152 = arith.mulf %parallel_loop3A_145, %parallel_loop3A_145 : vector<16xf32>
          %parallel_loop3A_153 = arith.mulf %parallel_loop3A_148, %parallel_loop3A_148 : vector<16xf32>
          %parallel_loop3A_154 = arith.addf %parallel_loop3A_152, %parallel_loop3A_153 : vector<16xf32>
          %parallel_loop3A_155 = arith.mulf %parallel_loop3A_151, %parallel_loop3A_151 : vector<16xf32>
          %parallel_loop3A_156 = arith.addf %parallel_loop3A_154, %parallel_loop3A_155 : vector<16xf32>
          %parallel_loop3A_157 = arith.index_cast %parallel_loop3A_142 : i32 to index
          %parallel_loop3A_158 = tpu.vector_load %arg10[%parallel_loop3A_157] {strides = array<i32>} : memref<2048xf32, #tpu.memory_space<vmem>>, vector<16xf32>,
          %parallel_loop3A_159 = arith.minimumf %parallel_loop3A_158, %parallel_loop3A_156 : vector<16xf32>
          %parallel_loop3A_160 = arith.index_cast %parallel_loop3A_142 : i32 to index
          %parallel_loop3A_161 = tpu.vector_load %arg10[%parallel_loop3A_160] {strides = array<i32>} : memref<2048xf32, #tpu.memory_space<vmem>>, vector<16xf32>,
          tpu.vector_store %arg10[%parallel_loop3A_160], %parallel_loop3A_159 {strides = array<i32>} : memref<2048xf32, #tpu.memory_space<vmem>>, vector<16xf32>,
          %parallel_loop3A_162 = arith.cmpf ogt, %parallel_loop3A_159, %parallel_loop3A_101 : vector<16xf32>
          %parallel_loop3A_163 = arith.select %parallel_loop3A_162, %parallel_loop3A_159, %parallel_loop3A_101 : vector<16xi1>, vector<16xf32>
          %parallel_loop3A_164 = vector.broadcast %parallel_loop3A_142 : i32 to vector<16xi32>
          %parallel_loop3A_165 = arith.addi %iota3A, %parallel_loop3A_164 : vector<16xi32>
          %parallel_loop3A_166 = arith.select %parallel_loop3A_162, %parallel_loop3A_165, %parallel_loop3A_102 : vector<16xi1>, vector<16xi32>
          %parallel_loop3A_167 = arith.constant 4 : i32
          %parallel_loop3A_168 = arith.muli %parallel_loop3A_98, %parallel_loop3A_167 : i32
          %parallel_loop3A_169 = arith.constant 2 : i32
          %parallel_loop3A_170 = arith.addi %parallel_loop3A_168, %parallel_loop3A_169 : i32
          %parallel_loop3A_171 = arith.constant 16 : i32
          %parallel_loop3A_172 = arith.muli %parallel_loop3A_170, %parallel_loop3A_171 : i32
          %parallel_loop3A_173 = arith.index_cast %parallel_loop3A_172 : i32 to index
          %parallel_loop3A_174 = tpu.vector_load %arg7[%parallel_loop3A_173] {strides = array<i32>} : memref<2048xf32, #tpu.memory_space<vmem>>, vector<16xf32>,
          %parallel_loop3A_175 = arith.subf %parallel_loop3A_174, %gather3A : vector<16xf32>
          %parallel_loop3A_176 = arith.index_cast %parallel_loop3A_172 : i32 to index
          %parallel_loop3A_177 = tpu.vector_load %arg8[%parallel_loop3A_176] {strides = array<i32>} : memref<2048xf32, #tpu.memory_space<vmem>>, vector<16xf32>,
          %parallel_loop3A_178 = arith.subf %parallel_loop3A_177, %gather3A_53 : vector<16xf32>
          %parallel_loop3A_179 = arith.index_cast %parallel_loop3A_172 : i32 to index
          %parallel_loop3A_180 = tpu.vector_load %arg9[%parallel_loop3A_179] {strides = array<i32>} : memref<2048xf32, #tpu.memory_space<vmem>>, vector<16xf32>,
          %parallel_loop3A_181 = arith.subf %parallel_loop3A_180, %gather3A_54 : vector<16xf32>
          %parallel_loop3A_182 = arith.mulf %parallel_loop3A_175, %parallel_loop3A_175 : vector<16xf32>
          %parallel_loop3A_183 = arith.mulf %parallel_loop3A_178, %parallel_loop3A_178 : vector<16xf32>
          %parallel_loop3A_184 = arith.addf %parallel_loop3A_182, %parallel_loop3A_183 : vector<16xf32>
          %parallel_loop3A_185 = arith.mulf %parallel_loop3A_181, %parallel_loop3A_181 : vector<16xf32>
          %parallel_loop3A_186 = arith.addf %parallel_loop3A_184, %parallel_loop3A_185 : vector<16xf32>
          %parallel_loop3A_187 = arith.index_cast %parallel_loop3A_172 : i32 to index
          %parallel_loop3A_188 = tpu.vector_load %arg10[%parallel_loop3A_187] {strides = array<i32>} : memref<2048xf32, #tpu.memory_space<vmem>>, vector<16xf32>,
          %parallel_loop3A_189 = arith.minimumf %parallel_loop3A_188, %parallel_loop3A_186 : vector<16xf32>
          %parallel_loop3A_190 = arith.index_cast %parallel_loop3A_172 : i32 to index
          %parallel_loop3A_191 = tpu.vector_load %arg10[%parallel_loop3A_190] {strides = array<i32>} : memref<2048xf32, #tpu.memory_space<vmem>>, vector<16xf32>,
          tpu.vector_store %arg10[%parallel_loop3A_190], %parallel_loop3A_189 {strides = array<i32>} : memref<2048xf32, #tpu.memory_space<vmem>>, vector<16xf32>,
          %parallel_loop3A_192 = arith.cmpf ogt, %parallel_loop3A_189, %parallel_loop3A_103 : vector<16xf32>
          %parallel_loop3A_193 = arith.select %parallel_loop3A_192, %parallel_loop3A_189, %parallel_loop3A_103 : vector<16xi1>, vector<16xf32>
          %parallel_loop3A_194 = vector.broadcast %parallel_loop3A_172 : i32 to vector<16xi32>
          %parallel_loop3A_195 = arith.addi %iota3A, %parallel_loop3A_194 : vector<16xi32>
          %parallel_loop3A_196 = arith.select %parallel_loop3A_192, %parallel_loop3A_195, %parallel_loop3A_104 : vector<16xi1>, vector<16xi32>
          %parallel_loop3A_197 = arith.constant 4 : i32
          %parallel_loop3A_198 = arith.muli %parallel_loop3A_98, %parallel_loop3A_197 : i32
          %parallel_loop3A_199 = arith.constant 3 : i32
          %parallel_loop3A_200 = arith.addi %parallel_loop3A_198, %parallel_loop3A_199 : i32
          %parallel_loop3A_201 = arith.constant 16 : i32
          %parallel_loop3A_202 = arith.muli %parallel_loop3A_200, %parallel_loop3A_201 : i32
          %parallel_loop3A_203 = arith.index_cast %parallel_loop3A_202 : i32 to index
          %parallel_loop3A_204 = tpu.vector_load %arg7[%parallel_loop3A_203] {strides = array<i32>} : memref<2048xf32, #tpu.memory_space<vmem>>, vector<16xf32>,
          %parallel_loop3A_205 = arith.subf %parallel_loop3A_204, %gather3A : vector<16xf32>
          %parallel_loop3A_206 = arith.index_cast %parallel_loop3A_202 : i32 to index
          %parallel_loop3A_207 = tpu.vector_load %arg8[%parallel_loop3A_206] {strides = array<i32>} : memref<2048xf32, #tpu.memory_space<vmem>>, vector<16xf32>,
          %parallel_loop3A_208 = arith.subf %parallel_loop3A_207, %gather3A_53 : vector<16xf32>
          %parallel_loop3A_209 = arith.index_cast %parallel_loop3A_202 : i32 to index
          %parallel_loop3A_210 = tpu.vector_load %arg9[%parallel_loop3A_209] {strides = array<i32>} : memref<2048xf32, #tpu.memory_space<vmem>>, vector<16xf32>,
          %parallel_loop3A_211 = arith.subf %parallel_loop3A_210, %gather3A_54 : vector<16xf32>
          %parallel_loop3A_212 = arith.mulf %parallel_loop3A_205, %parallel_loop3A_205 : vector<16xf32>
          %parallel_loop3A_213 = arith.mulf %parallel_loop3A_208, %parallel_loop3A_208 : vector<16xf32>
          %parallel_loop3A_214 = arith.addf %parallel_loop3A_212, %parallel_loop3A_213 : vector<16xf32>
          %parallel_loop3A_215 = arith.mulf %parallel_loop3A_211, %parallel_loop3A_211 : vector<16xf32>
          %parallel_loop3A_216 = arith.addf %parallel_loop3A_214, %parallel_loop3A_215 : vector<16xf32>
          %parallel_loop3A_217 = arith.index_cast %parallel_loop3A_202 : i32 to index
          %parallel_loop3A_218 = tpu.vector_load %arg10[%parallel_loop3A_217] {strides = array<i32>} : memref<2048xf32, #tpu.memory_space<vmem>>, vector<16xf32>,
          %parallel_loop3A_219 = arith.minimumf %parallel_loop3A_218, %parallel_loop3A_216 : vector<16xf32>
          %parallel_loop3A_220 = arith.index_cast %parallel_loop3A_202 : i32 to index
          %parallel_loop3A_221 = tpu.vector_load %arg10[%parallel_loop3A_220] {strides = array<i32>} : memref<2048xf32, #tpu.memory_space<vmem>>, vector<16xf32>,
          tpu.vector_store %arg10[%parallel_loop3A_220], %parallel_loop3A_219 {strides = array<i32>} : memref<2048xf32, #tpu.memory_space<vmem>>, vector<16xf32>,
          %parallel_loop3A_222 = arith.cmpf ogt, %parallel_loop3A_219, %parallel_loop3A_105 : vector<16xf32>
          %parallel_loop3A_223 = arith.select %parallel_loop3A_222, %parallel_loop3A_219, %parallel_loop3A_105 : vector<16xi1>, vector<16xf32>
          %parallel_loop3A_224 = vector.broadcast %parallel_loop3A_202 : i32 to vector<16xi32>
          %parallel_loop3A_225 = arith.addi %iota3A, %parallel_loop3A_224 : vector<16xi32>
          %parallel_loop3A_226 = arith.select %parallel_loop3A_222, %parallel_loop3A_225, %parallel_loop3A_106 : vector<16xi1>, vector<16xi32>
          scf.yield %parallel_loop3A_133, %parallel_loop3A_136, %parallel_loop3A_163, %parallel_loop3A_166, %parallel_loop3A_193, %parallel_loop3A_196, %parallel_loop3A_223, %parallel_loop3A_226 : vector<16xf32>, vector<16xi32>, vector<16xf32>, vector<16xi32>, vector<16xf32>, vector<16xi32>, vector<16xf32>, vector<16xi32>
        } {sc.loop_unroll_factor = 2 : i64, sc.parallel_access}
        %max3A = arith.maximumf %parallel_loop3A_65#0, %parallel_loop3A_65#2 : vector<16xf32>
        %max3A_66 = arith.maximumf %parallel_loop3A_65#4, %parallel_loop3A_65#6 : vector<16xf32>
        %max3A_67 = arith.maximumf %max3A, %max3A_66 : vector<16xf32>
        %reduce_max3A = arith.constant true
        %reduce_max3A_68 = vector.broadcast %reduce_max3A : i1 to vector<16xi1>
        %reduce_max3A_69 = tpu.scan <max>, %max3A_67 masked %reduce_max3A_68 : vector<16xf32>, vector<16xi1> -> vector<16xf32>
        %reduce_max3A_70 = vector.extract %reduce_max3A_69[15] : f32 from vector<16xf32>
        %eq3A_71 = vector.broadcast %reduce_max3A_70 : f32 to vector<16xf32>
        %eq3A_72 = arith.cmpf oeq, %parallel_loop3A_65#0, %eq3A_71 : vector<16xf32>
        %jit3A = arith.constant 2048 : i32
        %broadcast_in_dim3A_73 = vector.broadcast %jit3A : i32 to vector<16xi32>
        %select_n3A = arith.select %eq3A_72, %parallel_loop3A_65#1, %broadcast_in_dim3A_73 : vector<16xi1>, vector<16xi32>
        %eq3A_74 = vector.broadcast %reduce_max3A_70 : f32 to vector<16xf32>
        %eq3A_75 = arith.cmpf oeq, %parallel_loop3A_65#2, %eq3A_74 : vector<16xf32>
        %jit3A_76 = arith.constant 2048 : i32
        %broadcast_in_dim3A_77 = vector.broadcast %jit3A_76 : i32 to vector<16xi32>
        %select_n3A_78 = arith.select %eq3A_75, %parallel_loop3A_65#3, %broadcast_in_dim3A_77 : vector<16xi1>, vector<16xi32>
        %min3A = arith.minsi %select_n3A, %select_n3A_78 : vector<16xi32>
        %eq3A_79 = vector.broadcast %reduce_max3A_70 : f32 to vector<16xf32>
        %eq3A_80 = arith.cmpf oeq, %parallel_loop3A_65#4, %eq3A_79 : vector<16xf32>
        %jit3A_81 = arith.constant 2048 : i32
        %broadcast_in_dim3A_82 = vector.broadcast %jit3A_81 : i32 to vector<16xi32>
        %select_n3A_83 = arith.select %eq3A_80, %parallel_loop3A_65#5, %broadcast_in_dim3A_82 : vector<16xi1>, vector<16xi32>
        %eq3A_84 = vector.broadcast %reduce_max3A_70 : f32 to vector<16xf32>
        %eq3A_85 = arith.cmpf oeq, %parallel_loop3A_65#6, %eq3A_84 : vector<16xf32>
        %jit3A_86 = arith.constant 2048 : i32
        %broadcast_in_dim3A_87 = vector.broadcast %jit3A_86 : i32 to vector<16xi32>
        %select_n3A_88 = arith.select %eq3A_85, %parallel_loop3A_65#7, %broadcast_in_dim3A_87 : vector<16xi1>, vector<16xi32>
        %min3A_89 = arith.minsi %select_n3A_83, %select_n3A_88 : vector<16xi32>
        %min3A_90 = arith.minsi %min3A, %min3A_89 : vector<16xi32>
        %reduce_min3A = arith.constant true
        %reduce_min3A_91 = vector.broadcast %reduce_min3A : i1 to vector<16xi1>
        %reduce_min3A_92 = arith.constant -2147483648 : i32
        %reduce_min3A_93 = vector.broadcast %reduce_min3A_92 : i32 to vector<16xi32>
        %reduce_min3A_94 = arith.xori %min3A_90, %reduce_min3A_93 : vector<16xi32>
        %reduce_min3A_95 = tpu.scan <min>, %reduce_min3A_94 masked %reduce_min3A_91 : vector<16xi32>, vector<16xi1> -> vector<16xi32>
        %reduce_min3A_96 = arith.xori %reduce_min3A_95, %reduce_min3A_93 : vector<16xi32>
        %reduce_min3A_97 = vector.extract %reduce_min3A_96[15] : i32 from vector<16xi32>
        scf.yield %reduce_min3A_97 : i32
      }
      %scan3A_20 = arith.constant 128 : i32
      %parallel_loop3A_21 = arith.constant 0 : i32
      %parallel_loop3A_22 = arith.constant 8 : i32
      %parallel_loop3A_23 = arith.constant 1 : i32
      scf.for %parallel_loop3A_50 = %parallel_loop3A_21 to %parallel_loop3A_22 step %parallel_loop3A_23  : i32 {
        %parallel_loop3A_51 = arith.constant 16 : i32
        %parallel_loop3A_52 = arith.muli %parallel_loop3A_50, %parallel_loop3A_51 : i32
        %parallel_loop3A_53 = arith.index_cast %parallel_loop3A_52 : i32 to index
        %parallel_loop3A_54 = tpu.vector_load %arg12[%parallel_loop3A_53] {strides = array<i32>} : memref<128xf32, #tpu.memory_space<vmem>>, vector<16xf32>,
        %parallel_loop3A_55 = arith.index_cast %parallel_loop3A_52 : i32 to index
        %parallel_loop3A_56 = tpu.vector_load %arg13[%parallel_loop3A_55] {strides = array<i32>} : memref<128xf32, #tpu.memory_space<vmem>>, vector<16xf32>,
        %parallel_loop3A_57 = arith.index_cast %parallel_loop3A_52 : i32 to index
        %parallel_loop3A_58 = tpu.vector_load %arg14[%parallel_loop3A_57] {strides = array<i32>} : memref<128xf32, #tpu.memory_space<vmem>>, vector<16xf32>,
        %parallel_loop3A_59 = arith.mulf %parallel_loop3A_54, %parallel_loop3A_54 : vector<16xf32>
        %parallel_loop3A_60 = arith.mulf %parallel_loop3A_56, %parallel_loop3A_56 : vector<16xf32>
        %parallel_loop3A_61 = arith.addf %parallel_loop3A_59, %parallel_loop3A_60 : vector<16xf32>
        %parallel_loop3A_62 = arith.mulf %parallel_loop3A_58, %parallel_loop3A_58 : vector<16xf32>
        %parallel_loop3A_63 = arith.addf %parallel_loop3A_61, %parallel_loop3A_62 : vector<16xf32>
        %parallel_loop3A_64 = arith.index_cast %parallel_loop3A_52 : i32 to index
        %parallel_loop3A_65 = tpu.vector_load %arg15[%parallel_loop3A_64] {strides = array<i32>} : memref<128xf32, #tpu.memory_space<vmem>>, vector<16xf32>,
        tpu.vector_store %arg15[%parallel_loop3A_64], %parallel_loop3A_63 {strides = array<i32>} : memref<128xf32, #tpu.memory_space<vmem>>, vector<16xf32>,
      } {sc.loop_unroll_factor = 4 : i64, sc.parallel_access}
      %parallel_loop3A_24 = arith.constant 0 : i32
      %parallel_loop3A_25 = arith.constant 128 : i32
      %parallel_loop3A_26 = arith.constant 1 : i32
      scf.for %parallel_loop3A_50 = %parallel_loop3A_24 to %parallel_loop3A_25 step %parallel_loop3A_26  : i32 {
        %parallel_loop3A_51 = arith.constant 16 : i32
        %parallel_loop3A_52 = arith.muli %parallel_loop3A_50, %parallel_loop3A_51 : i32
        %parallel_loop3A_53 = arith.index_cast %parallel_loop3A_52 : i32 to index
        %parallel_loop3A_54 = tpu.vector_load %arg7[%parallel_loop3A_53] {strides = array<i32>} : memref<2048xf32, #tpu.memory_space<vmem>>, vector<16xf32>,
        %parallel_loop3A_55 = arith.index_cast %parallel_loop3A_52 : i32 to index
        %parallel_loop3A_56 = tpu.vector_load %arg8[%parallel_loop3A_55] {strides = array<i32>} : memref<2048xf32, #tpu.memory_space<vmem>>, vector<16xf32>,
        %parallel_loop3A_57 = arith.index_cast %parallel_loop3A_52 : i32 to index
        %parallel_loop3A_58 = tpu.vector_load %arg9[%parallel_loop3A_57] {strides = array<i32>} : memref<2048xf32, #tpu.memory_space<vmem>>, vector<16xf32>,
        %parallel_loop3A_59 = arith.mulf %parallel_loop3A_54, %parallel_loop3A_54 : vector<16xf32>
        %parallel_loop3A_60 = arith.mulf %parallel_loop3A_56, %parallel_loop3A_56 : vector<16xf32>
        %parallel_loop3A_61 = arith.addf %parallel_loop3A_59, %parallel_loop3A_60 : vector<16xf32>
        %parallel_loop3A_62 = arith.mulf %parallel_loop3A_58, %parallel_loop3A_58 : vector<16xf32>
        %parallel_loop3A_63 = arith.addf %parallel_loop3A_61, %parallel_loop3A_62 : vector<16xf32>
        %parallel_loop3A_64 = arith.index_cast %parallel_loop3A_52 : i32 to index
        %parallel_loop3A_65 = tpu.vector_load %arg11[%parallel_loop3A_64] {strides = array<i32>} : memref<2048xf32, #tpu.memory_space<vmem>>, vector<16xf32>,
        tpu.vector_store %arg11[%parallel_loop3A_64], %parallel_loop3A_63 {strides = array<i32>} : memref<2048xf32, #tpu.memory_space<vmem>>, vector<16xf32>,
        %parallel_loop3A_66 = tpu.bitcast %parallel_loop3A_54 : vector<16xf32> -> vector<16xi32>
        %parallel_loop3A_67 = arith.constant 32767 : i32
        %parallel_loop3A_68 = vector.broadcast %parallel_loop3A_67 : i32 to vector<16xi32>
        %parallel_loop3A_69 = arith.addi %parallel_loop3A_66, %parallel_loop3A_68 : vector<16xi32>
        %parallel_loop3A_70 = arith.constant 16 : i32
        %parallel_loop3A_71 = vector.broadcast %parallel_loop3A_70 : i32 to vector<16xi32>
        %parallel_loop3A_72 = arith.shrui %parallel_loop3A_66, %parallel_loop3A_71 : vector<16xi32>
        %parallel_loop3A_73 = arith.constant 1 : i32
        %parallel_loop3A_74 = vector.broadcast %parallel_loop3A_73 : i32 to vector<16xi32>
        %parallel_loop3A_75 = arith.andi %parallel_loop3A_72, %parallel_loop3A_74 : vector<16xi32>
        %parallel_loop3A_76 = arith.addi %parallel_loop3A_69, %parallel_loop3A_75 : vector<16xi32>
        %parallel_loop3A_77 = arith.constant -65536 : i32
        %parallel_loop3A_78 = vector.broadcast %parallel_loop3A_77 : i32 to vector<16xi32>
        %parallel_loop3A_79 = arith.andi %parallel_loop3A_76, %parallel_loop3A_78 : vector<16xi32>
        %parallel_loop3A_80 = tpu.bitcast %parallel_loop3A_79 : vector<16xi32> -> vector<16xf32>
        %parallel_loop3A_81 = arith.index_cast %parallel_loop3A_52 : i32 to index
        %parallel_loop3A_82 = tpu.vector_load %arg18[%parallel_loop3A_81] {strides = array<i32>} : memref<2048xf32, #tpu.memory_space<vmem>>, vector<16xf32>,
        tpu.vector_store %arg18[%parallel_loop3A_81], %parallel_loop3A_80 {strides = array<i32>} : memref<2048xf32, #tpu.memory_space<vmem>>, vector<16xf32>,
        %parallel_loop3A_83 = tpu.bitcast %parallel_loop3A_56 : vector<16xf32> -> vector<16xi32>
        %parallel_loop3A_84 = arith.constant 32767 : i32
        %parallel_loop3A_85 = vector.broadcast %parallel_loop3A_84 : i32 to vector<16xi32>
        %parallel_loop3A_86 = arith.addi %parallel_loop3A_83, %parallel_loop3A_85 : vector<16xi32>
        %parallel_loop3A_87 = arith.constant 16 : i32
        %parallel_loop3A_88 = vector.broadcast %parallel_loop3A_87 : i32 to vector<16xi32>
        %parallel_loop3A_89 = arith.shrui %parallel_loop3A_83, %parallel_loop3A_88 : vector<16xi32>
        %parallel_loop3A_90 = arith.constant 1 : i32
        %parallel_loop3A_91 = vector.broadcast %parallel_loop3A_90 : i32 to vector<16xi32>
        %parallel_loop3A_92 = arith.andi %parallel_loop3A_89, %parallel_loop3A_91 : vector<16xi32>
        %parallel_loop3A_93 = arith.addi %parallel_loop3A_86, %parallel_loop3A_92 : vector<16xi32>
        %parallel_loop3A_94 = arith.constant -65536 : i32
        %parallel_loop3A_95 = vector.broadcast %parallel_loop3A_94 : i32 to vector<16xi32>
        %parallel_loop3A_96 = arith.andi %parallel_loop3A_93, %parallel_loop3A_95 : vector<16xi32>
        %parallel_loop3A_97 = tpu.bitcast %parallel_loop3A_96 : vector<16xi32> -> vector<16xf32>
        %parallel_loop3A_98 = arith.index_cast %parallel_loop3A_52 : i32 to index
        %parallel_loop3A_99 = tpu.vector_load %arg19[%parallel_loop3A_98] {strides = array<i32>} : memref<2048xf32, #tpu.memory_space<vmem>>, vector<16xf32>,
        tpu.vector_store %arg19[%parallel_loop3A_98], %parallel_loop3A_97 {strides = array<i32>} : memref<2048xf32, #tpu.memory_space<vmem>>, vector<16xf32>,
        %parallel_loop3A_100 = tpu.bitcast %parallel_loop3A_58 : vector<16xf32> -> vector<16xi32>
        %parallel_loop3A_101 = arith.constant 32767 : i32
        %parallel_loop3A_102 = vector.broadcast %parallel_loop3A_101 : i32 to vector<16xi32>
        %parallel_loop3A_103 = arith.addi %parallel_loop3A_100, %parallel_loop3A_102 : vector<16xi32>
        %parallel_loop3A_104 = arith.constant 16 : i32
        %parallel_loop3A_105 = vector.broadcast %parallel_loop3A_104 : i32 to vector<16xi32>
        %parallel_loop3A_106 = arith.shrui %parallel_loop3A_100, %parallel_loop3A_105 : vector<16xi32>
        %parallel_loop3A_107 = arith.constant 1 : i32
        %parallel_loop3A_108 = vector.broadcast %parallel_loop3A_107 : i32 to vector<16xi32>
        %parallel_loop3A_109 = arith.andi %parallel_loop3A_106, %parallel_loop3A_108 : vector<16xi32>
        %parallel_loop3A_110 = arith.addi %parallel_loop3A_103, %parallel_loop3A_109 : vector<16xi32>
        %parallel_loop3A_111 = arith.constant -65536 : i32
        %parallel_loop3A_112 = vector.broadcast %parallel_loop3A_111 : i32 to vector<16xi32>
        %parallel_loop3A_113 = arith.andi %parallel_loop3A_110, %parallel_loop3A_112 : vector<16xi32>
        %parallel_loop3A_114 = tpu.bitcast %parallel_loop3A_113 : vector<16xi32> -> vector<16xf32>
        %parallel_loop3A_115 = arith.index_cast %parallel_loop3A_52 : i32 to index
        %parallel_loop3A_116 = tpu.vector_load %arg20[%parallel_loop3A_115] {strides = array<i32>} : memref<2048xf32, #tpu.memory_space<vmem>>, vector<16xf32>,
        tpu.vector_store %arg20[%parallel_loop3A_115], %parallel_loop3A_114 {strides = array<i32>} : memref<2048xf32, #tpu.memory_space<vmem>>, vector<16xf32>,
      } {sc.loop_unroll_factor = 8 : i64, sc.parallel_access}
      %parallel_loop3A_27 = arith.constant 0 : i32
      %parallel_loop3A_28 = arith.constant 8 : i32
      %parallel_loop3A_29 = arith.constant 1 : i32
      scf.for %parallel_loop3A_50 = %parallel_loop3A_27 to %parallel_loop3A_28 step %parallel_loop3A_29  : i32 {
        %parallel_loop3A_51 = arith.constant 16 : i32
        %parallel_loop3A_52 = arith.muli %parallel_loop3A_50, %parallel_loop3A_51 : i32
        %parallel_loop3A_53 = arith.index_cast %parallel_loop3A_52 : i32 to index
        %parallel_loop3A_54 = tpu.vector_load %arg12[%parallel_loop3A_53] {strides = array<i32>} : memref<128xf32, #tpu.memory_space<vmem>>, vector<16xf32>,
        %parallel_loop3A_55 = tpu.bitcast %parallel_loop3A_54 : vector<16xf32> -> vector<16xi32>
        %parallel_loop3A_56 = arith.constant 32767 : i32
        %parallel_loop3A_57 = vector.broadcast %parallel_loop3A_56 : i32 to vector<16xi32>
        %parallel_loop3A_58 = arith.addi %parallel_loop3A_55, %parallel_loop3A_57 : vector<16xi32>
        %parallel_loop3A_59 = arith.constant 16 : i32
        %parallel_loop3A_60 = vector.broadcast %parallel_loop3A_59 : i32 to vector<16xi32>
        %parallel_loop3A_61 = arith.shrui %parallel_loop3A_55, %parallel_loop3A_60 : vector<16xi32>
        %parallel_loop3A_62 = arith.constant 1 : i32
        %parallel_loop3A_63 = vector.broadcast %parallel_loop3A_62 : i32 to vector<16xi32>
        %parallel_loop3A_64 = arith.andi %parallel_loop3A_61, %parallel_loop3A_63 : vector<16xi32>
        %parallel_loop3A_65 = arith.addi %parallel_loop3A_58, %parallel_loop3A_64 : vector<16xi32>
        %parallel_loop3A_66 = arith.constant -65536 : i32
        %parallel_loop3A_67 = vector.broadcast %parallel_loop3A_66 : i32 to vector<16xi32>
        %parallel_loop3A_68 = arith.andi %parallel_loop3A_65, %parallel_loop3A_67 : vector<16xi32>
        %parallel_loop3A_69 = tpu.bitcast %parallel_loop3A_68 : vector<16xi32> -> vector<16xf32>
        %parallel_loop3A_70 = arith.index_cast %parallel_loop3A_52 : i32 to index
        %parallel_loop3A_71 = tpu.vector_load %arg21[%parallel_loop3A_70] {strides = array<i32>} : memref<128xf32, #tpu.memory_space<vmem>>, vector<16xf32>,
        tpu.vector_store %arg21[%parallel_loop3A_70], %parallel_loop3A_69 {strides = array<i32>} : memref<128xf32, #tpu.memory_space<vmem>>, vector<16xf32>,
        %parallel_loop3A_72 = arith.index_cast %parallel_loop3A_52 : i32 to index
        %parallel_loop3A_73 = tpu.vector_load %arg13[%parallel_loop3A_72] {strides = array<i32>} : memref<128xf32, #tpu.memory_space<vmem>>, vector<16xf32>,
        %parallel_loop3A_74 = tpu.bitcast %parallel_loop3A_73 : vector<16xf32> -> vector<16xi32>
        %parallel_loop3A_75 = arith.constant 32767 : i32
        %parallel_loop3A_76 = vector.broadcast %parallel_loop3A_75 : i32 to vector<16xi32>
        %parallel_loop3A_77 = arith.addi %parallel_loop3A_74, %parallel_loop3A_76 : vector<16xi32>
        %parallel_loop3A_78 = arith.constant 16 : i32
        %parallel_loop3A_79 = vector.broadcast %parallel_loop3A_78 : i32 to vector<16xi32>
        %parallel_loop3A_80 = arith.shrui %parallel_loop3A_74, %parallel_loop3A_79 : vector<16xi32>
        %parallel_loop3A_81 = arith.constant 1 : i32
        %parallel_loop3A_82 = vector.broadcast %parallel_loop3A_81 : i32 to vector<16xi32>
        %parallel_loop3A_83 = arith.andi %parallel_loop3A_80, %parallel_loop3A_82 : vector<16xi32>
        %parallel_loop3A_84 = arith.addi %parallel_loop3A_77, %parallel_loop3A_83 : vector<16xi32>
        %parallel_loop3A_85 = arith.constant -65536 : i32
        %parallel_loop3A_86 = vector.broadcast %parallel_loop3A_85 : i32 to vector<16xi32>
        %parallel_loop3A_87 = arith.andi %parallel_loop3A_84, %parallel_loop3A_86 : vector<16xi32>
        %parallel_loop3A_88 = tpu.bitcast %parallel_loop3A_87 : vector<16xi32> -> vector<16xf32>
        %parallel_loop3A_89 = arith.index_cast %parallel_loop3A_52 : i32 to index
        %parallel_loop3A_90 = tpu.vector_load %arg22[%parallel_loop3A_89] {strides = array<i32>} : memref<128xf32, #tpu.memory_space<vmem>>, vector<16xf32>,
        tpu.vector_store %arg22[%parallel_loop3A_89], %parallel_loop3A_88 {strides = array<i32>} : memref<128xf32, #tpu.memory_space<vmem>>, vector<16xf32>,
        %parallel_loop3A_91 = arith.index_cast %parallel_loop3A_52 : i32 to index
        %parallel_loop3A_92 = tpu.vector_load %arg14[%parallel_loop3A_91] {strides = array<i32>} : memref<128xf32, #tpu.memory_space<vmem>>, vector<16xf32>,
        %parallel_loop3A_93 = tpu.bitcast %parallel_loop3A_92 : vector<16xf32> -> vector<16xi32>
        %parallel_loop3A_94 = arith.constant 32767 : i32
        %parallel_loop3A_95 = vector.broadcast %parallel_loop3A_94 : i32 to vector<16xi32>
        %parallel_loop3A_96 = arith.addi %parallel_loop3A_93, %parallel_loop3A_95 : vector<16xi32>
        %parallel_loop3A_97 = arith.constant 16 : i32
        %parallel_loop3A_98 = vector.broadcast %parallel_loop3A_97 : i32 to vector<16xi32>
        %parallel_loop3A_99 = arith.shrui %parallel_loop3A_93, %parallel_loop3A_98 : vector<16xi32>
        %parallel_loop3A_100 = arith.constant 1 : i32
        %parallel_loop3A_101 = vector.broadcast %parallel_loop3A_100 : i32 to vector<16xi32>
        %parallel_loop3A_102 = arith.andi %parallel_loop3A_99, %parallel_loop3A_101 : vector<16xi32>
        %parallel_loop3A_103 = arith.addi %parallel_loop3A_96, %parallel_loop3A_102 : vector<16xi32>
        %parallel_loop3A_104 = arith.constant -65536 : i32
        %parallel_loop3A_105 = vector.broadcast %parallel_loop3A_104 : i32 to vector<16xi32>
        %parallel_loop3A_106 = arith.andi %parallel_loop3A_103, %parallel_loop3A_105 : vector<16xi32>
        %parallel_loop3A_107 = tpu.bitcast %parallel_loop3A_106 : vector<16xi32> -> vector<16xf32>
        %parallel_loop3A_108 = arith.index_cast %parallel_loop3A_52 : i32 to index
        %parallel_loop3A_109 = tpu.vector_load %arg23[%parallel_loop3A_108] {strides = array<i32>} : memref<128xf32, #tpu.memory_space<vmem>>, vector<16xf32>,
        tpu.vector_store %arg23[%parallel_loop3A_108], %parallel_loop3A_107 {strides = array<i32>} : memref<128xf32, #tpu.memory_space<vmem>>, vector<16xf32>,
      } {sc.loop_unroll_factor = 4 : i64, sc.parallel_access}
      %parallel_loop3A_30 = arith.constant 0 : i32
      %parallel_loop3A_31 = arith.constant 8 : i32
      %parallel_loop3A_32 = arith.constant 1 : i32
      scf.for %parallel_loop3A_50 = %parallel_loop3A_30 to %parallel_loop3A_31 step %parallel_loop3A_32  : i32 {
        %parallel_loop3A_51 = arith.constant 0.000000e+00 : f32
        %parallel_loop3A_52 = vector.broadcast %parallel_loop3A_51 : f32 to vector<16xf32>
        %parallel_loop3A_53 = arith.constant 16 : i32
        %parallel_loop3A_54 = arith.muli %parallel_loop3A_50, %parallel_loop3A_53 : i32
        %parallel_loop3A_55 = arith.index_cast %parallel_loop3A_54 : i32 to index
        %parallel_loop3A_56 = tpu.vector_load %arg16[%parallel_loop3A_55] {strides = array<i32>} : memref<128xf32, #tpu.memory_space<vmem>>, vector<16xf32>,
        tpu.vector_store %arg16[%parallel_loop3A_55], %parallel_loop3A_52 {strides = array<i32>} : memref<128xf32, #tpu.memory_space<vmem>>, vector<16xf32>,
      } {sc.loop_unroll_factor = 4 : i64, sc.parallel_access}
      %broadcast_in_dim3A = arith.constant 3.000000e+38 : f32
      %broadcast_in_dim3A_33 = vector.broadcast %broadcast_in_dim3A : f32 to vector<16xf32>
      %broadcast_in_dim3A_34 = arith.constant 0 : i32
      %broadcast_in_dim3A_35 = vector.broadcast %broadcast_in_dim3A_34 : i32 to vector<16xi32>
      tpu.vector_store_idx %arg16[%broadcast_in_dim3A_35], %broadcast_in_dim3A_33 masked %eq3A_2 : memref<128xf32, #tpu.memory_space<vmem>>[vector<16xi32>], vector<16xf32>, vector<16xi1>
      %broadcast_in_dim3A_36 = arith.constant 0 : i32
      %broadcast_in_dim3A_37 = vector.broadcast %broadcast_in_dim3A_36 : i32 to vector<16xi32>
      %broadcast_in_dim3A_38 = arith.constant 0 : i32
      %broadcast_in_dim3A_39 = vector.broadcast %broadcast_in_dim3A_38 : i32 to vector<16xi32>
      tpu.vector_store_idx %arg17[%broadcast_in_dim3A_39], %broadcast_in_dim3A_37 masked %eq3A_2 : memref<128xi32, #tpu.memory_space<vmem>>[vector<16xi32>], vector<16xi32>, vector<16xi1>
      %scan3A_40 = arith.constant 0 : i32
      %scan3A_41 = arith.constant 1 : i32
      %scan3A_42 = arith.constant 127 : i32
      %scan3A_43 = arith.addi %scan3A_41, %scan3A_42 : i32
      %scan3A_44 = arith.constant 1 : i32
      %scan3A_45 = scf.for %scan3A_50 = %scan3A_41 to %scan3A_43 step %scan3A_44 iter_args(%scan3A_51 = %scan3A_40) -> (i32)  : i32 {
        %broadcast_in_dim3A_52 = vector.broadcast %scan3A_51 : i32 to vector<16xi32>
        %gather3A = tpu.vector_load_idx %arg21[%broadcast_in_dim3A_52] : memref<128xf32, #tpu.memory_space<vmem>>[vector<16xi32>], vector<16xf32>,
        %gather3A_53 = tpu.vector_load_idx %arg22[%broadcast_in_dim3A_52] : memref<128xf32, #tpu.memory_space<vmem>>[vector<16xi32>], vector<16xf32>,
        %gather3A_54 = tpu.vector_load_idx %arg23[%broadcast_in_dim3A_52] : memref<128xf32, #tpu.memory_space<vmem>>[vector<16xi32>], vector<16xf32>,
        %gather3A_55 = tpu.vector_load_idx %arg15[%broadcast_in_dim3A_52] : memref<128xf32, #tpu.memory_space<vmem>>[vector<16xi32>], vector<16xf32>,
        %broadcast_in_dim3A_56 = arith.constant 0x7F800000 : f32
        %broadcast_in_dim3A_57 = vector.broadcast %broadcast_in_dim3A_56 : f32 to vector<16xf32>
        %broadcast_in_dim3A_58 = arith.constant 0 : i32
        %broadcast_in_dim3A_59 = vector.broadcast %broadcast_in_dim3A_58 : i32 to vector<16xi32>
        %parallel_loop3A_60 = arith.constant 0 : i32
        %parallel_loop3A_61 = arith.constant 8 : i32
        %parallel_loop3A_62 = arith.constant 1 : i32
        %parallel_loop3A_63:2 = scf.for %parallel_loop3A_83 = %parallel_loop3A_60 to %parallel_loop3A_61 step %parallel_loop3A_62 iter_args(%parallel_loop3A_84 = %broadcast_in_dim3A_57, %parallel_loop3A_85 = %broadcast_in_dim3A_59) -> (vector<16xf32>, vector<16xi32>)  : i32 {
          %parallel_loop3A_86 = arith.constant 16 : i32
          %parallel_loop3A_87 = arith.muli %parallel_loop3A_83, %parallel_loop3A_86 : i32
          %parallel_loop3A_88 = arith.index_cast %parallel_loop3A_87 : i32 to index
          %parallel_loop3A_89 = tpu.vector_load %arg21[%parallel_loop3A_88] {strides = array<i32>} : memref<128xf32, #tpu.memory_space<vmem>>, vector<16xf32>,
          %parallel_loop3A_90 = arith.index_cast %parallel_loop3A_87 : i32 to index
          %parallel_loop3A_91 = tpu.vector_load %arg22[%parallel_loop3A_90] {strides = array<i32>} : memref<128xf32, #tpu.memory_space<vmem>>, vector<16xf32>,
          %parallel_loop3A_92 = arith.index_cast %parallel_loop3A_87 : i32 to index
          %parallel_loop3A_93 = tpu.vector_load %arg23[%parallel_loop3A_92] {strides = array<i32>} : memref<128xf32, #tpu.memory_space<vmem>>, vector<16xf32>,
          %parallel_loop3A_94 = arith.mulf %gather3A, %parallel_loop3A_89 : vector<16xf32>
          %parallel_loop3A_95 = arith.mulf %gather3A_53, %parallel_loop3A_91 : vector<16xf32>
          %parallel_loop3A_96 = arith.mulf %gather3A_54, %parallel_loop3A_93 : vector<16xf32>
          %parallel_loop3A_97 = arith.addf %parallel_loop3A_94, %parallel_loop3A_95 : vector<16xf32>
          %parallel_loop3A_98 = arith.subf %parallel_loop3A_97, %parallel_loop3A_94 : vector<16xf32>
          %parallel_loop3A_99 = arith.subf %parallel_loop3A_97, %parallel_loop3A_98 : vector<16xf32>
          %parallel_loop3A_100 = arith.subf %parallel_loop3A_94, %parallel_loop3A_99 : vector<16xf32>
          %parallel_loop3A_101 = arith.subf %parallel_loop3A_95, %parallel_loop3A_98 : vector<16xf32>
          %parallel_loop3A_102 = arith.addf %parallel_loop3A_100, %parallel_loop3A_101 : vector<16xf32>
          %parallel_loop3A_103 = arith.addf %parallel_loop3A_97, %parallel_loop3A_96 : vector<16xf32>
          %parallel_loop3A_104 = arith.subf %parallel_loop3A_103, %parallel_loop3A_97 : vector<16xf32>
          %parallel_loop3A_105 = arith.subf %parallel_loop3A_103, %parallel_loop3A_104 : vector<16xf32>
          %parallel_loop3A_106 = arith.subf %parallel_loop3A_97, %parallel_loop3A_105 : vector<16xf32>
          %parallel_loop3A_107 = arith.subf %parallel_loop3A_96, %parallel_loop3A_104 : vector<16xf32>
          %parallel_loop3A_108 = arith.addf %parallel_loop3A_106, %parallel_loop3A_107 : vector<16xf32>
          %parallel_loop3A_109 = arith.addf %parallel_loop3A_102, %parallel_loop3A_108 : vector<16xf32>
          %parallel_loop3A_110 = arith.addf %parallel_loop3A_103, %parallel_loop3A_109 : vector<16xf32>
          %parallel_loop3A_111 = arith.index_cast %parallel_loop3A_87 : i32 to index
          %parallel_loop3A_112 = tpu.vector_load %arg15[%parallel_loop3A_111] {strides = array<i32>} : memref<128xf32, #tpu.memory_space<vmem>>, vector<16xf32>,
          %parallel_loop3A_113 = arith.addf %gather3A_55, %parallel_loop3A_112 : vector<16xf32>
          %parallel_loop3A_114 = arith.constant 2.000000e+00 : f32
          %parallel_loop3A_115 = vector.broadcast %parallel_loop3A_114 : f32 to vector<16xf32>
          %parallel_loop3A_116 = arith.mulf %parallel_loop3A_115, %parallel_loop3A_110 : vector<16xf32>
          %parallel_loop3A_117 = arith.subf %parallel_loop3A_113, %parallel_loop3A_116 : vector<16xf32>
          %parallel_loop3A_118 = arith.constant 0.000000e+00 : f32
          %parallel_loop3A_119 = vector.broadcast %parallel_loop3A_118 : f32 to vector<16xf32>
          %parallel_loop3A_120 = arith.maximumf %parallel_loop3A_117, %parallel_loop3A_119 : vector<16xf32>
          %parallel_loop3A_121 = arith.index_cast %parallel_loop3A_87 : i32 to index
          %parallel_loop3A_122 = tpu.vector_load %arg16[%parallel_loop3A_121] {strides = array<i32>} : memref<128xf32, #tpu.memory_space<vmem>>, vector<16xf32>,
          %parallel_loop3A_123 = arith.constant 0.000000e+00 : f32
          %parallel_loop3A_124 = vector.broadcast %parallel_loop3A_123 : f32 to vector<16xf32>
          %parallel_loop3A_125 = arith.cmpf ogt, %parallel_loop3A_122, %parallel_loop3A_124 : vector<16xf32>
          %parallel_loop3A_126 = arith.constant 3.000000e+38 : f32
          %parallel_loop3A_127 = vector.broadcast %parallel_loop3A_126 : f32 to vector<16xf32>
          %parallel_loop3A_128 = arith.select %parallel_loop3A_125, %parallel_loop3A_127, %parallel_loop3A_120 : vector<16xi1>, vector<16xf32>
          %parallel_loop3A_129 = arith.cmpf olt, %parallel_loop3A_128, %parallel_loop3A_84 : vector<16xf32>
          %parallel_loop3A_130 = arith.select %parallel_loop3A_129, %parallel_loop3A_128, %parallel_loop3A_84 : vector<16xi1>, vector<16xf32>
          %parallel_loop3A_131 = vector.broadcast %parallel_loop3A_87 : i32 to vector<16xi32>
          %parallel_loop3A_132 = arith.addi %iota3A, %parallel_loop3A_131 : vector<16xi32>
          %parallel_loop3A_133 = arith.select %parallel_loop3A_129, %parallel_loop3A_132, %parallel_loop3A_85 : vector<16xi1>, vector<16xi32>
          scf.yield %parallel_loop3A_130, %parallel_loop3A_133 : vector<16xf32>, vector<16xi32>
        } {sc.loop_unroll_factor = 4 : i64, sc.parallel_access}
        %reduce_min3A = arith.constant true
        %reduce_min3A_64 = vector.broadcast %reduce_min3A : i1 to vector<16xi1>
        %reduce_min3A_65 = tpu.scan <min>, %parallel_loop3A_63#0 masked %reduce_min3A_64 : vector<16xf32>, vector<16xi1> -> vector<16xf32>
        %reduce_min3A_66 = vector.extract %reduce_min3A_65[15] : f32 from vector<16xf32>
        %eq3A_67 = vector.broadcast %reduce_min3A_66 : f32 to vector<16xf32>
        %eq3A_68 = arith.cmpf oeq, %parallel_loop3A_63#0, %eq3A_67 : vector<16xf32>
        %jit3A = arith.constant 128 : i32
        %broadcast_in_dim3A_69 = vector.broadcast %jit3A : i32 to vector<16xi32>
        %select_n3A = arith.select %eq3A_68, %parallel_loop3A_63#1, %broadcast_in_dim3A_69 : vector<16xi1>, vector<16xi32>
        %reduce_min3A_70 = arith.constant true
        %reduce_min3A_71 = vector.broadcast %reduce_min3A_70 : i1 to vector<16xi1>
        %reduce_min3A_72 = arith.constant -2147483648 : i32
        %reduce_min3A_73 = vector.broadcast %reduce_min3A_72 : i32 to vector<16xi32>
        %reduce_min3A_74 = arith.xori %select_n3A, %reduce_min3A_73 : vector<16xi32>
        %reduce_min3A_75 = tpu.scan <min>, %reduce_min3A_74 masked %reduce_min3A_71 : vector<16xi32>, vector<16xi1> -> vector<16xi32>
        %reduce_min3A_76 = arith.xori %reduce_min3A_75, %reduce_min3A_73 : vector<16xi32>
        %reduce_min3A_77 = vector.extract %reduce_min3A_76[15] : i32 from vector<16xi32>
        %broadcast_in_dim3A_78 = arith.constant 3.000000e+38 : f32
        %broadcast_in_dim3A_79 = vector.broadcast %broadcast_in_dim3A_78 : f32 to vector<16xf32>
        %broadcast_in_dim3A_80 = vector.broadcast %reduce_min3A_77 : i32 to vector<16xi32>
        tpu.vector_store_idx %arg16[%broadcast_in_dim3A_80], %broadcast_in_dim3A_79 masked %eq3A_2 : memref<128xf32, #tpu.memory_space<vmem>>[vector<16xi32>], vector<16xf32>, vector<16xi1>
        %broadcast_in_dim3A_81 = vector.broadcast %reduce_min3A_77 : i32 to vector<16xi32>
        %broadcast_in_dim3A_82 = vector.broadcast %scan3A_50 : i32 to vector<16xi32>
        tpu.vector_store_idx %arg17[%broadcast_in_dim3A_82], %broadcast_in_dim3A_81 masked %eq3A_2 : memref<128xi32, #tpu.memory_space<vmem>>[vector<16xi32>], vector<16xi32>, vector<16xi1>
        scf.yield %reduce_min3A_77 : i32
      }
      %scan3A_46 = arith.constant 127 : i32
      %parallel_loop3A_47 = arith.constant 0 : i32
      %parallel_loop3A_48 = arith.constant 128 : i32
      %parallel_loop3A_49 = arith.constant 1 : i32
      scf.for %parallel_loop3A_50 = %parallel_loop3A_47 to %parallel_loop3A_48 step %parallel_loop3A_49  : i32 {
        %parallel_loop3A_51 = vector.broadcast %parallel_loop3A_50 : i32 to vector<16xi32>
        %parallel_loop3A_52 = tpu.vector_load_idx %arg17[%parallel_loop3A_51] : memref<128xi32, #tpu.memory_space<vmem>>[vector<16xi32>], vector<16xi32>,
        %parallel_loop3A_53 = tpu.vector_load_idx %arg12[%parallel_loop3A_52] : memref<128xf32, #tpu.memory_space<vmem>>[vector<16xi32>], vector<16xf32>,
        %parallel_loop3A_54 = tpu.vector_load_idx %arg13[%parallel_loop3A_52] : memref<128xf32, #tpu.memory_space<vmem>>[vector<16xi32>], vector<16xf32>,
        %parallel_loop3A_55 = tpu.vector_load_idx %arg14[%parallel_loop3A_52] : memref<128xf32, #tpu.memory_space<vmem>>[vector<16xi32>], vector<16xf32>,
        %parallel_loop3A_56 = tpu.vector_load_idx %arg15[%parallel_loop3A_52] : memref<128xf32, #tpu.memory_space<vmem>>[vector<16xi32>], vector<16xf32>,
        %parallel_loop3A_57 = tpu.vector_load_idx %arg21[%parallel_loop3A_52] : memref<128xf32, #tpu.memory_space<vmem>>[vector<16xi32>], vector<16xf32>,
        %parallel_loop3A_58 = tpu.vector_load_idx %arg22[%parallel_loop3A_52] : memref<128xf32, #tpu.memory_space<vmem>>[vector<16xi32>], vector<16xf32>,
        %parallel_loop3A_59 = tpu.vector_load_idx %arg23[%parallel_loop3A_52] : memref<128xf32, #tpu.memory_space<vmem>>[vector<16xi32>], vector<16xf32>,
        %parallel_loop3A_60 = arith.constant 3.000000e+38 : f32
        %parallel_loop3A_61 = vector.broadcast %parallel_loop3A_60 : f32 to vector<16xf32>
        %parallel_loop3A_62 = arith.constant 3.000000e+38 : f32
        %parallel_loop3A_63 = vector.broadcast %parallel_loop3A_62 : f32 to vector<16xf32>
        %parallel_loop3A_64 = arith.constant 0 : i32
        %parallel_loop3A_65 = vector.broadcast %parallel_loop3A_64 : i32 to vector<16xi32>
        %parallel_loop3A_66 = arith.constant 0 : i32
        %parallel_loop3A_67 = vector.broadcast %parallel_loop3A_66 : i32 to vector<16xi32>
        %parallel_loop3A_68 = arith.constant 0 : i32
        %parallel_loop3A_69 = arith.constant 32 : i32
        %parallel_loop3A_70 = arith.constant 1 : i32
        %parallel_loop3A_71:16 = scf.for %parallel_loop3A_242 = %parallel_loop3A_68 to %parallel_loop3A_69 step %parallel_loop3A_70 iter_args(%parallel_loop3A_243 = %parallel_loop3A_61, %parallel_loop3A_244 = %parallel_loop3A_63, %parallel_loop3A_245 = %parallel_loop3A_65, %parallel_loop3A_246 = %parallel_loop3A_67, %parallel_loop3A_247 = %parallel_loop3A_61, %parallel_loop3A_248 = %parallel_loop3A_63, %parallel_loop3A_249 = %parallel_loop3A_65, %parallel_loop3A_250 = %parallel_loop3A_67, %parallel_loop3A_251 = %parallel_loop3A_61, %parallel_loop3A_252 = %parallel_loop3A_63, %parallel_loop3A_253 = %parallel_loop3A_65, %parallel_loop3A_254 = %parallel_loop3A_67, %parallel_loop3A_255 = %parallel_loop3A_61, %parallel_loop3A_256 = %parallel_loop3A_63, %parallel_loop3A_257 = %parallel_loop3A_65, %parallel_loop3A_258 = %parallel_loop3A_67) -> (vector<16xf32>, vector<16xf32>, vector<16xi32>, vector<16xi32>, vector<16xf32>, vector<16xf32>, vector<16xi32>, vector<16xi32>, vector<16xf32>, vector<16xf32>, vector<16xi32>, vector<16xi32>, vector<16xf32>, vector<16xf32>, vector<16xi32>, vector<16xi32>)  : i32 {
          %parallel_loop3A_259 = arith.constant 4 : i32
          %parallel_loop3A_260 = arith.muli %parallel_loop3A_242, %parallel_loop3A_259 : i32
          %parallel_loop3A_261 = arith.constant 0 : i32
          %parallel_loop3A_262 = arith.addi %parallel_loop3A_260, %parallel_loop3A_261 : i32
          %parallel_loop3A_263 = arith.constant 16 : i32
          %parallel_loop3A_264 = arith.muli %parallel_loop3A_262, %parallel_loop3A_263 : i32
          %parallel_loop3A_265 = arith.index_cast %parallel_loop3A_264 : i32 to index
          %parallel_loop3A_266 = tpu.vector_load %arg18[%parallel_loop3A_265] {strides = array<i32>} : memref<2048xf32, #tpu.memory_space<vmem>>, vector<16xf32>,
          %parallel_loop3A_267 = arith.index_cast %parallel_loop3A_264 : i32 to index
          %parallel_loop3A_268 = tpu.vector_load %arg19[%parallel_loop3A_267] {strides = array<i32>} : memref<2048xf32, #tpu.memory_space<vmem>>, vector<16xf32>,
          %parallel_loop3A_269 = arith.index_cast %parallel_loop3A_264 : i32 to index
          %parallel_loop3A_270 = tpu.vector_load %arg20[%parallel_loop3A_269] {strides = array<i32>} : memref<2048xf32, #tpu.memory_space<vmem>>, vector<16xf32>,
          %parallel_loop3A_271 = arith.mulf %parallel_loop3A_57, %parallel_loop3A_266 : vector<16xf32>
          %parallel_loop3A_272 = arith.mulf %parallel_loop3A_58, %parallel_loop3A_268 : vector<16xf32>
          %parallel_loop3A_273 = arith.mulf %parallel_loop3A_59, %parallel_loop3A_270 : vector<16xf32>
          %parallel_loop3A_274 = arith.addf %parallel_loop3A_271, %parallel_loop3A_272 : vector<16xf32>
          %parallel_loop3A_275 = arith.subf %parallel_loop3A_274, %parallel_loop3A_271 : vector<16xf32>
          %parallel_loop3A_276 = arith.subf %parallel_loop3A_274, %parallel_loop3A_275 : vector<16xf32>
          %parallel_loop3A_277 = arith.subf %parallel_loop3A_271, %parallel_loop3A_276 : vector<16xf32>
          %parallel_loop3A_278 = arith.subf %parallel_loop3A_272, %parallel_loop3A_275 : vector<16xf32>
          %parallel_loop3A_279 = arith.addf %parallel_loop3A_277, %parallel_loop3A_278 : vector<16xf32>
          %parallel_loop3A_280 = arith.addf %parallel_loop3A_274, %parallel_loop3A_273 : vector<16xf32>
          %parallel_loop3A_281 = arith.subf %parallel_loop3A_280, %parallel_loop3A_274 : vector<16xf32>
          %parallel_loop3A_282 = arith.subf %parallel_loop3A_280, %parallel_loop3A_281 : vector<16xf32>
          %parallel_loop3A_283 = arith.subf %parallel_loop3A_274, %parallel_loop3A_282 : vector<16xf32>
          %parallel_loop3A_284 = arith.subf %parallel_loop3A_273, %parallel_loop3A_281 : vector<16xf32>
          %parallel_loop3A_285 = arith.addf %parallel_loop3A_283, %parallel_loop3A_284 : vector<16xf32>
          %parallel_loop3A_286 = arith.addf %parallel_loop3A_279, %parallel_loop3A_285 : vector<16xf32>
          %parallel_loop3A_287 = arith.addf %parallel_loop3A_280, %parallel_loop3A_286 : vector<16xf32>
          %parallel_loop3A_288 = arith.index_cast %parallel_loop3A_264 : i32 to index
          %parallel_loop3A_289 = tpu.vector_load %arg11[%parallel_loop3A_288] {strides = array<i32>} : memref<2048xf32, #tpu.memory_space<vmem>>, vector<16xf32>,
          %parallel_loop3A_290 = arith.addf %parallel_loop3A_56, %parallel_loop3A_289 : vector<16xf32>
          %parallel_loop3A_291 = arith.constant 2.000000e+00 : f32
          %parallel_loop3A_292 = vector.broadcast %parallel_loop3A_291 : f32 to vector<16xf32>
          %parallel_loop3A_293 = arith.mulf %parallel_loop3A_292, %parallel_loop3A_287 : vector<16xf32>
          %parallel_loop3A_294 = arith.subf %parallel_loop3A_290, %parallel_loop3A_293 : vector<16xf32>
          %parallel_loop3A_295 = arith.constant 0.000000e+00 : f32
          %parallel_loop3A_296 = vector.broadcast %parallel_loop3A_295 : f32 to vector<16xf32>
          %parallel_loop3A_297 = arith.maximumf %parallel_loop3A_294, %parallel_loop3A_296 : vector<16xf32>
          %parallel_loop3A_298 = vector.broadcast %parallel_loop3A_264 : i32 to vector<16xi32>
          %parallel_loop3A_299 = arith.addi %iota3A, %parallel_loop3A_298 : vector<16xi32>
          %parallel_loop3A_300 = arith.constant dense<true> : vector<16xi1>
          %parallel_loop3A_301, %parallel_loop3A_302, %parallel_loop3A_303 = tpu.sort %parallel_loop3A_297, %parallel_loop3A_299 masked %parallel_loop3A_300 : (vector<16xf32>, vector<16xi32>, vector<16xi1>) -> (vector<16xi1>, vector<16xf32>, vector<16xi32>)
          %parallel_loop3A_304 = arith.constant 15 : i32
          %parallel_loop3A_305 = vector.broadcast %parallel_loop3A_304 : i32 to vector<16xi32>
          %parallel_loop3A_306 = tpu.iota {dimensions = array<i32: 0>} : vector<16xi32>
          %parallel_loop3A_307 = arith.subi %parallel_loop3A_305, %parallel_loop3A_306 : vector<16xi32>
          %parallel_loop3A_308 = tpu.dynamic_gather %parallel_loop3A_302[%parallel_loop3A_307] in [0] : vector<16xf32>, vector<16xi32> -> vector<16xf32>
          %parallel_loop3A_309 = arith.constant 15 : i32
          %parallel_loop3A_310 = vector.broadcast %parallel_loop3A_309 : i32 to vector<16xi32>
          %parallel_loop3A_311 = tpu.iota {dimensions = array<i32: 0>} : vector<16xi32>
          %parallel_loop3A_312 = arith.subi %parallel_loop3A_310, %parallel_loop3A_311 : vector<16xi32>
          %parallel_loop3A_313 = tpu.dynamic_gather %parallel_loop3A_303[%parallel_loop3A_312] in [0] : vector<16xi32>, vector<16xi32> -> vector<16xi32>
          %parallel_loop3A_314 = arith.cmpf olt, %parallel_loop3A_244, %parallel_loop3A_308 : vector<16xf32>
          %parallel_loop3A_315 = arith.select %parallel_loop3A_314, %parallel_loop3A_244, %parallel_loop3A_308 : vector<16xi1>, vector<16xf32>
          %parallel_loop3A_316 = arith.select %parallel_loop3A_314, %parallel_loop3A_246, %parallel_loop3A_313 : vector<16xi1>, vector<16xi32>
          %parallel_loop3A_317 = arith.constant dense<true> : vector<16xi1>
          %parallel_loop3A_318, %parallel_loop3A_319, %parallel_loop3A_320 = tpu.sort %parallel_loop3A_315, %parallel_loop3A_316 masked %parallel_loop3A_317 : (vector<16xf32>, vector<16xi32>, vector<16xi1>) -> (vector<16xi1>, vector<16xf32>, vector<16xi32>)
          %parallel_loop3A_321 = arith.constant 15 : i32
          %parallel_loop3A_322 = vector.broadcast %parallel_loop3A_321 : i32 to vector<16xi32>
          %parallel_loop3A_323 = tpu.iota {dimensions = array<i32: 0>} : vector<16xi32>
          %parallel_loop3A_324 = arith.subi %parallel_loop3A_322, %parallel_loop3A_323 : vector<16xi32>
          %parallel_loop3A_325 = tpu.dynamic_gather %parallel_loop3A_319[%parallel_loop3A_324] in [0] : vector<16xf32>, vector<16xi32> -> vector<16xf32>
          %parallel_loop3A_326 = arith.constant 15 : i32
          %parallel_loop3A_327 = vector.broadcast %parallel_loop3A_326 : i32 to vector<16xi32>
          %parallel_loop3A_328 = tpu.iota {dimensions = array<i32: 0>} : vector<16xi32>
          %parallel_loop3A_329 = arith.subi %parallel_loop3A_327, %parallel_loop3A_328 : vector<16xi32>
          %parallel_loop3A_330 = tpu.dynamic_gather %parallel_loop3A_320[%parallel_loop3A_329] in [0] : vector<16xi32>, vector<16xi32> -> vector<16xi32>
          %parallel_loop3A_331 = arith.cmpf olt, %parallel_loop3A_243, %parallel_loop3A_325 : vector<16xf32>
          %parallel_loop3A_332 = arith.select %parallel_loop3A_331, %parallel_loop3A_243, %parallel_loop3A_325 : vector<16xi1>, vector<16xf32>
          %parallel_loop3A_333 = arith.select %parallel_loop3A_331, %parallel_loop3A_245, %parallel_loop3A_330 : vector<16xi1>, vector<16xi32>
          %parallel_loop3A_334 = arith.select %parallel_loop3A_331, %parallel_loop3A_325, %parallel_loop3A_243 : vector<16xi1>, vector<16xf32>
          %parallel_loop3A_335 = arith.select %parallel_loop3A_331, %parallel_loop3A_330, %parallel_loop3A_245 : vector<16xi1>, vector<16xi32>
          %parallel_loop3A_336 = arith.constant dense<true> : vector<16xi1>
          %parallel_loop3A_337, %parallel_loop3A_338, %parallel_loop3A_339 = tpu.sort %parallel_loop3A_332, %parallel_loop3A_333 masked %parallel_loop3A_336 : (vector<16xf32>, vector<16xi32>, vector<16xi1>) -> (vector<16xi1>, vector<16xf32>, vector<16xi32>)
          %parallel_loop3A_340 = arith.constant dense<true> : vector<16xi1>
          %parallel_loop3A_341, %parallel_loop3A_342, %parallel_loop3A_343 = tpu.sort %parallel_loop3A_334, %parallel_loop3A_335 masked %parallel_loop3A_340 : (vector<16xf32>, vector<16xi32>, vector<16xi1>) -> (vector<16xi1>, vector<16xf32>, vector<16xi32>)
          %parallel_loop3A_344 = arith.constant 4 : i32
          %parallel_loop3A_345 = arith.muli %parallel_loop3A_242, %parallel_loop3A_344 : i32
          %parallel_loop3A_346 = arith.constant 1 : i32
          %parallel_loop3A_347 = arith.addi %parallel_loop3A_345, %parallel_loop3A_346 : i32
          %parallel_loop3A_348 = arith.constant 16 : i32
          %parallel_loop3A_349 = arith.muli %parallel_loop3A_347, %parallel_loop3A_348 : i32
          %parallel_loop3A_350 = arith.index_cast %parallel_loop3A_349 : i32 to index
          %parallel_loop3A_351 = tpu.vector_load %arg18[%parallel_loop3A_350] {strides = array<i32>} : memref<2048xf32, #tpu.memory_space<vmem>>, vector<16xf32>,
          %parallel_loop3A_352 = arith.index_cast %parallel_loop3A_349 : i32 to index
          %parallel_loop3A_353 = tpu.vector_load %arg19[%parallel_loop3A_352] {strides = array<i32>} : memref<2048xf32, #tpu.memory_space<vmem>>, vector<16xf32>,
          %parallel_loop3A_354 = arith.index_cast %parallel_loop3A_349 : i32 to index
          %parallel_loop3A_355 = tpu.vector_load %arg20[%parallel_loop3A_354] {strides = array<i32>} : memref<2048xf32, #tpu.memory_space<vmem>>, vector<16xf32>,
          %parallel_loop3A_356 = arith.mulf %parallel_loop3A_57, %parallel_loop3A_351 : vector<16xf32>
          %parallel_loop3A_357 = arith.mulf %parallel_loop3A_58, %parallel_loop3A_353 : vector<16xf32>
          %parallel_loop3A_358 = arith.mulf %parallel_loop3A_59, %parallel_loop3A_355 : vector<16xf32>
          %parallel_loop3A_359 = arith.addf %parallel_loop3A_356, %parallel_loop3A_357 : vector<16xf32>
          %parallel_loop3A_360 = arith.subf %parallel_loop3A_359, %parallel_loop3A_356 : vector<16xf32>
          %parallel_loop3A_361 = arith.subf %parallel_loop3A_359, %parallel_loop3A_360 : vector<16xf32>
          %parallel_loop3A_362 = arith.subf %parallel_loop3A_356, %parallel_loop3A_361 : vector<16xf32>
          %parallel_loop3A_363 = arith.subf %parallel_loop3A_357, %parallel_loop3A_360 : vector<16xf32>
          %parallel_loop3A_364 = arith.addf %parallel_loop3A_362, %parallel_loop3A_363 : vector<16xf32>
          %parallel_loop3A_365 = arith.addf %parallel_loop3A_359, %parallel_loop3A_358 : vector<16xf32>
          %parallel_loop3A_366 = arith.subf %parallel_loop3A_365, %parallel_loop3A_359 : vector<16xf32>
          %parallel_loop3A_367 = arith.subf %parallel_loop3A_365, %parallel_loop3A_366 : vector<16xf32>
          %parallel_loop3A_368 = arith.subf %parallel_loop3A_359, %parallel_loop3A_367 : vector<16xf32>
          %parallel_loop3A_369 = arith.subf %parallel_loop3A_358, %parallel_loop3A_366 : vector<16xf32>
          %parallel_loop3A_370 = arith.addf %parallel_loop3A_368, %parallel_loop3A_369 : vector<16xf32>
          %parallel_loop3A_371 = arith.addf %parallel_loop3A_364, %parallel_loop3A_370 : vector<16xf32>
          %parallel_loop3A_372 = arith.addf %parallel_loop3A_365, %parallel_loop3A_371 : vector<16xf32>
          %parallel_loop3A_373 = arith.index_cast %parallel_loop3A_349 : i32 to index
          %parallel_loop3A_374 = tpu.vector_load %arg11[%parallel_loop3A_373] {strides = array<i32>} : memref<2048xf32, #tpu.memory_space<vmem>>, vector<16xf32>,
          %parallel_loop3A_375 = arith.addf %parallel_loop3A_56, %parallel_loop3A_374 : vector<16xf32>
          %parallel_loop3A_376 = arith.constant 2.000000e+00 : f32
          %parallel_loop3A_377 = vector.broadcast %parallel_loop3A_376 : f32 to vector<16xf32>
          %parallel_loop3A_378 = arith.mulf %parallel_loop3A_377, %parallel_loop3A_372 : vector<16xf32>
          %parallel_loop3A_379 = arith.subf %parallel_loop3A_375, %parallel_loop3A_378 : vector<16xf32>
          %parallel_loop3A_380 = arith.constant 0.000000e+00 : f32
          %parallel_loop3A_381 = vector.broadcast %parallel_loop3A_380 : f32 to vector<16xf32>
          %parallel_loop3A_382 = arith.maximumf %parallel_loop3A_379, %parallel_loop3A_381 : vector<16xf32>
          %parallel_loop3A_383 = vector.broadcast %parallel_loop3A_349 : i32 to vector<16xi32>
          %parallel_loop3A_384 = arith.addi %iota3A, %parallel_loop3A_383 : vector<16xi32>
          %parallel_loop3A_385 = arith.constant dense<true> : vector<16xi1>
          %parallel_loop3A_386, %parallel_loop3A_387, %parallel_loop3A_388 = tpu.sort %parallel_loop3A_382, %parallel_loop3A_384 masked %parallel_loop3A_385 : (vector<16xf32>, vector<16xi32>, vector<16xi1>) -> (vector<16xi1>, vector<16xf32>, vector<16xi32>)
          %parallel_loop3A_389 = arith.constant 15 : i32
          %parallel_loop3A_390 = vector.broadcast %parallel_loop3A_389 : i32 to vector<16xi32>
          %parallel_loop3A_391 = tpu.iota {dimensions = array<i32: 0>} : vector<16xi32>
          %parallel_loop3A_392 = arith.subi %parallel_loop3A_390, %parallel_loop3A_391 : vector<16xi32>
          %parallel_loop3A_393 = tpu.dynamic_gather %parallel_loop3A_387[%parallel_loop3A_392] in [0] : vector<16xf32>, vector<16xi32> -> vector<16xf32>
          %parallel_loop3A_394 = arith.constant 15 : i32
          %parallel_loop3A_395 = vector.broadcast %parallel_loop3A_394 : i32 to vector<16xi32>
          %parallel_loop3A_396 = tpu.iota {dimensions = array<i32: 0>} : vector<16xi32>
          %parallel_loop3A_397 = arith.subi %parallel_loop3A_395, %parallel_loop3A_396 : vector<16xi32>
          %parallel_loop3A_398 = tpu.dynamic_gather %parallel_loop3A_388[%parallel_loop3A_397] in [0] : vector<16xi32>, vector<16xi32> -> vector<16xi32>
          %parallel_loop3A_399 = arith.cmpf olt, %parallel_loop3A_248, %parallel_loop3A_393 : vector<16xf32>
          %parallel_loop3A_400 = arith.select %parallel_loop3A_399, %parallel_loop3A_248, %parallel_loop3A_393 : vector<16xi1>, vector<16xf32>
          %parallel_loop3A_401 = arith.select %parallel_loop3A_399, %parallel_loop3A_250, %parallel_loop3A_398 : vector<16xi1>, vector<16xi32>
          %parallel_loop3A_402 = arith.constant dense<true> : vector<16xi1>
          %parallel_loop3A_403, %parallel_loop3A_404, %parallel_loop3A_405 = tpu.sort %parallel_loop3A_400, %parallel_loop3A_401 masked %parallel_loop3A_402 : (vector<16xf32>, vector<16xi32>, vector<16xi1>) -> (vector<16xi1>, vector<16xf32>, vector<16xi32>)
          %parallel_loop3A_406 = arith.constant 15 : i32
          %parallel_loop3A_407 = vector.broadcast %parallel_loop3A_406 : i32 to vector<16xi32>
          %parallel_loop3A_408 = tpu.iota {dimensions = array<i32: 0>} : vector<16xi32>
          %parallel_loop3A_409 = arith.subi %parallel_loop3A_407, %parallel_loop3A_408 : vector<16xi32>
          %parallel_loop3A_410 = tpu.dynamic_gather %parallel_loop3A_404[%parallel_loop3A_409] in [0] : vector<16xf32>, vector<16xi32> -> vector<16xf32>
          %parallel_loop3A_411 = arith.constant 15 : i32
          %parallel_loop3A_412 = vector.broadcast %parallel_loop3A_411 : i32 to vector<16xi32>
          %parallel_loop3A_413 = tpu.iota {dimensions = array<i32: 0>} : vector<16xi32>
          %parallel_loop3A_414 = arith.subi %parallel_loop3A_412, %parallel_loop3A_413 : vector<16xi32>
          %parallel_loop3A_415 = tpu.dynamic_gather %parallel_loop3A_405[%parallel_loop3A_414] in [0] : vector<16xi32>, vector<16xi32> -> vector<16xi32>
          %parallel_loop3A_416 = arith.cmpf olt, %parallel_loop3A_247, %parallel_loop3A_410 : vector<16xf32>
          %parallel_loop3A_417 = arith.select %parallel_loop3A_416, %parallel_loop3A_247, %parallel_loop3A_410 : vector<16xi1>, vector<16xf32>
          %parallel_loop3A_418 = arith.select %parallel_loop3A_416, %parallel_loop3A_249, %parallel_loop3A_415 : vector<16xi1>, vector<16xi32>
          %parallel_loop3A_419 = arith.select %parallel_loop3A_416, %parallel_loop3A_410, %parallel_loop3A_247 : vector<16xi1>, vector<16xf32>
          %parallel_loop3A_420 = arith.select %parallel_loop3A_416, %parallel_loop3A_415, %parallel_loop3A_249 : vector<16xi1>, vector<16xi32>
          %parallel_loop3A_421 = arith.constant dense<true> : vector<16xi1>
          %parallel_loop3A_422, %parallel_loop3A_423, %parallel_loop3A_424 = tpu.sort %parallel_loop3A_417, %parallel_loop3A_418 masked %parallel_loop3A_421 : (vector<16xf32>, vector<16xi32>, vector<16xi1>) -> (vector<16xi1>, vector<16xf32>, vector<16xi32>)
          %parallel_loop3A_425 = arith.constant dense<true> : vector<16xi1>
          %parallel_loop3A_426, %parallel_loop3A_427, %parallel_loop3A_428 = tpu.sort %parallel_loop3A_419, %parallel_loop3A_420 masked %parallel_loop3A_425 : (vector<16xf32>, vector<16xi32>, vector<16xi1>) -> (vector<16xi1>, vector<16xf32>, vector<16xi32>)
          %parallel_loop3A_429 = arith.constant 4 : i32
          %parallel_loop3A_430 = arith.muli %parallel_loop3A_242, %parallel_loop3A_429 : i32
          %parallel_loop3A_431 = arith.constant 2 : i32
          %parallel_loop3A_432 = arith.addi %parallel_loop3A_430, %parallel_loop3A_431 : i32
          %parallel_loop3A_433 = arith.constant 16 : i32
          %parallel_loop3A_434 = arith.muli %parallel_loop3A_432, %parallel_loop3A_433 : i32
          %parallel_loop3A_435 = arith.index_cast %parallel_loop3A_434 : i32 to index
          %parallel_loop3A_436 = tpu.vector_load %arg18[%parallel_loop3A_435] {strides = array<i32>} : memref<2048xf32, #tpu.memory_space<vmem>>, vector<16xf32>,
          %parallel_loop3A_437 = arith.index_cast %parallel_loop3A_434 : i32 to index
          %parallel_loop3A_438 = tpu.vector_load %arg19[%parallel_loop3A_437] {strides = array<i32>} : memref<2048xf32, #tpu.memory_space<vmem>>, vector<16xf32>,
          %parallel_loop3A_439 = arith.index_cast %parallel_loop3A_434 : i32 to index
          %parallel_loop3A_440 = tpu.vector_load %arg20[%parallel_loop3A_439] {strides = array<i32>} : memref<2048xf32, #tpu.memory_space<vmem>>, vector<16xf32>,
          %parallel_loop3A_441 = arith.mulf %parallel_loop3A_57, %parallel_loop3A_436 : vector<16xf32>
          %parallel_loop3A_442 = arith.mulf %parallel_loop3A_58, %parallel_loop3A_438 : vector<16xf32>
          %parallel_loop3A_443 = arith.mulf %parallel_loop3A_59, %parallel_loop3A_440 : vector<16xf32>
          %parallel_loop3A_444 = arith.addf %parallel_loop3A_441, %parallel_loop3A_442 : vector<16xf32>
          %parallel_loop3A_445 = arith.subf %parallel_loop3A_444, %parallel_loop3A_441 : vector<16xf32>
          %parallel_loop3A_446 = arith.subf %parallel_loop3A_444, %parallel_loop3A_445 : vector<16xf32>
          %parallel_loop3A_447 = arith.subf %parallel_loop3A_441, %parallel_loop3A_446 : vector<16xf32>
          %parallel_loop3A_448 = arith.subf %parallel_loop3A_442, %parallel_loop3A_445 : vector<16xf32>
          %parallel_loop3A_449 = arith.addf %parallel_loop3A_447, %parallel_loop3A_448 : vector<16xf32>
          %parallel_loop3A_450 = arith.addf %parallel_loop3A_444, %parallel_loop3A_443 : vector<16xf32>
          %parallel_loop3A_451 = arith.subf %parallel_loop3A_450, %parallel_loop3A_444 : vector<16xf32>
          %parallel_loop3A_452 = arith.subf %parallel_loop3A_450, %parallel_loop3A_451 : vector<16xf32>
          %parallel_loop3A_453 = arith.subf %parallel_loop3A_444, %parallel_loop3A_452 : vector<16xf32>
          %parallel_loop3A_454 = arith.subf %parallel_loop3A_443, %parallel_loop3A_451 : vector<16xf32>
          %parallel_loop3A_455 = arith.addf %parallel_loop3A_453, %parallel_loop3A_454 : vector<16xf32>
          %parallel_loop3A_456 = arith.addf %parallel_loop3A_449, %parallel_loop3A_455 : vector<16xf32>
          %parallel_loop3A_457 = arith.addf %parallel_loop3A_450, %parallel_loop3A_456 : vector<16xf32>
          %parallel_loop3A_458 = arith.index_cast %parallel_loop3A_434 : i32 to index
          %parallel_loop3A_459 = tpu.vector_load %arg11[%parallel_loop3A_458] {strides = array<i32>} : memref<2048xf32, #tpu.memory_space<vmem>>, vector<16xf32>,
          %parallel_loop3A_460 = arith.addf %parallel_loop3A_56, %parallel_loop3A_459 : vector<16xf32>
          %parallel_loop3A_461 = arith.constant 2.000000e+00 : f32
          %parallel_loop3A_462 = vector.broadcast %parallel_loop3A_461 : f32 to vector<16xf32>
          %parallel_loop3A_463 = arith.mulf %parallel_loop3A_462, %parallel_loop3A_457 : vector<16xf32>
          %parallel_loop3A_464 = arith.subf %parallel_loop3A_460, %parallel_loop3A_463 : vector<16xf32>
          %parallel_loop3A_465 = arith.constant 0.000000e+00 : f32
          %parallel_loop3A_466 = vector.broadcast %parallel_loop3A_465 : f32 to vector<16xf32>
          %parallel_loop3A_467 = arith.maximumf %parallel_loop3A_464, %parallel_loop3A_466 : vector<16xf32>
          %parallel_loop3A_468 = vector.broadcast %parallel_loop3A_434 : i32 to vector<16xi32>
          %parallel_loop3A_469 = arith.addi %iota3A, %parallel_loop3A_468 : vector<16xi32>
          %parallel_loop3A_470 = arith.constant dense<true> : vector<16xi1>
          %parallel_loop3A_471, %parallel_loop3A_472, %parallel_loop3A_473 = tpu.sort %parallel_loop3A_467, %parallel_loop3A_469 masked %parallel_loop3A_470 : (vector<16xf32>, vector<16xi32>, vector<16xi1>) -> (vector<16xi1>, vector<16xf32>, vector<16xi32>)
          %parallel_loop3A_474 = arith.constant 15 : i32
          %parallel_loop3A_475 = vector.broadcast %parallel_loop3A_474 : i32 to vector<16xi32>
          %parallel_loop3A_476 = tpu.iota {dimensions = array<i32: 0>} : vector<16xi32>
          %parallel_loop3A_477 = arith.subi %parallel_loop3A_475, %parallel_loop3A_476 : vector<16xi32>
          %parallel_loop3A_478 = tpu.dynamic_gather %parallel_loop3A_472[%parallel_loop3A_477] in [0] : vector<16xf32>, vector<16xi32> -> vector<16xf32>
          %parallel_loop3A_479 = arith.constant 15 : i32
          %parallel_loop3A_480 = vector.broadcast %parallel_loop3A_479 : i32 to vector<16xi32>
          %parallel_loop3A_481 = tpu.iota {dimensions = array<i32: 0>} : vector<16xi32>
          %parallel_loop3A_482 = arith.subi %parallel_loop3A_480, %parallel_loop3A_481 : vector<16xi32>
          %parallel_loop3A_483 = tpu.dynamic_gather %parallel_loop3A_473[%parallel_loop3A_482] in [0] : vector<16xi32>, vector<16xi32> -> vector<16xi32>
          %parallel_loop3A_484 = arith.cmpf olt, %parallel_loop3A_252, %parallel_loop3A_478 : vector<16xf32>
          %parallel_loop3A_485 = arith.select %parallel_loop3A_484, %parallel_loop3A_252, %parallel_loop3A_478 : vector<16xi1>, vector<16xf32>
          %parallel_loop3A_486 = arith.select %parallel_loop3A_484, %parallel_loop3A_254, %parallel_loop3A_483 : vector<16xi1>, vector<16xi32>
          %parallel_loop3A_487 = arith.constant dense<true> : vector<16xi1>
          %parallel_loop3A_488, %parallel_loop3A_489, %parallel_loop3A_490 = tpu.sort %parallel_loop3A_485, %parallel_loop3A_486 masked %parallel_loop3A_487 : (vector<16xf32>, vector<16xi32>, vector<16xi1>) -> (vector<16xi1>, vector<16xf32>, vector<16xi32>)
          %parallel_loop3A_491 = arith.constant 15 : i32
          %parallel_loop3A_492 = vector.broadcast %parallel_loop3A_491 : i32 to vector<16xi32>
          %parallel_loop3A_493 = tpu.iota {dimensions = array<i32: 0>} : vector<16xi32>
          %parallel_loop3A_494 = arith.subi %parallel_loop3A_492, %parallel_loop3A_493 : vector<16xi32>
          %parallel_loop3A_495 = tpu.dynamic_gather %parallel_loop3A_489[%parallel_loop3A_494] in [0] : vector<16xf32>, vector<16xi32> -> vector<16xf32>
          %parallel_loop3A_496 = arith.constant 15 : i32
          %parallel_loop3A_497 = vector.broadcast %parallel_loop3A_496 : i32 to vector<16xi32>
          %parallel_loop3A_498 = tpu.iota {dimensions = array<i32: 0>} : vector<16xi32>
          %parallel_loop3A_499 = arith.subi %parallel_loop3A_497, %parallel_loop3A_498 : vector<16xi32>
          %parallel_loop3A_500 = tpu.dynamic_gather %parallel_loop3A_490[%parallel_loop3A_499] in [0] : vector<16xi32>, vector<16xi32> -> vector<16xi32>
          %parallel_loop3A_501 = arith.cmpf olt, %parallel_loop3A_251, %parallel_loop3A_495 : vector<16xf32>
          %parallel_loop3A_502 = arith.select %parallel_loop3A_501, %parallel_loop3A_251, %parallel_loop3A_495 : vector<16xi1>, vector<16xf32>
          %parallel_loop3A_503 = arith.select %parallel_loop3A_501, %parallel_loop3A_253, %parallel_loop3A_500 : vector<16xi1>, vector<16xi32>
          %parallel_loop3A_504 = arith.select %parallel_loop3A_501, %parallel_loop3A_495, %parallel_loop3A_251 : vector<16xi1>, vector<16xf32>
          %parallel_loop3A_505 = arith.select %parallel_loop3A_501, %parallel_loop3A_500, %parallel_loop3A_253 : vector<16xi1>, vector<16xi32>
          %parallel_loop3A_506 = arith.constant dense<true> : vector<16xi1>
          %parallel_loop3A_507, %parallel_loop3A_508, %parallel_loop3A_509 = tpu.sort %parallel_loop3A_502, %parallel_loop3A_503 masked %parallel_loop3A_506 : (vector<16xf32>, vector<16xi32>, vector<16xi1>) -> (vector<16xi1>, vector<16xf32>, vector<16xi32>)
          %parallel_loop3A_510 = arith.constant dense<true> : vector<16xi1>
          %parallel_loop3A_511, %parallel_loop3A_512, %parallel_loop3A_513 = tpu.sort %parallel_loop3A_504, %parallel_loop3A_505 masked %parallel_loop3A_510 : (vector<16xf32>, vector<16xi32>, vector<16xi1>) -> (vector<16xi1>, vector<16xf32>, vector<16xi32>)
          %parallel_loop3A_514 = arith.constant 4 : i32
          %parallel_loop3A_515 = arith.muli %parallel_loop3A_242, %parallel_loop3A_514 : i32
          %parallel_loop3A_516 = arith.constant 3 : i32
          %parallel_loop3A_517 = arith.addi %parallel_loop3A_515, %parallel_loop3A_516 : i32
          %parallel_loop3A_518 = arith.constant 16 : i32
          %parallel_loop3A_519 = arith.muli %parallel_loop3A_517, %parallel_loop3A_518 : i32
          %parallel_loop3A_520 = arith.index_cast %parallel_loop3A_519 : i32 to index
          %parallel_loop3A_521 = tpu.vector_load %arg18[%parallel_loop3A_520] {strides = array<i32>} : memref<2048xf32, #tpu.memory_space<vmem>>, vector<16xf32>,
          %parallel_loop3A_522 = arith.index_cast %parallel_loop3A_519 : i32 to index
          %parallel_loop3A_523 = tpu.vector_load %arg19[%parallel_loop3A_522] {strides = array<i32>} : memref<2048xf32, #tpu.memory_space<vmem>>, vector<16xf32>,
          %parallel_loop3A_524 = arith.index_cast %parallel_loop3A_519 : i32 to index
          %parallel_loop3A_525 = tpu.vector_load %arg20[%parallel_loop3A_524] {strides = array<i32>} : memref<2048xf32, #tpu.memory_space<vmem>>, vector<16xf32>,
          %parallel_loop3A_526 = arith.mulf %parallel_loop3A_57, %parallel_loop3A_521 : vector<16xf32>
          %parallel_loop3A_527 = arith.mulf %parallel_loop3A_58, %parallel_loop3A_523 : vector<16xf32>
          %parallel_loop3A_528 = arith.mulf %parallel_loop3A_59, %parallel_loop3A_525 : vector<16xf32>
          %parallel_loop3A_529 = arith.addf %parallel_loop3A_526, %parallel_loop3A_527 : vector<16xf32>
          %parallel_loop3A_530 = arith.subf %parallel_loop3A_529, %parallel_loop3A_526 : vector<16xf32>
          %parallel_loop3A_531 = arith.subf %parallel_loop3A_529, %parallel_loop3A_530 : vector<16xf32>
          %parallel_loop3A_532 = arith.subf %parallel_loop3A_526, %parallel_loop3A_531 : vector<16xf32>
          %parallel_loop3A_533 = arith.subf %parallel_loop3A_527, %parallel_loop3A_530 : vector<16xf32>
          %parallel_loop3A_534 = arith.addf %parallel_loop3A_532, %parallel_loop3A_533 : vector<16xf32>
          %parallel_loop3A_535 = arith.addf %parallel_loop3A_529, %parallel_loop3A_528 : vector<16xf32>
          %parallel_loop3A_536 = arith.subf %parallel_loop3A_535, %parallel_loop3A_529 : vector<16xf32>
          %parallel_loop3A_537 = arith.subf %parallel_loop3A_535, %parallel_loop3A_536 : vector<16xf32>
          %parallel_loop3A_538 = arith.subf %parallel_loop3A_529, %parallel_loop3A_537 : vector<16xf32>
          %parallel_loop3A_539 = arith.subf %parallel_loop3A_528, %parallel_loop3A_536 : vector<16xf32>
          %parallel_loop3A_540 = arith.addf %parallel_loop3A_538, %parallel_loop3A_539 : vector<16xf32>
          %parallel_loop3A_541 = arith.addf %parallel_loop3A_534, %parallel_loop3A_540 : vector<16xf32>
          %parallel_loop3A_542 = arith.addf %parallel_loop3A_535, %parallel_loop3A_541 : vector<16xf32>
          %parallel_loop3A_543 = arith.index_cast %parallel_loop3A_519 : i32 to index
          %parallel_loop3A_544 = tpu.vector_load %arg11[%parallel_loop3A_543] {strides = array<i32>} : memref<2048xf32, #tpu.memory_space<vmem>>, vector<16xf32>,
          %parallel_loop3A_545 = arith.addf %parallel_loop3A_56, %parallel_loop3A_544 : vector<16xf32>
          %parallel_loop3A_546 = arith.constant 2.000000e+00 : f32
          %parallel_loop3A_547 = vector.broadcast %parallel_loop3A_546 : f32 to vector<16xf32>
          %parallel_loop3A_548 = arith.mulf %parallel_loop3A_547, %parallel_loop3A_542 : vector<16xf32>
          %parallel_loop3A_549 = arith.subf %parallel_loop3A_545, %parallel_loop3A_548 : vector<16xf32>
          %parallel_loop3A_550 = arith.constant 0.000000e+00 : f32
          %parallel_loop3A_551 = vector.broadcast %parallel_loop3A_550 : f32 to vector<16xf32>
          %parallel_loop3A_552 = arith.maximumf %parallel_loop3A_549, %parallel_loop3A_551 : vector<16xf32>
          %parallel_loop3A_553 = vector.broadcast %parallel_loop3A_519 : i32 to vector<16xi32>
          %parallel_loop3A_554 = arith.addi %iota3A, %parallel_loop3A_553 : vector<16xi32>
          %parallel_loop3A_555 = arith.constant dense<true> : vector<16xi1>
          %parallel_loop3A_556, %parallel_loop3A_557, %parallel_loop3A_558 = tpu.sort %parallel_loop3A_552, %parallel_loop3A_554 masked %parallel_loop3A_555 : (vector<16xf32>, vector<16xi32>, vector<16xi1>) -> (vector<16xi1>, vector<16xf32>, vector<16xi32>)
          %parallel_loop3A_559 = arith.constant 15 : i32
          %parallel_loop3A_560 = vector.broadcast %parallel_loop3A_559 : i32 to vector<16xi32>
          %parallel_loop3A_561 = tpu.iota {dimensions = array<i32: 0>} : vector<16xi32>
          %parallel_loop3A_562 = arith.subi %parallel_loop3A_560, %parallel_loop3A_561 : vector<16xi32>
          %parallel_loop3A_563 = tpu.dynamic_gather %parallel_loop3A_557[%parallel_loop3A_562] in [0] : vector<16xf32>, vector<16xi32> -> vector<16xf32>
          %parallel_loop3A_564 = arith.constant 15 : i32
          %parallel_loop3A_565 = vector.broadcast %parallel_loop3A_564 : i32 to vector<16xi32>
          %parallel_loop3A_566 = tpu.iota {dimensions = array<i32: 0>} : vector<16xi32>
          %parallel_loop3A_567 = arith.subi %parallel_loop3A_565, %parallel_loop3A_566 : vector<16xi32>
          %parallel_loop3A_568 = tpu.dynamic_gather %parallel_loop3A_558[%parallel_loop3A_567] in [0] : vector<16xi32>, vector<16xi32> -> vector<16xi32>
          %parallel_loop3A_569 = arith.cmpf olt, %parallel_loop3A_256, %parallel_loop3A_563 : vector<16xf32>
          %parallel_loop3A_570 = arith.select %parallel_loop3A_569, %parallel_loop3A_256, %parallel_loop3A_563 : vector<16xi1>, vector<16xf32>
          %parallel_loop3A_571 = arith.select %parallel_loop3A_569, %parallel_loop3A_258, %parallel_loop3A_568 : vector<16xi1>, vector<16xi32>
          %parallel_loop3A_572 = arith.constant dense<true> : vector<16xi1>
          %parallel_loop3A_573, %parallel_loop3A_574, %parallel_loop3A_575 = tpu.sort %parallel_loop3A_570, %parallel_loop3A_571 masked %parallel_loop3A_572 : (vector<16xf32>, vector<16xi32>, vector<16xi1>) -> (vector<16xi1>, vector<16xf32>, vector<16xi32>)
          %parallel_loop3A_576 = arith.constant 15 : i32
          %parallel_loop3A_577 = vector.broadcast %parallel_loop3A_576 : i32 to vector<16xi32>
          %parallel_loop3A_578 = tpu.iota {dimensions = array<i32: 0>} : vector<16xi32>
          %parallel_loop3A_579 = arith.subi %parallel_loop3A_577, %parallel_loop3A_578 : vector<16xi32>
          %parallel_loop3A_580 = tpu.dynamic_gather %parallel_loop3A_574[%parallel_loop3A_579] in [0] : vector<16xf32>, vector<16xi32> -> vector<16xf32>
          %parallel_loop3A_581 = arith.constant 15 : i32
          %parallel_loop3A_582 = vector.broadcast %parallel_loop3A_581 : i32 to vector<16xi32>
          %parallel_loop3A_583 = tpu.iota {dimensions = array<i32: 0>} : vector<16xi32>
          %parallel_loop3A_584 = arith.subi %parallel_loop3A_582, %parallel_loop3A_583 : vector<16xi32>
          %parallel_loop3A_585 = tpu.dynamic_gather %parallel_loop3A_575[%parallel_loop3A_584] in [0] : vector<16xi32>, vector<16xi32> -> vector<16xi32>
          %parallel_loop3A_586 = arith.cmpf olt, %parallel_loop3A_255, %parallel_loop3A_580 : vector<16xf32>
          %parallel_loop3A_587 = arith.select %parallel_loop3A_586, %parallel_loop3A_255, %parallel_loop3A_580 : vector<16xi1>, vector<16xf32>
          %parallel_loop3A_588 = arith.select %parallel_loop3A_586, %parallel_loop3A_257, %parallel_loop3A_585 : vector<16xi1>, vector<16xi32>
          %parallel_loop3A_589 = arith.select %parallel_loop3A_586, %parallel_loop3A_580, %parallel_loop3A_255 : vector<16xi1>, vector<16xf32>
          %parallel_loop3A_590 = arith.select %parallel_loop3A_586, %parallel_loop3A_585, %parallel_loop3A_257 : vector<16xi1>, vector<16xi32>
          %parallel_loop3A_591 = arith.constant dense<true> : vector<16xi1>
          %parallel_loop3A_592, %parallel_loop3A_593, %parallel_loop3A_594 = tpu.sort %parallel_loop3A_587, %parallel_loop3A_588 masked %parallel_loop3A_591 : (vector<16xf32>, vector<16xi32>, vector<16xi1>) -> (vector<16xi1>, vector<16xf32>, vector<16xi32>)
          %parallel_loop3A_595 = arith.constant dense<true> : vector<16xi1>
          %parallel_loop3A_596, %parallel_loop3A_597, %parallel_loop3A_598 = tpu.sort %parallel_loop3A_589, %parallel_loop3A_590 masked %parallel_loop3A_595 : (vector<16xf32>, vector<16xi32>, vector<16xi1>) -> (vector<16xi1>, vector<16xf32>, vector<16xi32>)
          scf.yield %parallel_loop3A_338, %parallel_loop3A_342, %parallel_loop3A_339, %parallel_loop3A_343, %parallel_loop3A_423, %parallel_loop3A_427, %parallel_loop3A_424, %parallel_loop3A_428, %parallel_loop3A_508, %parallel_loop3A_512, %parallel_loop3A_509, %parallel_loop3A_513, %parallel_loop3A_593, %parallel_loop3A_597, %parallel_loop3A_594, %parallel_loop3A_598 : vector<16xf32>, vector<16xf32>, vector<16xi32>, vector<16xi32>, vector<16xf32>, vector<16xf32>, vector<16xi32>, vector<16xi32>, vector<16xf32>, vector<16xf32>, vector<16xi32>, vector<16xi32>, vector<16xf32>, vector<16xf32>, vector<16xi32>, vector<16xi32>
        } {sc.loop_unroll_factor = 2 : i64, sc.parallel_access}
        %parallel_loop3A_72 = arith.constant 15 : i32
        %parallel_loop3A_73 = vector.broadcast %parallel_loop3A_72 : i32 to vector<16xi32>
        %parallel_loop3A_74 = tpu.iota {dimensions = array<i32: 0>} : vector<16xi32>
        %parallel_loop3A_75 = arith.subi %parallel_loop3A_73, %parallel_loop3A_74 : vector<16xi32>
        %parallel_loop3A_76 = tpu.dynamic_gather %parallel_loop3A_71#4[%parallel_loop3A_75] in [0] : vector<16xf32>, vector<16xi32> -> vector<16xf32>
        %parallel_loop3A_77 = arith.constant 15 : i32
        %parallel_loop3A_78 = vector.broadcast %parallel_loop3A_77 : i32 to vector<16xi32>
        %parallel_loop3A_79 = tpu.iota {dimensions = array<i32: 0>} : vector<16xi32>
        %parallel_loop3A_80 = arith.subi %parallel_loop3A_78, %parallel_loop3A_79 : vector<16xi32>
        %parallel_loop3A_81 = tpu.dynamic_gather %parallel_loop3A_71#5[%parallel_loop3A_80] in [0] : vector<16xf32>, vector<16xi32> -> vector<16xf32>
        %parallel_loop3A_82 = arith.constant 15 : i32
        %parallel_loop3A_83 = vector.broadcast %parallel_loop3A_82 : i32 to vector<16xi32>
        %parallel_loop3A_84 = tpu.iota {dimensions = array<i32: 0>} : vector<16xi32>
        %parallel_loop3A_85 = arith.subi %parallel_loop3A_83, %parallel_loop3A_84 : vector<16xi32>
        %parallel_loop3A_86 = tpu.dynamic_gather %parallel_loop3A_71#6[%parallel_loop3A_85] in [0] : vector<16xi32>, vector<16xi32> -> vector<16xi32>
        %parallel_loop3A_87 = arith.constant 15 : i32
        %parallel_loop3A_88 = vector.broadcast %parallel_loop3A_87 : i32 to vector<16xi32>
        %parallel_loop3A_89 = tpu.iota {dimensions = array<i32: 0>} : vector<16xi32>
        %parallel_loop3A_90 = arith.subi %parallel_loop3A_88, %parallel_loop3A_89 : vector<16xi32>
        %parallel_loop3A_91 = tpu.dynamic_gather %parallel_loop3A_71#7[%parallel_loop3A_90] in [0] : vector<16xi32>, vector<16xi32> -> vector<16xi32>
        %parallel_loop3A_92 = arith.cmpf olt, %parallel_loop3A_71#0, %parallel_loop3A_81 : vector<16xf32>
        %parallel_loop3A_93 = arith.select %parallel_loop3A_92, %parallel_loop3A_71#0, %parallel_loop3A_81 : vector<16xi1>, vector<16xf32>
        %parallel_loop3A_94 = arith.select %parallel_loop3A_92, %parallel_loop3A_71#2, %parallel_loop3A_91 : vector<16xi1>, vector<16xi32>
        %parallel_loop3A_95 = arith.cmpf olt, %parallel_loop3A_71#1, %parallel_loop3A_76 : vector<16xf32>
        %parallel_loop3A_96 = arith.select %parallel_loop3A_95, %parallel_loop3A_71#1, %parallel_loop3A_76 : vector<16xi1>, vector<16xf32>
        %parallel_loop3A_97 = arith.select %parallel_loop3A_95, %parallel_loop3A_71#3, %parallel_loop3A_86 : vector<16xi1>, vector<16xi32>
        %parallel_loop3A_98 = arith.cmpf olt, %parallel_loop3A_93, %parallel_loop3A_96 : vector<16xf32>
        %parallel_loop3A_99 = arith.select %parallel_loop3A_98, %parallel_loop3A_93, %parallel_loop3A_96 : vector<16xi1>, vector<16xf32>
        %parallel_loop3A_100 = arith.select %parallel_loop3A_98, %parallel_loop3A_94, %parallel_loop3A_97 : vector<16xi1>, vector<16xi32>
        %parallel_loop3A_101 = arith.select %parallel_loop3A_98, %parallel_loop3A_96, %parallel_loop3A_93 : vector<16xi1>, vector<16xf32>
        %parallel_loop3A_102 = arith.select %parallel_loop3A_98, %parallel_loop3A_97, %parallel_loop3A_94 : vector<16xi1>, vector<16xi32>
        %parallel_loop3A_103 = arith.constant dense<true> : vector<16xi1>
        %parallel_loop3A_104, %parallel_loop3A_105, %parallel_loop3A_106 = tpu.sort %parallel_loop3A_99, %parallel_loop3A_100 masked %parallel_loop3A_103 : (vector<16xf32>, vector<16xi32>, vector<16xi1>) -> (vector<16xi1>, vector<16xf32>, vector<16xi32>)
        %parallel_loop3A_107 = arith.constant dense<true> : vector<16xi1>
        %parallel_loop3A_108, %parallel_loop3A_109, %parallel_loop3A_110 = tpu.sort %parallel_loop3A_101, %parallel_loop3A_102 masked %parallel_loop3A_107 : (vector<16xf32>, vector<16xi32>, vector<16xi1>) -> (vector<16xi1>, vector<16xf32>, vector<16xi32>)
        %parallel_loop3A_111 = arith.constant 15 : i32
        %parallel_loop3A_112 = vector.broadcast %parallel_loop3A_111 : i32 to vector<16xi32>
        %parallel_loop3A_113 = tpu.iota {dimensions = array<i32: 0>} : vector<16xi32>
        %parallel_loop3A_114 = arith.subi %parallel_loop3A_112, %parallel_loop3A_113 : vector<16xi32>
        %parallel_loop3A_115 = tpu.dynamic_gather %parallel_loop3A_71#12[%parallel_loop3A_114] in [0] : vector<16xf32>, vector<16xi32> -> vector<16xf32>
        %parallel_loop3A_116 = arith.constant 15 : i32
        %parallel_loop3A_117 = vector.broadcast %parallel_loop3A_116 : i32 to vector<16xi32>
        %parallel_loop3A_118 = tpu.iota {dimensions = array<i32: 0>} : vector<16xi32>
        %parallel_loop3A_119 = arith.subi %parallel_loop3A_117, %parallel_loop3A_118 : vector<16xi32>
        %parallel_loop3A_120 = tpu.dynamic_gather %parallel_loop3A_71#13[%parallel_loop3A_119] in [0] : vector<16xf32>, vector<16xi32> -> vector<16xf32>
        %parallel_loop3A_121 = arith.constant 15 : i32
        %parallel_loop3A_122 = vector.broadcast %parallel_loop3A_121 : i32 to vector<16xi32>
        %parallel_loop3A_123 = tpu.iota {dimensions = array<i32: 0>} : vector<16xi32>
        %parallel_loop3A_124 = arith.subi %parallel_loop3A_122, %parallel_loop3A_123 : vector<16xi32>
        %parallel_loop3A_125 = tpu.dynamic_gather %parallel_loop3A_71#14[%parallel_loop3A_124] in [0] : vector<16xi32>, vector<16xi32> -> vector<16xi32>
        %parallel_loop3A_126 = arith.constant 15 : i32
        %parallel_loop3A_127 = vector.broadcast %parallel_loop3A_126 : i32 to vector<16xi32>
        %parallel_loop3A_128 = tpu.iota {dimensions = array<i32: 0>} : vector<16xi32>
        %parallel_loop3A_129 = arith.subi %parallel_loop3A_127, %parallel_loop3A_128 : vector<16xi32>
        %parallel_loop3A_130 = tpu.dynamic_gather %parallel_loop3A_71#15[%parallel_loop3A_129] in [0] : vector<16xi32>, vector<16xi32> -> vector<16xi32>
        %parallel_loop3A_131 = arith.cmpf olt, %parallel_loop3A_71#8, %parallel_loop3A_120 : vector<16xf32>
        %parallel_loop3A_132 = arith.select %parallel_loop3A_131, %parallel_loop3A_71#8, %parallel_loop3A_120 : vector<16xi1>, vector<16xf32>
        %parallel_loop3A_133 = arith.select %parallel_loop3A_131, %parallel_loop3A_71#10, %parallel_loop3A_130 : vector<16xi1>, vector<16xi32>
        %parallel_loop3A_134 = arith.cmpf olt, %parallel_loop3A_71#9, %parallel_loop3A_115 : vector<16xf32>
        %parallel_loop3A_135 = arith.select %parallel_loop3A_134, %parallel_loop3A_71#9, %parallel_loop3A_115 : vector<16xi1>, vector<16xf32>
        %parallel_loop3A_136 = arith.select %parallel_loop3A_134, %parallel_loop3A_71#11, %parallel_loop3A_125 : vector<16xi1>, vector<16xi32>
        %parallel_loop3A_137 = arith.cmpf olt, %parallel_loop3A_132, %parallel_loop3A_135 : vector<16xf32>
        %parallel_loop3A_138 = arith.select %parallel_loop3A_137, %parallel_loop3A_132, %parallel_loop3A_135 : vector<16xi1>, vector<16xf32>
        %parallel_loop3A_139 = arith.select %parallel_loop3A_137, %parallel_loop3A_133, %parallel_loop3A_136 : vector<16xi1>, vector<16xi32>
        %parallel_loop3A_140 = arith.select %parallel_loop3A_137, %parallel_loop3A_135, %parallel_loop3A_132 : vector<16xi1>, vector<16xf32>
        %parallel_loop3A_141 = arith.select %parallel_loop3A_137, %parallel_loop3A_136, %parallel_loop3A_133 : vector<16xi1>, vector<16xi32>
        %parallel_loop3A_142 = arith.constant dense<true> : vector<16xi1>
        %parallel_loop3A_143, %parallel_loop3A_144, %parallel_loop3A_145 = tpu.sort %parallel_loop3A_138, %parallel_loop3A_139 masked %parallel_loop3A_142 : (vector<16xf32>, vector<16xi32>, vector<16xi1>) -> (vector<16xi1>, vector<16xf32>, vector<16xi32>)
        %parallel_loop3A_146 = arith.constant dense<true> : vector<16xi1>
        %parallel_loop3A_147, %parallel_loop3A_148, %parallel_loop3A_149 = tpu.sort %parallel_loop3A_140, %parallel_loop3A_141 masked %parallel_loop3A_146 : (vector<16xf32>, vector<16xi32>, vector<16xi1>) -> (vector<16xi1>, vector<16xf32>, vector<16xi32>)
        %parallel_loop3A_150 = arith.constant 15 : i32
        %parallel_loop3A_151 = vector.broadcast %parallel_loop3A_150 : i32 to vector<16xi32>
        %parallel_loop3A_152 = tpu.iota {dimensions = array<i32: 0>} : vector<16xi32>
        %parallel_loop3A_153 = arith.subi %parallel_loop3A_151, %parallel_loop3A_152 : vector<16xi32>
        %parallel_loop3A_154 = tpu.dynamic_gather %parallel_loop3A_144[%parallel_loop3A_153] in [0] : vector<16xf32>, vector<16xi32> -> vector<16xf32>
        %parallel_loop3A_155 = arith.constant 15 : i32
        %parallel_loop3A_156 = vector.broadcast %parallel_loop3A_155 : i32 to vector<16xi32>
        %parallel_loop3A_157 = tpu.iota {dimensions = array<i32: 0>} : vector<16xi32>
        %parallel_loop3A_158 = arith.subi %parallel_loop3A_156, %parallel_loop3A_157 : vector<16xi32>
        %parallel_loop3A_159 = tpu.dynamic_gather %parallel_loop3A_148[%parallel_loop3A_158] in [0] : vector<16xf32>, vector<16xi32> -> vector<16xf32>
        %parallel_loop3A_160 = arith.constant 15 : i32
        %parallel_loop3A_161 = vector.broadcast %parallel_loop3A_160 : i32 to vector<16xi32>
        %parallel_loop3A_162 = tpu.iota {dimensions = array<i32: 0>} : vector<16xi32>
        %parallel_loop3A_163 = arith.subi %parallel_loop3A_161, %parallel_loop3A_162 : vector<16xi32>
        %parallel_loop3A_164 = tpu.dynamic_gather %parallel_loop3A_145[%parallel_loop3A_163] in [0] : vector<16xi32>, vector<16xi32> -> vector<16xi32>
        %parallel_loop3A_165 = arith.constant 15 : i32
        %parallel_loop3A_166 = vector.broadcast %parallel_loop3A_165 : i32 to vector<16xi32>
        %parallel_loop3A_167 = tpu.iota {dimensions = array<i32: 0>} : vector<16xi32>
        %parallel_loop3A_168 = arith.subi %parallel_loop3A_166, %parallel_loop3A_167 : vector<16xi32>
        %parallel_loop3A_169 = tpu.dynamic_gather %parallel_loop3A_149[%parallel_loop3A_168] in [0] : vector<16xi32>, vector<16xi32> -> vector<16xi32>
        %parallel_loop3A_170 = arith.cmpf olt, %parallel_loop3A_105, %parallel_loop3A_159 : vector<16xf32>
        %parallel_loop3A_171 = arith.select %parallel_loop3A_170, %parallel_loop3A_105, %parallel_loop3A_159 : vector<16xi1>, vector<16xf32>
        %parallel_loop3A_172 = arith.select %parallel_loop3A_170, %parallel_loop3A_106, %parallel_loop3A_169 : vector<16xi1>, vector<16xi32>
        %parallel_loop3A_173 = arith.cmpf olt, %parallel_loop3A_109, %parallel_loop3A_154 : vector<16xf32>
        %parallel_loop3A_174 = arith.select %parallel_loop3A_173, %parallel_loop3A_109, %parallel_loop3A_154 : vector<16xi1>, vector<16xf32>
        %parallel_loop3A_175 = arith.select %parallel_loop3A_173, %parallel_loop3A_110, %parallel_loop3A_164 : vector<16xi1>, vector<16xi32>
        %parallel_loop3A_176 = arith.cmpf olt, %parallel_loop3A_171, %parallel_loop3A_174 : vector<16xf32>
        %parallel_loop3A_177 = arith.select %parallel_loop3A_176, %parallel_loop3A_171, %parallel_loop3A_174 : vector<16xi1>, vector<16xf32>
        %parallel_loop3A_178 = arith.select %parallel_loop3A_176, %parallel_loop3A_172, %parallel_loop3A_175 : vector<16xi1>, vector<16xi32>
        %parallel_loop3A_179 = arith.select %parallel_loop3A_176, %parallel_loop3A_174, %parallel_loop3A_171 : vector<16xi1>, vector<16xf32>
        %parallel_loop3A_180 = arith.select %parallel_loop3A_176, %parallel_loop3A_175, %parallel_loop3A_172 : vector<16xi1>, vector<16xi32>
        %parallel_loop3A_181 = arith.constant dense<true> : vector<16xi1>
        %parallel_loop3A_182, %parallel_loop3A_183, %parallel_loop3A_184 = tpu.sort %parallel_loop3A_177, %parallel_loop3A_178 masked %parallel_loop3A_181 : (vector<16xf32>, vector<16xi32>, vector<16xi1>) -> (vector<16xi1>, vector<16xf32>, vector<16xi32>)
        %parallel_loop3A_185 = arith.constant dense<true> : vector<16xi1>
        %parallel_loop3A_186, %parallel_loop3A_187, %parallel_loop3A_188 = tpu.sort %parallel_loop3A_179, %parallel_loop3A_180 masked %parallel_loop3A_185 : (vector<16xf32>, vector<16xi32>, vector<16xi1>) -> (vector<16xi1>, vector<16xf32>, vector<16xi32>)
        %parallel_loop3A_189 = arith.constant 96 : i32
        %parallel_loop3A_190 = arith.muli %parallel_loop3A_50, %parallel_loop3A_189 : i32
        %parallel_loop3A_191 = arith.constant 3 : i32
        %parallel_loop3A_192 = vector.broadcast %parallel_loop3A_191 : i32 to vector<16xi32>
        %parallel_loop3A_193 = arith.muli %parallel_loop3A_192, %iota3A : vector<16xi32>
        %parallel_loop3A_194 = vector.broadcast %parallel_loop3A_190 : i32 to vector<16xi32>
        %parallel_loop3A_195 = arith.addi %parallel_loop3A_194, %parallel_loop3A_193 : vector<16xi32>
        %parallel_loop3A_196 = tpu.vector_load_idx %arg7[%parallel_loop3A_184] : memref<2048xf32, #tpu.memory_space<vmem>>[vector<16xi32>], vector<16xf32>,
        %parallel_loop3A_197 = arith.subf %parallel_loop3A_196, %parallel_loop3A_53 : vector<16xf32>
        %parallel_loop3A_198 = tpu.vector_load_idx %arg8[%parallel_loop3A_184] : memref<2048xf32, #tpu.memory_space<vmem>>[vector<16xi32>], vector<16xf32>,
        %parallel_loop3A_199 = arith.subf %parallel_loop3A_198, %parallel_loop3A_54 : vector<16xf32>
        %parallel_loop3A_200 = tpu.vector_load_idx %arg9[%parallel_loop3A_184] : memref<2048xf32, #tpu.memory_space<vmem>>[vector<16xi32>], vector<16xf32>,
        %parallel_loop3A_201 = arith.subf %parallel_loop3A_200, %parallel_loop3A_55 : vector<16xf32>
        tpu.vector_store_idx %arg24[%parallel_loop3A_195], %parallel_loop3A_197 : memref<12288xf32, #tpu.memory_space<vmem>>[vector<16xi32>], vector<16xf32>,
        %parallel_loop3A_202 = arith.constant 1 : i32
        %parallel_loop3A_203 = vector.broadcast %parallel_loop3A_202 : i32 to vector<16xi32>
        %parallel_loop3A_204 = arith.addi %parallel_loop3A_195, %parallel_loop3A_203 : vector<16xi32>
        tpu.vector_store_idx %arg24[%parallel_loop3A_204], %parallel_loop3A_199 : memref<12288xf32, #tpu.memory_space<vmem>>[vector<16xi32>], vector<16xf32>,
        %parallel_loop3A_205 = arith.constant 2 : i32
        %parallel_loop3A_206 = vector.broadcast %parallel_loop3A_205 : i32 to vector<16xi32>
        %parallel_loop3A_207 = arith.addi %parallel_loop3A_195, %parallel_loop3A_206 : vector<16xi32>
        tpu.vector_store_idx %arg24[%parallel_loop3A_207], %parallel_loop3A_201 : memref<12288xf32, #tpu.memory_space<vmem>>[vector<16xi32>], vector<16xf32>,
        %parallel_loop3A_208 = arith.constant 48 : i32
        %parallel_loop3A_209 = arith.addi %parallel_loop3A_190, %parallel_loop3A_208 : i32
        %parallel_loop3A_210 = arith.constant 3 : i32
        %parallel_loop3A_211 = vector.broadcast %parallel_loop3A_210 : i32 to vector<16xi32>
        %parallel_loop3A_212 = arith.muli %parallel_loop3A_211, %iota3A : vector<16xi32>
        %parallel_loop3A_213 = vector.broadcast %parallel_loop3A_209 : i32 to vector<16xi32>
        %parallel_loop3A_214 = arith.addi %parallel_loop3A_213, %parallel_loop3A_212 : vector<16xi32>
        %parallel_loop3A_215 = tpu.vector_load_idx %arg7[%parallel_loop3A_188] : memref<2048xf32, #tpu.memory_space<vmem>>[vector<16xi32>], vector<16xf32>,
        %parallel_loop3A_216 = arith.subf %parallel_loop3A_215, %parallel_loop3A_53 : vector<16xf32>
        %parallel_loop3A_217 = tpu.vector_load_idx %arg8[%parallel_loop3A_188] : memref<2048xf32, #tpu.memory_space<vmem>>[vector<16xi32>], vector<16xf32>,
        %parallel_loop3A_218 = arith.subf %parallel_loop3A_217, %parallel_loop3A_54 : vector<16xf32>
        %parallel_loop3A_219 = tpu.vector_load_idx %arg9[%parallel_loop3A_188] : memref<2048xf32, #tpu.memory_space<vmem>>[vector<16xi32>], vector<16xf32>,
        %parallel_loop3A_220 = arith.subf %parallel_loop3A_219, %parallel_loop3A_55 : vector<16xf32>
        tpu.vector_store_idx %arg24[%parallel_loop3A_214], %parallel_loop3A_216 : memref<12288xf32, #tpu.memory_space<vmem>>[vector<16xi32>], vector<16xf32>,
        %parallel_loop3A_221 = arith.constant 1 : i32
        %parallel_loop3A_222 = vector.broadcast %parallel_loop3A_221 : i32 to vector<16xi32>
        %parallel_loop3A_223 = arith.addi %parallel_loop3A_214, %parallel_loop3A_222 : vector<16xi32>
        tpu.vector_store_idx %arg24[%parallel_loop3A_223], %parallel_loop3A_218 : memref<12288xf32, #tpu.memory_space<vmem>>[vector<16xi32>], vector<16xf32>,
        %parallel_loop3A_224 = arith.constant 2 : i32
        %parallel_loop3A_225 = vector.broadcast %parallel_loop3A_224 : i32 to vector<16xi32>
        %parallel_loop3A_226 = arith.addi %parallel_loop3A_214, %parallel_loop3A_225 : vector<16xi32>
        tpu.vector_store_idx %arg24[%parallel_loop3A_226], %parallel_loop3A_220 : memref<12288xf32, #tpu.memory_space<vmem>>[vector<16xi32>], vector<16xf32>,
        %parallel_loop3A_227 = arith.constant 0 : i32
        %parallel_loop3A_228 = vector.broadcast %parallel_loop3A_227 : i32 to vector<16xi32>
        %parallel_loop3A_229 = arith.cmpi eq, %iota3A, %parallel_loop3A_228 : vector<16xi32>
        %parallel_loop3A_230 = arith.constant 1 : i32
        %parallel_loop3A_231 = vector.broadcast %parallel_loop3A_230 : i32 to vector<16xi32>
        %parallel_loop3A_232 = arith.cmpi eq, %iota3A, %parallel_loop3A_231 : vector<16xi32>
        %parallel_loop3A_233 = arith.select %parallel_loop3A_232, %parallel_loop3A_54, %parallel_loop3A_55 : vector<16xi1>, vector<16xf32>
        %parallel_loop3A_234 = arith.select %parallel_loop3A_229, %parallel_loop3A_53, %parallel_loop3A_233 : vector<16xi1>, vector<16xf32>
        %parallel_loop3A_235 = arith.constant 3 : i32
        %parallel_loop3A_236 = arith.muli %parallel_loop3A_235, %parallel_loop3A_50 : i32
        %parallel_loop3A_237 = vector.broadcast %parallel_loop3A_236 : i32 to vector<16xi32>
        %parallel_loop3A_238 = arith.addi %parallel_loop3A_237, %iota3A : vector<16xi32>
        %parallel_loop3A_239 = arith.constant 3 : i32
        %parallel_loop3A_240 = vector.broadcast %parallel_loop3A_239 : i32 to vector<16xi32>
        %parallel_loop3A_241 = arith.cmpi slt, %iota3A, %parallel_loop3A_240 : vector<16xi32>
        tpu.vector_store_idx %arg25[%parallel_loop3A_238], %parallel_loop3A_234 masked %parallel_loop3A_241 : memref<384xf32, #tpu.memory_space<vmem>>[vector<16xi32>], vector<16xf32>, vector<16xi1>
      } {sc.loop_unroll_factor = 2 : i64, sc.parallel_access}
      "tpu.region"() ({
        %run_scoped3A = tpu.sem_alloc : memref<!tpu.dma_semaphore, #tpu.memory_space<semaphore_mem>>
        %dma_start3A = arith.constant 0 : i32
        %dma_start3A_50 = tpu.memref_slice %arg5[%add3A_11, %dma_start3A] : memref<64x12288xf32, #tpu.memory_space<hbm>> -> memref<1x12288xf32, #tpu.memory_space<hbm>>
        %dma_start3A_51 = tpu.memref_squeeze %dma_start3A_50 : memref<1x12288xf32, #tpu.memory_space<hbm>> -> memref<12288xf32, #tpu.memory_space<hbm>>
        %dma_start3A_52 = arith.constant 0 : i32
        %dma_start3A_53 = tpu.memref_slice %arg5[%add3A_11, %dma_start3A_52] : memref<64x12288xf32, #tpu.memory_space<hbm>> -> memref<1x12288xf32, #tpu.memory_space<hbm>>
        %dma_start3A_54 = tpu.memref_squeeze %dma_start3A_53 : memref<1x12288xf32, #tpu.memory_space<hbm>> -> memref<12288xf32, #tpu.memory_space<hbm>>
        tpu.enqueue_dma source(%arg24 : memref<12288xf32, #tpu.memory_space<vmem>>) target(%dma_start3A_54 : memref<12288xf32, #tpu.memory_space<hbm>>) target_semaphore(%run_scoped3A : memref<!tpu.dma_semaphore, #tpu.memory_space<semaphore_mem>>)
        %dma_wait3A = arith.constant 0 : i32
        %dma_wait3A_55 = tpu.memref_slice %arg5[%add3A_11, %dma_wait3A] : memref<64x12288xf32, #tpu.memory_space<hbm>> -> memref<1x12288xf32, #tpu.memory_space<hbm>>
        %dma_wait3A_56 = tpu.memref_squeeze %dma_wait3A_55 : memref<1x12288xf32, #tpu.memory_space<hbm>> -> memref<12288xf32, #tpu.memory_space<hbm>>
        %dma_wait3A_57 = arith.constant 0 : i32
        %dma_wait3A_58 = tpu.memref_slice %arg5[%add3A_11, %dma_wait3A_57] : memref<64x12288xf32, #tpu.memory_space<hbm>> -> memref<1x12288xf32, #tpu.memory_space<hbm>>
        %dma_wait3A_59 = tpu.memref_squeeze %dma_wait3A_58 : memref<1x12288xf32, #tpu.memory_space<hbm>> -> memref<12288xf32, #tpu.memory_space<hbm>>
        tpu.wait_dma2 semaphore(%run_scoped3A : memref<!tpu.dma_semaphore, #tpu.memory_space<semaphore_mem>>) src(%arg24 : memref<12288xf32, #tpu.memory_space<vmem>>) dst(%dma_wait3A_59 : memref<12288xf32, #tpu.memory_space<hbm>>)
        tpu.yield
      }) : () -> ()
      "tpu.region"() ({
        %run_scoped3A = tpu.sem_alloc : memref<!tpu.dma_semaphore, #tpu.memory_space<semaphore_mem>>
        %dma_start3A = arith.constant 0 : i32
        %dma_start3A_50 = tpu.memref_slice %arg6[%add3A_11, %dma_start3A] : memref<64x384xf32, #tpu.memory_space<hbm>> -> memref<1x384xf32, #tpu.memory_space<hbm>>
        %dma_start3A_51 = tpu.memref_squeeze %dma_start3A_50 : memref<1x384xf32, #tpu.memory_space<hbm>> -> memref<384xf32, #tpu.memory_space<hbm>>
        %dma_start3A_52 = arith.constant 0 : i32
        %dma_start3A_53 = tpu.memref_slice %arg6[%add3A_11, %dma_start3A_52] : memref<64x384xf32, #tpu.memory_space<hbm>> -> memref<1x384xf32, #tpu.memory_space<hbm>>
        %dma_start3A_54 = tpu.memref_squeeze %dma_start3A_53 : memref<1x384xf32, #tpu.memory_space<hbm>> -> memref<384xf32, #tpu.memory_space<hbm>>
        tpu.enqueue_dma source(%arg25 : memref<384xf32, #tpu.memory_space<vmem>>) target(%dma_start3A_54 : memref<384xf32, #tpu.memory_space<hbm>>) target_semaphore(%run_scoped3A : memref<!tpu.dma_semaphore, #tpu.memory_space<semaphore_mem>>)
        %dma_wait3A = arith.constant 0 : i32
        %dma_wait3A_55 = tpu.memref_slice %arg6[%add3A_11, %dma_wait3A] : memref<64x384xf32, #tpu.memory_space<hbm>> -> memref<1x384xf32, #tpu.memory_space<hbm>>
        %dma_wait3A_56 = tpu.memref_squeeze %dma_wait3A_55 : memref<1x384xf32, #tpu.memory_space<hbm>> -> memref<384xf32, #tpu.memory_space<hbm>>
        %dma_wait3A_57 = arith.constant 0 : i32
        %dma_wait3A_58 = tpu.memref_slice %arg6[%add3A_11, %dma_wait3A_57] : memref<64x384xf32, #tpu.memory_space<hbm>> -> memref<1x384xf32, #tpu.memory_space<hbm>>
        %dma_wait3A_59 = tpu.memref_squeeze %dma_wait3A_58 : memref<1x384xf32, #tpu.memory_space<hbm>> -> memref<384xf32, #tpu.memory_space<hbm>>
        tpu.wait_dma2 semaphore(%run_scoped3A : memref<!tpu.dma_semaphore, #tpu.memory_space<semaphore_mem>>) src(%arg25 : memref<384xf32, #tpu.memory_space<vmem>>) dst(%dma_wait3A_59 : memref<384xf32, #tpu.memory_space<hbm>>)
        tpu.yield
      }) : () -> ()
    }
    %scan3A_7 = arith.constant 2 : i32
    return
  }
}

</mosaic_0001>

<sc_bundles>
// kernel: kernel.3.cloned.1.call-start
scs
__scs_entry_jumppad:
0x0: {  	(pc) =	sbr.rel $0x88, $3  }
0x1: {  	(tag) =	ssettag $0x0;
	lr =	simm.s32 $0x1  }
0x2: {  	[smem:$0x3FA0] =	sst lr;
	_ =	strace $0xD0000000  }
0x3: {  	_ = 	snop  }
0x4: {  	_ = 	snop  }
0x5: {  	_ = 	snop  }
0x6: {  	_ = 	snop  }
0x7: {  	_ = 	snop  }
__scs_overlays_trampoline_lowered:
0x8: {  	[smem:$0x3FAF] =	sst s0  }
0x9: {  	[smem:$0x3FB0] =	sst s1  }
0xa: {  	[smem:$0x3FB1] =	sst s2  }
0xb: {  	[smem:$0x3FB2] =	sst s3  }
0xc: {  	[smem:$0x3FB3] =	sst s4  }
0xd: {  	[smem:$0x3FB4] =	sst s5  }
0xe: {  	[smem:$0x3FB5] =	sst s6  }
0xf: {  	[smem:$0x3FB6] =	sst s7  }
0x10: {  	[smem:$0x3FB7] =	sst s8  }
0x11: {  	[smem:$0x3FB8] =	sst s9;
	s0 =	simm.s32 @!p0 $0x0  }
0x12: {  	s1 =	sld [smem:$0x3F9E];
	s0 =	simm.s32 @p0 $0x1  }
0x13: {  	[smem:$0x3FB9] =	sst s0;
	s0 =	simm.s32 @!p1 $0x0  }
0x14: {  	s2 =	sld [smem:$0x3F9D];
	s0 =	simm.s32 @p1 $0x1  }
0x15: {  	[smem:$0x3FBA] =	sst s0;
	s0 =	simm.s32 @!p2 $0x0  }
0x16: {  	s3 =	sld [smem:$0x3FDB];
	s0 =	simm.s32 @p2 $0x1  }
0x17: {  	s4 =	simm.s32 $0x1BF5;
	[smem:$0x3FBC] =	sst s0  }
0x18: {  	s0 =	sld [smem:$0x3F9F];
	_ =	swait.ge [sflag:s4], $0x0  }
0x19: {  	s7 =	sld [smem:$0x3FA0]  }
0x1a: {  	s8 =	sadd.s32 $0xFFFFE003, lr  }
0x1b: {  	s9 =	sadd.s32 $0xFFFFFEF7, lr;
	s5 =	simm.s32 $0xFFFFFFFF;
	p2 =	slt.u32 s8, $0xFFFFF086  }
0x1c: {  	p1 =	slt.u32 s9, $0xF7A;
	s5 =	simm.s32 @!p2 $0x0  }
0x1d: {  	s5 =	simm.s32 @p1 $0x1;
	p0 =	seq.s32 s7, s2  }
0x1e: {  	s7 =	smul.u32 @!p0 $0xF7A, s2;
	p2 =	seq.s32 @!p0 s5, $0x0  }
0x1f: {  	s9 =	smul.u32 $0xF7A, s1;
	s8 =	simm.s32 @!p0 $0x1BF5;
	p2 =	por !p2, p0  }
0x20: {  	[sflag:s8] =	ssyncset.s32 @!p0 $0xFFFFF086;
	s6 =	sadd.s32 @!p0 s3, s7;
	s7 =	simm.s32 @!p0 $0x108  }
0x21: {  	s3 =	sadd.s32 s3, s9;
	s6 =	sadd.s32 @!p0 $0x88, s6;
	s7 =	simm.s32 @p2 $0x1082  }
0x22: {  	[simem:s7], [sflag:s8] =	dma.local @!p0 [hbm:s6], $0xF7A  }
0x23: {  	s9 =	sor.u32 $0xD0000000, s2;
	s6 =	simm.s32 $0x108;
	_ =	swait.ge @!p0 [sflag:s8], $0x0  }
0x24: {  	s3 =	sadd.s32 $0x88, s3;
	s6 =	simm.s32 @!p1 $0x1082;
	[sflag:s4] =	ssyncset.s32 $0xFFFFF086  }
0x25: {  	[simem:s6], [sflag:s4] =	dma.local [hbm:s3], $0xF7A  }
0x26: {  	[smem:$0x3FA0] =	sst s1;
	(tag) =	ssettag s2;
	_ =	strace s9  }
0x27: {  	s1 =	sld [smem:$0x3FB0]  }
0x28: {  	s2 =	sld [smem:$0x3FB1]  }
0x29: {  	s4 =	sld [smem:$0x3FB3]  }
0x2a: {  	p0 =	seq.s32 s5, $0x0;
	s5 =	sld [smem:$0x3FB4]  }
0x2b: {  	s6 =	sld [smem:$0x3FB5]  }
0x2c: {  	s7 =	sld [smem:$0x3FB6]  }
0x2d: {  	s3 =	simm.s32 $0x108;
	s8 =	sld [smem:$0x3FB7]  }
0x2e: {  	s3 =	simm.s32 @!p0 $0x1082;
	s9 =	sld [smem:$0x3FB8]  }
0x2f: {  	lr =	sadd.s32 s0, s3;
	s0 =	sld [smem:$0x3FAF]  }
0x30: {  	s3 =	sld [smem:$0x3FB2]  }
0x31: {  	[smem:$0x3FBB] =	sst s10  }
0x32: {  	s10 =	sld [smem:$0x3FB9];
	_ =	sdelay $0x3  }
0x33: {  	p0 =	seq.s32 s10, $0x1;
	s10 =	sld [smem:$0x3FBB];
	_ =	sdelay $0x3  }
0x34: {  	[smem:$0x3FBB] =	sst s10  }
0x35: {  	s10 =	sld [smem:$0x3FBA];
	_ =	sdelay $0x3  }
0x36: {  	p1 =	seq.s32 s10, $0x1;
	s10 =	sld [smem:$0x3FBB];
	_ =	sdelay $0x3  }
0x37: {  	[smem:$0x3FBB] =	sst s10  }
0x38: {  	s10 =	sld [smem:$0x3FBC]  }
0x39: {  	_ = 	snop;
	(pc) =	sbr.ind lr, $3  }
0x3a: {  	_ = 	snop  }
0x3b: {  	_ = 	snop  }
0x3c: {  	p2 =	seq.s32 s10, $0x1;
	s10 =	sld [smem:$0x3FBB]  }
0x3d: {  	_ =	shalt  }
0x3e: {  	_ =	shalt  }
0x3f: {  	_ =	shalt  }
0x40: {  	_ =	shalt  }
0x41: {  	_ =	shalt  }
0x42: {  	_ =	shalt  }
0x43: {  	_ =	shalt  }
0x44: {  	_ =	shalt  }
0x45: {  	_ =	shalt  }
0x46: {  	_ =	shalt  }
0x47: {  	_ =	shalt  }
0x48: {  	_ =	shalt  }
0x49: {  	_ =	shalt  }
0x4a: {  	_ =	shalt  }
0x4b: {  	_ =	shalt  }
0x4c: {  	_ =	shalt  }
0x4d: {  	_ =	shalt  }
0x4e: {  	_ =	shalt  }
0x4f: {  	_ =	shalt  }
0x50: {  	_ =	shalt  }
0x51: {  	_ =	shalt  }
0x52: {  	_ =	shalt  }
0x53: {  	_ =	shalt  }
0x54: {  	_ =	shalt  }
0x55: {  	_ =	shalt  }
0x56: {  	_ =	shalt  }
0x57: {  	_ =	shalt  }
0x58: {  	_ =	shalt  }
0x59: {  	_ =	shalt  }
0x5a: {  	_ =	shalt  }
0x5b: {  	_ =	shalt  }
0x5c: {  	_ =	shalt  }
0x5d: {  	_ =	shalt  }
0x5e: {  	_ =	shalt  }
0x5f: {  	_ =	shalt  }
0x60: {  	_ =	shalt  }
0x61: {  	_ =	shalt  }
0x62: {  	_ =	shalt  }
0x63: {  	_ =	shalt  }
0x64: {  	_ =	shalt  }
0x65: {  	_ =	shalt  }
0x66: {  	_ =	shalt  }
0x67: {  	_ =	shalt  }
0x68: {  	_ =	shalt  }
0x69: {  	_ =	shalt  }
0x6a: {  	_ =	shalt  }
0x6b: {  	_ =	shalt  }
0x6c: {  	_ =	shalt  }
0x6d: {  	_ =	shalt  }
0x6e: {  	_ =	shalt  }
0x6f: {  	_ =	shalt  }
0x70: {  	_ =	shalt  }
0x71: {  	_ =	shalt  }
0x72: {  	_ =	shalt  }
0x73: {  	_ =	shalt  }
0x74: {  	_ =	shalt  }
0x75: {  	_ =	shalt  }
0x76: {  	_ =	shalt  }
0x77: {  	_ =	shalt  }
0x78: {  	_ =	shalt  }
0x79: {  	_ =	shalt  }
0x7a: {  	_ =	shalt  }
0x7b: {  	_ =	shalt  }
0x7c: {  	_ =	shalt  }
0x7d: {  	_ =	shalt  }
0x7e: {  	_ =	shalt  }
0x7f: {  	_ =	shalt  }
0x80: {  	_ =	shalt  }
0x81: {  	_ =	shalt  }
0x82: {  	_ =	shalt  }
0x83: {  	_ =	shalt  }
0x84: {  	_ =	shalt  }
0x85: {  	_ =	shalt  }
0x86: {  	_ =	shalt  }
0x87: {  	_ =	shalt  }
.Lfunc_end0:
.L_simem_size_0:
called_computation_lowered:
.L_overlay_start_0:
0x88: {  	s2 =	sld [smem:$0x3FD9]  }
0x89: {  	s3 =	sld [smem:$0x3FFE];
	_ =	sdelay $0x1  }
0x8a: {  	s1 =	srdreg.scid  }
0x8b: {  	s0 =	sand.u32 $0x1, s1  }
0x8c: {  	s14 =	sshll.u32 s0, $0xA;
	s2 =	sadd.s32 s3, s2  }
0x8d: {  	s2 =	sadd.s32 s2, s14  }
0x8e: {  	[smem:$0x3FC7] =	sst s2  }
0x8f: {  	_ = 	snop  }
0x90: {  	s2 =	sld [smem:$0x3FD0];
	_ =	sdelay $0x2  }
0x91: {  	s15 =	simm.s32 $0xA;
	s4 =	simm.s32 $0x10  }
0x92: {  	[smem:s4], [sflag:s15] =	dma.local [hbm:s2], $0x1  }
0x93: {  	_ =	swait.eq [sflag:s15], $0x1  }
0x94: {  	[sflag:s15] =	ssyncset.done $0x0  }
0x95: {  	s16 =	sld [smem:$0x10];
	[sflag:s15] =	ssyncadd.s32 $0xFFFFFFFF  }
0x96: {  	s17 =	sld [smem:$0x11];
	(tm) =	ssettm $0x1  }
0x97: {  	s18 =	sld [smem:$0x3FFB];
	_ =	sdelay $0x3  }
0x98: {  	_ =	strace s18  }
0x99: {  	s4 =	sld [smem:$0x3FFC];
	_ =	sdelay $0x3  }
0x9a: {  	_ =	strace s4  }
0x9b: {  	s4 =	sld [smem:$0x3FFD];
	_ =	sdelay $0x3  }
0x9c: {  	_ =	strace s4  }
0x9d: {  	_ =	strace $0x8FFFFFFF  }
0x9e: {  	s19 =	sld [smem:$0x3FDB];
	_ =	sdelay $0x1  }
0x9f: {  	s5 =	simm.s32 $_scs_section_size  }
0xa0: {  	s6 =	simm.s32 $_size__tile_overlayer_lowered;
	s7 =	simm.s32 $_tile_overlayer_lowered  }
0xa1: {  	s22 =	simm.s32 $0x1BFF;
	s21 =	sshll.u32 s7, $0x1;
	s4 =	sadd.s32 s5, s19  }
0xa2: {  	s8 =	simm.s32 $0x0;
	s20 =	sshll.u32 s6, $0x1;
	s6 =	sadd.s32 s21, s4  }
0xa3: {  	[timem:s8], [sflag:s22] =	dma.local [hbm:s6], s20  }
0xa4: {  	_ =	swait.ge [sflag:s22], s20  }
0xa5: {  	s5 =	ssub.s32 $0x0, s20;
	[sflag:s22] =	ssyncset.done $0x0  }
0xa6: {  	[sflag:s22] =	ssyncadd.s32 s5;
	_ =	sdelay $0x1  }
0xa7: {  	s23 =	simm.s32 $0x1B8B  }
0xa8: {  	_ =	swait.ge [sflag:s23], $0x1  }
0xa9: {  	[sflag:s23] =	ssyncset.done $0x0  }
0xaa: {  	s25 =	simm.s32 $0x1B8E;
	s24 =	sld [smem:$0x3FFE];
	[sflag:s23] =	ssyncadd.s32 $0xFFFFFFFF  }
0xab: {  	s26 =	simm.s32 $execute0_lowered;
	[smem:$0x3FD2] =	sst s25  }
0xac: {  	s6 =	sshll.u32 s26, $0x1;
	_ =	strace $0x80000046;
	[dreg:$0x1] =	wrdreg $0xFFFFFFFF  }
0xad: {  	s28 =	simm.s32 $_size_execute0_lowered;
	s4 =	sadd.s32 s4, s6;
	[dreg:$0x0] =	wrdreg $0x0  }
0xae: {  	s6 =	sshll.u32 s28, $0x1;
	[dreg:$0x2] =	wrdreg s4  }
0xaf: {  	[dreg:$0x3] =	wrdreg s6  }
0xb0: {  	[dreg:$0x4] =	wrdreg $0xC0  }
0xb1: {  	_ =	task [dreg:s8], $0x5FFFF  }
0xb2: {  	[dreg:$0x1] =	wrdreg $0xFFFFFFFF  }
0xb3: {  	[dreg:$0x0] =	wrdreg $0x60  }
0xb4: {  	[dreg:$0x2] =	wrdreg s24  }
0xb5: {  	[dreg:$0x3] =	wrdreg s16  }
0xb6: {  	[dreg:$0x4] =	wrdreg s17  }
0xb7: {  	[dreg:$0x5] =	wrdreg $0x9  }
0xb8: {  	_ =	task.clear_ibuf [dreg:s8], $0x6FFFF;
	_ =	strace $0x90000046  }
0xb9: {  	s29 =	simm.s32 $0x9;
	_ =	strace $0x80000048  }
0xba: {  	_ =	swait.ge [sflag:s29], $0x1  }
0xbb: {  	[sflag:s29] =	ssyncadd.s32 $0xFFFFFFFF  }
0xbc: {  	_ =	strace $0x90000048  }
0xbd: {  	_ =	sfence  }
0xbe: {  	s30 =	sld [smem:$0x0];
	_ =	sdelay $0x2  }
0xbf: {  	s31 =	sshll.u32 s1, $0xD;
	s1 =	sshrl.u32 s1, $0x2  }
0xc0: {  	s3 =	sand.u32 $0x4000, s31;
	s1 =	sadd.s32 s1, s30  }
0xc1: {  	s0 =	sor.u32 s3, s0;
	s1 =	sshll.u32 s1, $0x11  }
0xc2: {  	s0 =	sor.u32 s1, s0  }
0xc3: {  	s0 =	sadd.s32 $0x8F2B, s0  }
0xc4: {  	[sflag:s0] =	ssyncadd.remote.s32 $0x1  }
0xc5: {  	_ =	sfence.sel $0xFFFF  }
0xc6: {  	[dreg:$0x0] =	wrdreg $0xFFFFFFFF;
	(pc) =	sbr.abs _section_cstart, $3  }
0xc7: {  	[dreg:$0x1] =	wrdreg $0xFFFFFFFF  }
0xc8: {  	_ =	task.clear_ibuf [dreg:s8], $0x2FFFF;
	_ =	strace $0x9FFFFFFF  }
0xc9: {  	(tm) =	ssettm $0x7FFFFFFF  }
tec
execute0_lowered:
.L_overlay_start_1:
0x0: {  	(tag) =	ssettag $0x1  }
0x1: {  	s0 =	rddreg [dreg:$0x0]  }
0x2: {  	s3 =	simm.s32 $0x0;
	s1 =	srdreg.scid;
	s4 =	stileid.u32  }
0x3: {  	s15 =	simm.s32 $0x1;
	s16 =	simm.s32 $0x800;
	s17 =	simm.s32 $0x1000  }
0x4: {  	s18 =	simm.s32 $0x2800;
	s19 =	simm.s32 $0x2880;
	s20 =	simm.s32 $0x2900  }
0x5: {  	s21 =	simm.s32 $0x2A00;
	s22 =	simm.s32 $0x2A80;
	s28 =	simm.s32 $0x4480  }
0x6: {  	s29 =	simm.s32 $0x7480;
	[smem:$0x7FF] =	sst s3;
	s1 =	sand.u32 $0x1, s1  }
0x7: {  	s2 =	sadd.s32 $0x8A00, s0;
	s23 =	sadd.s32 $0x4A00, s0;
	s0 =	sadd.s32 $0xA00, s0  }
0x8: {  	s26 =	sshll.u32 s4, $0x9;
	_ =	strace $0x80000047;
	[dreg:$0x4] =	wrdreg s2  }
0x9: {  	s4 =	sshrl.u32 s4, $0x1;
	[dreg:$0x5] =	wrdreg s23;
	s24 =	ssub.s32 $0x2, s1  }
0xa: {  	[dreg:$0x6] =	wrdreg s0;
	s1 =	sshll.u32 s1, $0x8;
	s30 =	smul.u32 $0x18000, s4  }
0xb: {  	s5 =	sshll.u32 s4, $0xE;
	s4 =	smul.u32 $0xC00, s4;
	s31 =	sand.u32 $0x200, s26  }
0xc: {  	s23 =	simm.s32 $0x4300;
	s25 =	sshrl.u32 s24, $0x1;
	[dreg:$0x7] =	wrdreg s5  }
0xd: {  	s26 =	simm.s32 $0x2980;
	s0 =	ssub.s32 s24, s25;
	[dreg:$0x8] =	wrdreg s30  }
0xe: {  	[dreg:$0x9] =	wrdreg s4;
	s4 =	simm.s32 $0x400;
	s0 =	smax.u32 s0, $0x1  }
0xf: {  	v0 =	vimm.f32 $1.000000000e+10;
	v1 =	vlaneseq.u32;
	v2 =	vimm.f32 $0.0e+00;
	s24 =	simm.s32 $0x4380;
	[dreg:$0xa] =	wrdreg s0;
	s0 =	sor.u32 s1, s31  }
0x10: {  	v3 =	vimm.s32 $0x0;
	v4 =	vimm.f32 $3.000000010e+38;
	vm0 =	vcmask $0x3F08;
	s25 =	simm.s32 $0x4400;
	s1 =	simm.s32 $0x0;
	[dreg:$0xb] =	wrdreg s0  }
.LBB2_1:
0x11: {  	[dreg:$0xc] =	wrdreg s1;
	p1 =	por $0x1, $0x1;
	s0 =	simm.s32 $0x0  }
.LBB2_2:
0x12: {  	s1 =	rddreg [dreg:$0xb]  }
0x13: {  	s12 =	rddreg [dreg:$0x7];
	s31 =	sor.u32 s1, s0  }
0x14: {  	s0 =	sor.u32 s12, s31  }
0x15: {  	s13 =	rddreg [dreg:$0x4];
	s0 =	sshrl.u32 s0, $0x3  }
0x16: {  	s2 =	simm.s32 $0x80;
	s1 =	sadd.s32 s13, s0  }
0x17: {  	[tilespmem:s3], [sflag:$0x1] =	stream.strided.gather [hbm4b:s1+s2], $0x800, s4, s2, $0x38;
	[tilespmem:$0x7600] =	vst v63  }
0x18: {  	_ =	swait.ge [sflag:s15], $0x800  }
0x19: {  	[sflag:s15] =	ssyncset.done $0x0;
	s14 =	rddreg [dreg:$0x5]  }
0x1a: {  	[sflag:s15] =	ssyncadd.s32 $0xFFFFF800;
	s1 =	sadd.s32 s14, s0  }
0x1b: {  	[tilespmem:s16], [sflag:$0x1] =	stream.strided.gather [hbm4b:s1+s2], $0x800, s4, s2, $0x38;
	[tilespmem:$0x7600] =	vst v63  }
0x1c: {  	_ =	swait.ge [sflag:s15], $0x800  }
0x1d: {  	[sflag:s15] =	ssyncset.done $0x0;
	s30 =	rddreg [dreg:$0x6]  }
0x1e: {  	[sflag:s15] =	ssyncadd.s32 $0xFFFFF800;
	s0 =	sadd.s32 s30, s0  }
0x1f: {  	[tilespmem:s17], [sflag:$0x1] =	stream.strided.gather [hbm4b:s0+s2], $0x800, s4, s2, $0x38;
	[tilespmem:$0x7600] =	vst v63  }
0x20: {  	_ =	swait.ge [sflag:s15], $0x800  }
0x21: {  	[sflag:s15] =	ssyncset.done $0x0  }
0x22: {  	s0 =	simm.s32 $0x1840;
	[sflag:s15] =	ssyncadd.s32 $0xFFFFF800  }
0x23: {  	[tilespmem:s0+$0xFFFFFFC0] =	vst v0  }
0x24: {  	[tilespmem:s0+$0x30] =	vst v0  }
0x25: {  	[tilespmem:s0+$0x20] =	vst v0  }
0x26: {  	[tilespmem:s0+$0x10] =	vst v0  }
0x27: {  	[tilespmem:s0+$0x0] =	vst v0  }
0x28: {  	[tilespmem:s0+$0xFFFFFFF0] =	vst v0  }
0x29: {  	p0 =	por p1, p1;
	s1 =	simm.s32 $0x0;
	[tilespmem:s0+$0xFFFFFFE0] =	vst v0  }
.LBB2_3:
0x2a: {  	s1 =	sadd.s32 $0x8, s1;
	[tilespmem:s0+$0xFFFFFFD0] =	vst v0;
	s0 =	sadd.s32 $0x80, s0  }
0x2b: {  	[tilespmem:s0+$0xFFFFFFC0] =	vst v0;
	p1 =	slt.u32 s1, $0x78  }
0x2c: {  	[tilespmem:s0+$0x30] =	vst v0  }
.Ltmp0:
0x2d: {  	[tilespmem:s0+$0x20] =	vst v0;
	(pc) =	sbr.rel @p1 .LBB2_3-.Ltmp0, $4  }
0x2e: {  	[tilespmem:s0+$0x10] =	vst v0  }
0x2f: {  	[tilespmem:s0+$0x0] =	vst v0  }
0x30: {  	[tilespmem:s0+$0xFFFFFFF0] =	vst v0  }
0x31: {  	[tilespmem:s0+$0xFFFFFFE0] =	vst v0  }
0x32: {  	[tilespmem:s0+$0xFFFFFFD0] =	vst v0;
	s1 =	simm.s32 $0x0;
	s0 =	simm.s32 $0x0  }
.LBB2_5:
0x33: {  	v5 =	vmov s1;
	_ =	sdelay $0x4  }
0x34: {  	v8 =	vmov s0;
	v6 =	vld.idx.msk [tilespmem:v5+s3+$0x0], $0xffff  }
0x35: {  	v7 =	vld.idx.msk [tilespmem:v5+s16+$0x0], $0xffff  }
0x36: {  	v5 =	vld.idx.msk [tilespmem:v5+s17+$0x0], $0xffff;
	_ =	sdelay $0x2  }
0x37: {  	[tilespmem:v8+s18+$0x0] =	vst.idx.msk $0x1, v6  }
0x38: {  	[tilespmem:v8+s19+$0x0] =	vst.idx.msk $0x1, v7  }
0x39: {  	s2 =	simm.s32 $0x40;
	[tilespmem:v8+s20+$0x0] =	vst.idx.msk $0x1, v5  }
0x3a: {  	s8 =	simm.s32 $0x840;
	v8 =	vld [tilespmem:s2+$0xFFFFFFC0]  }
0x3b: {  	v9 =	vld [tilespmem:s8+$0xFFFFFFC0]  }
0x3c: {  	s7 =	simm.s32 $0x1040  }
0x3d: {  	v10 =	vld [tilespmem:s7+$0xFFFFFFC0];
	_ =	sdelay $0x2  }
0x3e: {  	v11 =	vld [tilespmem:s8+$0x0];
	v9 =	vsub.f32 v9, v7;
	v8 =	vsub.f32 v8, v6  }
0x3f: {  	v12 =	vld [tilespmem:s2+$0x0]  }
0x40: {  	s4 =	simm.s32 $0x1840;
	v13 =	vld [tilespmem:s7+$0x0];
	v10 =	vsub.f32 v10, v5;
	v9 =	vmul.f32 v9, v9;
	v8 =	vmul.f32 v8, v8  }
0x41: {  	v14 =	vld [tilespmem:s4+$0xFFFFFFC0]  }
0x42: {  	v8 =	vadd.f32 v9, v8;
	v9 =	vmul.f32 v10, v10  }
0x43: {  	v10 =	vsub.f32 v11, v7  }
0x44: {  	v11 =	vsub.f32 v12, v6;
	v8 =	vadd.f32 v9, v8  }
0x45: {  	v9 =	vsub.f32 v13, v5  }
0x46: {  	v10 =	vmul.f32 v10, v10;
	v11 =	vmul.f32 v11, v11;
	v12 =	vmin.f32 v14, v8  }
0x47: {  	v8 =	vld [tilespmem:s4+$0x0];
	[tilespmem:s4+$0xFFFFFFC0] =	vst v12  }
0x48: {  	v9 =	vmul.f32 v9, v9;
	v10 =	vadd.f32 v10, v11;
	v11 =	vld [tilespmem:s8+$0xFFFFFFD0]  }
0x49: {  	v13 =	vld [tilespmem:s2+$0xFFFFFFD0]  }
0x4a: {  	v9 =	vadd.f32 v9, v10  }
0x4b: {  	v10 =	vld [tilespmem:s7+$0xFFFFFFD0]  }
0x4c: {  	v14 =	vmin.f32 v8, v9  }
0x4d: {  	[tilespmem:s4+$0x0] =	vst v14  }
0x4e: {  	v8 =	vsub.f32 v11, v7;
	v9 =	vld [tilespmem:s8+$0x10];
	v11 =	vsub.f32 v13, v6  }
0x4f: {  	v13 =	vld [tilespmem:s2+$0x10]  }
0x50: {  	v15 =	vld [tilespmem:s7+$0x10];
	v10 =	vsub.f32 v10, v5;
	v8 =	vmul.f32 v8, v8;
	v11 =	vmul.f32 v11, v11  }
0x51: {  	v16 =	vld [tilespmem:s4+$0xFFFFFFD0]  }
0x52: {  	v10 =	vmul.f32 v10, v10;
	v8 =	vadd.f32 v8, v11  }
0x53: {  	s11 =	simm.s32 $0xC0;
	v11 =	vsub.f32 v9, v7  }
0x54: {  	v17 =	vld [tilespmem:s11+$0xFFFFFFC0];
	v13 =	vsub.f32 v13, v6;
	v8 =	vadd.f32 v10, v8  }
0x55: {  	s30 =	simm.s32 $0x10C0;
	v18 =	vld [tilespmem:s4+$0x10];
	v9 =	vimm.f32 $-1.000000000e+00;
	v10 =	vsub.f32 v15, v5  }
0x56: {  	s6 =	simm.s32 $0x8C0;
	s9 =	simm.s32 $0x0;
	v19 =	vld [tilespmem:s30+$0x0];
	v11 =	vmul.f32 v11, v11;
	v13 =	vmul.f32 v13, v13;
	v16 =	vmin.f32 v16, v8  }
0x57: {  	v20 =	vor.u32 s9, v1;
	v15 =	vld [tilespmem:s6+$0xFFFFFFC0];
	vm1 =	vgt.f32 v12, v9;
	[tilespmem:s4+$0xFFFFFFD0] =	vst v16  }
0x58: {  	v8 =	vimm.s32 $0x0;
	v10 =	vmul.f32 v10, v10;
	v11 =	vadd.f32 v11, v13;
	v21 =	vld [tilespmem:s2+$0xFFFFFFE0]  }
0x59: {  	v12 =	vsel vm1, v12, v9;
	v13 =	vsel vm1, v20, v8;
	v20 =	vld [tilespmem:s8+$0xFFFFFFE0]  }
0x5a: {  	v22 =	vor.u32 s2, v1;
	vm1 =	vgt.f32 v14, v12;
	v23 =	vld [tilespmem:s7+$0xFFFFFFE0];
	v10 =	vadd.f32 v10, v11  }
0x5b: {  	s10 =	simm.s32 $0x60;
	v17 =	vsub.f32 v17, v6;
	v11 =	vsel vm1, v14, v12;
	v12 =	vsel vm1, v22, v13;
	v13 =	vld [tilespmem:s30+$0xFFFFFFC0]  }
0x5c: {  	s5 =	simm.s32 $0x20;
	v24 =	vor.u32 s10, v1;
	v22 =	vld [tilespmem:s6+$0x0];
	v15 =	vsub.f32 v15, v7;
	v10 =	vmin.f32 v18, v10  }
0x5d: {  	s12 =	simm.s32 $0x10;
	v25 =	vor.u32 s5, v1;
	v19 =	vsub.f32 v19, v5;
	v17 =	vmul.f32 v17, v17;
	v18 =	vld [tilespmem:s11+$0x0];
	[tilespmem:s4+$0x10] =	vst v10  }
0x5e: {  	v14 =	vor.u32 s12, v1;
	vm1 =	vgt.f32 v16, v9;
	v15 =	vmul.f32 v15, v15;
	v26 =	vld [tilespmem:s8+$0x20]  }
0x5f: {  	v14 =	vsel vm1, v14, v8;
	v20 =	vsub.f32 v20, v7;
	v21 =	vsub.f32 v21, v6;
	v27 =	vld [tilespmem:s2+$0x20]  }
0x60: {  	s1 =	simm.s32 $0x18C0;
	v16 =	vsel vm1, v16, v9;
	v28 =	vld [tilespmem:s7+$0x20];
	v15 =	vadd.f32 v15, v17;
	v13 =	vsub.f32 v13, v5  }
0x61: {  	v17 =	vld [tilespmem:s1+$0xFFFFFFC0];
	v22 =	vsub.f32 v22, v7;
	v20 =	vmul.f32 v20, v20;
	v21 =	vmul.f32 v21, v21  }
0x62: {  	vm1 =	vgt.f32 v10, v16;
	v23 =	vsub.f32 v23, v5;
	v13 =	vmul.f32 v13, v13  }
0x63: {  	v18 =	vsub.f32 v18, v6;
	v22 =	vmul.f32 v22, v22;
	v20 =	vadd.f32 v20, v21;
	v21 =	vld [tilespmem:s4+$0xFFFFFFE0]  }
0x64: {  	v13 =	vadd.f32 v13, v15;
	v15 =	vmul.f32 v23, v23;
	v23 =	vsub.f32 v27, v6  }
0x65: {  	v18 =	vmul.f32 v18, v18;
	v26 =	vsub.f32 v26, v7;
	v27 =	vsub.f32 v28, v5  }
0x66: {  	v13 =	vmin.f32 v17, v13;
	v17 =	vmul.f32 v19, v19;
	v19 =	vld [tilespmem:s1+$0x0];
	v15 =	vadd.f32 v15, v20  }
0x67: {  	s13 =	simm.s32 $0x50;
	v18 =	vadd.f32 v22, v18;
	v20 =	vmul.f32 v23, v23;
	v22 =	vmul.f32 v26, v26;
	v23 =	vld [tilespmem:s4+$0x20];
	[tilespmem:s1+$0xFFFFFFC0] =	vst v13  }
0x68: {  	v26 =	vor.u32 s13, v1;
	v63 =	vld [tilespmem:s30+$0xFFFFFFD0];
	v21 =	vmin.f32 v21, v15;
	v15 =	vsel vm1, v10, v16  }
0x69: {  	s14 =	simm.s32 $0x80;
	v10 =	vld [tilespmem:s6+$0xFFFFFFD0];
	v16 =	vadd.f32 v17, v18;
	v17 =	vadd.f32 v22, v20;
	v18 =	vmul.f32 v27, v27;
	[tilespmem:s4+$0xFFFFFFE0] =	vst v21  }
0x6a: {  	v14 =	vsel vm1, v26, v14;
	vm1 =	vgt.f32 v13, v11;
	v20 =	vor.u32 s14, v1;
	v26 =	vld [tilespmem:s2+$0xFFFFFFF0]  }
0x6b: {  	v11 =	vsel vm1, v13, v11;
	v17 =	vadd.f32 v18, v17;
	v13 =	vmin.f32 v19, v16;
	v16 =	vld [tilespmem:s7+$0xFFFFFFF0]  }
0x6c: {  	vm2 =	vgt.f32 v21, v9;
	v12 =	vsel vm1, v20, v12;
	v20 =	vor.u32 s11, v1;
	v19 =	vld [tilespmem:s11+$0xFFFFFFD0]  }
0x6d: {  	v18 =	vsel vm2, v21, v9;
	v27 =	vld [tilespmem:s8+$0xFFFFFFF0];
	v25 =	vsel vm2, v25, v8;
	[tilespmem:s1+$0x0] =	vst v13;
	v17 =	vmin.f32 v23, v17  }
0x6e: {  	vm1 =	vgt.f32 v13, v11;
	v21 =	vsub.f32 v10, v7;
	v22 =	vld [tilespmem:s30+$0x10];
	vm2 =	vgt.f32 v17, v18  }
0x6f: {  	v10 =	vsel vm1, v13, v11;
	[tilespmem:s4+$0x20] =	vst v17;
	v23 =	vld [tilespmem:s6+$0x10];
	v13 =	vsel vm2, v17, v18;
	v11 =	vsel vm2, v24, v25  }
0x70: {  	s5 =	simm.s32 $0xE0;
	v17 =	vsub.f32 v63, v5;
	v29 =	vsub.f32 v26, v6;
	v24 =	vmul.f32 v21, v21;
	v21 =	vld [tilespmem:s8+$0x30]  }
0x71: {  	s9 =	simm.s32 $0x2;
	s10 =	simm.s32 $0x140;
	s13 =	simm.s32 $0x70;
	v12 =	vsel vm1, v20, v12;
	v26 =	vld [tilespmem:s11+$0x10];
	v18 =	vsub.f32 v16, v5;
	v16 =	vsub.f32 v19, v6  }
0x72: {  	s14 =	simm.s32 $0x30;
	v20 =	vld [tilespmem:s7+$0x30];
	s7 =	simm.s32 $0xC0;
	s8 =	simm.s32 $0x8C0;
	v25 =	vmul.f32 v17, v17;
	v17 =	vsub.f32 v27, v7;
	v19 =	vmul.f32 v29, v29  }
.LBB2_6:
0x73: {  	s12 =	sadd.s32 $0x20, s10;
	s9 =	sadd.s32 $0x2, s9;
	v27 =	vmul.f32 v16, v16;
	v28 =	vor.u32 s14, v1;
	v29 =	vld [tilespmem:s2+$0x30];
	v30 =	vor.u32 s13, v1;
	s2 =	smov.u32 s11  }
0x74: {  	s13 =	sadd.s32 $0xFFFFFFE0, s7;
	v16 =	vor.u32 s5, v1;
	p1 =	slt.u32 s9, $0x1E;
	v31 =	vld [tilespmem:s1+$0xFFFFFFD0];
	v23 =	vsub.f32 v23, v7;
	v32 =	vmul.f32 v17, v17;
	s5 =	smov.u32 s12  }
0x75: {  	v17 =	vor.u32 s13, v1;
	s12 =	smov.u32 s30;
	s13 =	smov.u32 s7;
	s7 =	smov.u32 s10;
	v24 =	vadd.f32 v24, v27;
	v21 =	vsub.f32 v21, v7;
	v27 =	vld [tilespmem:s4+$0x30]  }
0x76: {  	v22 =	vsub.f32 v22, v5;
	s11 =	sadd.s32 $0x80, s11;
	v18 =	vmul.f32 v18, v18;
	v26 =	vsub.f32 v26, v6;
	v33 =	vld [tilespmem:s4+$0xFFFFFFF0]  }
0x77: {  	s6 =	sadd.s32 $0x80, s6;
	v23 =	vmul.f32 v23, v23;
	v19 =	vadd.f32 v32, v19;
	v34 =	vld [tilespmem:s11+$0xFFFFFFC0];
	v24 =	vadd.f32 v25, v24  }
0x78: {  	v22 =	vmul.f32 v22, v22;
	v20 =	vsub.f32 v20, v5;
	v25 =	vld [tilespmem:s6+$0xFFFFFFC0];
	v29 =	vsub.f32 v29, v6  }
0x79: {  	s30 =	sadd.s32 $0x80, s30;
	s14 =	sadd.s32 $0xFFFFFFD0, s13;
	v26 =	vmul.f32 v26, v26;
	v18 =	vadd.f32 v18, v19;
	v24 =	vmin.f32 v31, v24;
	v31 =	vld [tilespmem:s1+$0x10]  }
0x7a: {  	v32 =	vor.u32 s14, v1;
	v21 =	vmul.f32 v21, v21;
	v19 =	vld [tilespmem:s30+$0x0];
	[tilespmem:s1+$0xFFFFFFD0] =	vst v24;
	v29 =	vmul.f32 v29, v29  }
0x7b: {  	vm1 =	vgt.f32 v24, v15;
	v23 =	vadd.f32 v23, v26;
	v35 =	vld [tilespmem:s2+$0xFFFFFFE0];
	v18 =	vmin.f32 v33, v18  }
0x7c: {  	s14 =	sadd.s32 $0x10, s13;
	v20 =	vmul.f32 v20, v20;
	v26 =	vld [tilespmem:s8+$0xFFFFFFE0];
	[tilespmem:s4+$0xFFFFFFF0] =	vst v18;
	vm2 =	vgt.f32 v18, v9;
	v21 =	vadd.f32 v21, v29  }
0x7d: {  	v14 =	vsel vm1, v32, v14;
	v22 =	vadd.f32 v22, v23;
	v23 =	vor.u32 s14, v1;
	v29 =	vld [tilespmem:s12+$0xFFFFFFE0]  }
0x7e: {  	v15 =	vsel vm1, v24, v15;
	v8 =	vsel vm2, v28, v8;
	v32 =	vld [tilespmem:s30+$0xFFFFFFC0];
	v20 =	vadd.f32 v20, v21  }
0x7f: {  	v9 =	vsel vm2, v18, v9;
	v21 =	vsub.f32 v25, v7;
	v22 =	vmin.f32 v31, v22;
	v24 =	vld [tilespmem:s6+$0x0]  }
0x80: {  	v18 =	vsub.f32 v34, v6;
	v25 =	vld [tilespmem:s11+$0x0];
	v28 =	vsub.f32 v35, v6;
	[tilespmem:s1+$0x10] =	vst v22;
	v20 =	vmin.f32 v27, v20  }
0x81: {  	v21 =	vmul.f32 v21, v21;
	v26 =	vsub.f32 v26, v7;
	v27 =	vld [tilespmem:s8+$0x20];
	[tilespmem:s4+$0x30] =	vst v20;
	vm1 =	vgt.f32 v20, v9;
	s4 =	smov.u32 s1  }
0x82: {  	v18 =	vmul.f32 v18, v18;
	s1 =	sadd.s32 $0x80, s1;
	v29 =	vsub.f32 v29, v5;
	v31 =	vld [tilespmem:s2+$0x20];
	v9 =	vsel vm1, v20, v9  }
0x83: {  	v8 =	vsel vm1, v30, v8;
	v20 =	vsub.f32 v32, v5;
	v26 =	vmul.f32 v26, v26;
	v32 =	vld [tilespmem:s12+$0x20]  }
0x84: {  	v18 =	vadd.f32 v21, v18;
	v28 =	vmul.f32 v28, v28;
	v21 =	vld [tilespmem:s1+$0xFFFFFFC0];
	v24 =	vsub.f32 v24, v7  }
0x85: {  	v19 =	vsub.f32 v19, v5;
	vm1 =	vgt.f32 v22, v15;
	v20 =	vmul.f32 v20, v20  }
0x86: {  	v25 =	vsub.f32 v25, v6;
	v26 =	vadd.f32 v26, v28;
	v24 =	vmul.f32 v24, v24;
	v28 =	vld [tilespmem:s4+$0xFFFFFFE0]  }
0x87: {  	v18 =	vadd.f32 v20, v18;
	v20 =	vmul.f32 v29, v29;
	v29 =	vsub.f32 v31, v6  }
0x88: {  	v27 =	vsub.f32 v27, v7;
	v25 =	vmul.f32 v25, v25;
	v30 =	vsub.f32 v32, v5  }
0x89: {  	v19 =	vmul.f32 v19, v19;
	v18 =	vmin.f32 v21, v18;
	v21 =	vld [tilespmem:s1+$0x0];
	v20 =	vadd.f32 v20, v26  }
0x8a: {  	v24 =	vadd.f32 v24, v25;
	v25 =	vmul.f32 v29, v29;
	v26 =	vmul.f32 v27, v27;
	[tilespmem:s1+$0xFFFFFFC0] =	vst v18;
	v27 =	vld [tilespmem:s4+$0x20]  }
0x8b: {  	v15 =	vsel vm1, v22, v15;
	v14 =	vsel vm1, v23, v14;
	v29 =	vld [tilespmem:s30+$0xFFFFFFD0];
	v20 =	vmin.f32 v28, v20  }
0x8c: {  	s14 =	sadd.s32 $0xFFFFFFC0, s10;
	v19 =	vadd.f32 v19, v24;
	v23 =	vadd.f32 v26, v25;
	v24 =	vmul.f32 v30, v30;
	v22 =	vld [tilespmem:s6+$0xFFFFFFD0];
	[tilespmem:s4+$0xFFFFFFE0] =	vst v20  }
0x8d: {  	vm1 =	vgt.f32 v18, v10;
	v25 =	vor.u32 s14, v1;
	vm2 =	vgt.f32 v20, v13;
	v26 =	vld [tilespmem:s2+$0xFFFFFFF0]  }
0x8e: {  	v10 =	vsel vm1, v18, v10;
	v18 =	vmin.f32 v21, v19;
	v19 =	vld [tilespmem:s12+$0xFFFFFFF0];
	v21 =	vadd.f32 v24, v23  }
0x8f: {  	v28 =	vor.u32 s10, v1;
	v12 =	vsel vm1, v25, v12;
	v25 =	vld [tilespmem:s11+$0xFFFFFFD0];
	[tilespmem:s1+$0x0] =	vst v18;
	vm1 =	vgt.f32 v18, v10  }
0x90: {  	v13 =	vsel vm2, v20, v13;
	v10 =	vsel vm1, v18, v10;
	v20 =	vld [tilespmem:s8+$0xFFFFFFF0];
	v18 =	vmin.f32 v27, v21  }
.Ltmp1:
0x91: {  	v11 =	vsel vm2, v17, v11;
	v21 =	vsub.f32 v22, v7;
	v22 =	vld [tilespmem:s30+$0x10];
	[tilespmem:s4+$0x20] =	vst v18;
	vm2 =	vgt.f32 v18, v13;
	(pc) =	sbr.rel @p1 .LBB2_6-.Ltmp1, $4  }
0x92: {  	v23 =	vld [tilespmem:s6+$0x10];
	v17 =	vsub.f32 v26, v6;
	v13 =	vsel vm2, v18, v13;
	v11 =	vsel vm2, v16, v11  }
0x93: {  	v27 =	vsub.f32 v29, v5;
	v24 =	vmul.f32 v21, v21;
	v18 =	vsub.f32 v19, v5;
	v21 =	vld [tilespmem:s8+$0x30];
	s8 =	smov.u32 s6  }
0x94: {  	v12 =	vsel vm1, v28, v12;
	v16 =	vsub.f32 v25, v6;
	v26 =	vld [tilespmem:s11+$0x10];
	v19 =	vmul.f32 v17, v17  }
0x95: {  	s10 =	sadd.s32 $0x80, s10;
	s14 =	sadd.s32 $0xFFFFFFF0, s13;
	s13 =	sadd.s32 $0x30, s13;
	v25 =	vmul.f32 v27, v27;
	v17 =	vsub.f32 v20, v7;
	v20 =	vld [tilespmem:s12+$0x30]  }
0x96: {  	_ =	sdelay $0x1  }
0x97: {  	v16 =	vmul.f32 v16, v16  }
0x98: {  	v27 =	vld [tilespmem:s1+$0xFFFFFFD0];
	v23 =	vsub.f32 v23, v7;
	v26 =	vsub.f32 v26, v6  }
0x99: {  	v16 =	vadd.f32 v24, v16  }
0x9a: {  	v22 =	vsub.f32 v22, v5;
	v23 =	vmul.f32 v23, v23;
	v54 =	vmul.f32 v26, v26  }
0x9b: {  	v55 =	vld [tilespmem:s1+$0x10];
	v16 =	vadd.f32 v25, v16  }
0x9c: {  	v22 =	vmul.f32 v22, v22;
	v23 =	vadd.f32 v23, v54  }
0x9d: {  	v16 =	vmin.f32 v27, v16  }
0x9e: {  	[tilespmem:s1+$0xFFFFFFD0] =	vst v16;
	v22 =	vadd.f32 v22, v23  }
0x9f: {  	v56 =	vld [tilespmem:s11+$0xFFFFFFE0]  }
0xa0: {  	v57 =	vld [tilespmem:s8+$0xFFFFFFE0];
	v22 =	vmin.f32 v55, v22  }
0xa1: {  	v58 =	vld [tilespmem:s30+$0xFFFFFFE0];
	[tilespmem:s1+$0x10] =	vst v22  }
0xa2: {  	v59 =	vld [tilespmem:s8+$0x20]  }
0xa3: {  	v60 =	vld [tilespmem:s11+$0x20];
	_ =	sdelay $0x1  }
0xa4: {  	v23 =	vsub.f32 v56, v6;
	v24 =	vsub.f32 v57, v7;
	v28 =	vld [tilespmem:s30+$0x20];
	_ =	sdelay $0x1  }
0xa5: {  	v25 =	vsub.f32 v58, v5;
	v24 =	vmul.f32 v24, v24;
	v23 =	vmul.f32 v23, v23  }
0xa6: {  	v29 =	vld [tilespmem:s1+$0xFFFFFFE0];
	v27 =	vsub.f32 v60, v6;
	v26 =	vsub.f32 v59, v7  }
0xa7: {  	v61 =	vmul.f32 v25, v25;
	v23 =	vadd.f32 v24, v23  }
0xa8: {  	v62 =	vsub.f32 v28, v5;
	v27 =	vmul.f32 v27, v27;
	v26 =	vmul.f32 v26, v26  }
0xa9: {  	v63 =	vld [tilespmem:s1+$0x20];
	v23 =	vadd.f32 v61, v23  }
0xaa: {  	v25 =	vmul.f32 v62, v62;
	v26 =	vadd.f32 v26, v27  }
0xab: {  	v32 =	vld [tilespmem:s2+$0x30];
	v23 =	vmin.f32 v29, v23  }
0xac: {  	v33 =	vld [tilespmem:s4+$0xFFFFFFF0];
	[tilespmem:s1+$0xFFFFFFE0] =	vst v23;
	v25 =	vadd.f32 v25, v26  }
0xad: {  	v34 =	vld [tilespmem:s11+$0xFFFFFFF0]  }
0xae: {  	v17 =	vmul.f32 v17, v17;
	v35 =	vld [tilespmem:s8+$0xFFFFFFF0];
	v24 =	vmin.f32 v63, v25  }
0xaf: {  	v21 =	vsub.f32 v21, v7;
	v36 =	vld [tilespmem:s30+$0xFFFFFFF0];
	[tilespmem:s1+$0x20] =	vst v24  }
0xb0: {  	v18 =	vmul.f32 v18, v18;
	v17 =	vadd.f32 v17, v19;
	v37 =	vsub.f32 v32, v6;
	v38 =	vld [tilespmem:s8+$0x30]  }
0xb1: {  	v20 =	vsub.f32 v20, v5;
	v30 =	vld [tilespmem:s11+$0x30]  }
0xb2: {  	v40 =	vmul.f32 v21, v21;
	v17 =	vadd.f32 v18, v17;
	v39 =	vmul.f32 v37, v37  }
0xb3: {  	v41 =	vsub.f32 v34, v6;
	v42 =	vsub.f32 v35, v7;
	v43 =	vld [tilespmem:s30+$0x30]  }
0xb4: {  	v31 =	vld [tilespmem:s4+$0x30];
	v44 =	vmul.f32 v20, v20;
	v17 =	vmin.f32 v33, v17;
	v18 =	vadd.f32 v40, v39  }
0xb5: {  	v45 =	vsub.f32 v36, v5;
	v21 =	vmul.f32 v41, v41;
	v46 =	vmul.f32 v42, v42  }
0xb6: {  	vm1 =	vgt.f32 v17, v9;
	v7 =	vsub.f32 v38, v7;
	v6 =	vsub.f32 v30, v6  }
0xb7: {  	v48 =	vld [tilespmem:s1+$0xFFFFFFF0];
	v18 =	vadd.f32 v44, v18;
	v47 =	vmul.f32 v45, v45;
	v21 =	vadd.f32 v46, v21  }
0xb8: {  	v5 =	vsub.f32 v43, v5;
	v6 =	vmul.f32 v6, v6;
	v7 =	vmul.f32 v7, v7  }
0xb9: {  	v49 =	vld [tilespmem:s1+$0x30];
	v9 =	vsel vm1, v17, v9;
	v18 =	vmin.f32 v31, v18  }
0xba: {  	v19 =	vadd.f32 v47, v21;
	v5 =	vmul.f32 v5, v5;
	v6 =	vadd.f32 v7, v6  }
0xbb: {  	vm4 =	vgt.f32 v18, v9;
	vm5 =	vgt.f32 v23, v13  }
0xbc: {  	v50 =	vmin.f32 v48, v19;
	v7 =	vsel vm4, v18, v9;
	v5 =	vadd.f32 v5, v6  }
0xbd: {  	vm3 =	vgt.f32 v16, v15;
	v13 =	vsel vm5, v23, v13;
	vm2 =	vgt.f32 v50, v7  }
0xbe: {  	v6 =	vsel vm3, v16, v15;
	v7 =	vsel vm2, v50, v7;
	v5 =	vmin.f32 v49, v5  }
0xbf: {  	vm7 =	vgt.f32 v24, v13;
	vm6 =	vgt.f32 v22, v6;
	vm8 =	vgt.f32 v5, v7  }
0xc0: {  	v13 =	vsel vm7, v24, v13;
	v6 =	vsel vm6, v22, v6;
	v7 =	vsel vm8, v5, v7  }
0xc1: {  	v51 =	vmax.f32 v10, v6;
	v52 =	vmax.f32 v13, v7  }
0xc2: {  	v15 =	vmax.f32 v51, v52  }
0xc3: {  	(xrf0) =	vmax.scan.msk.f32 $0xffff, v15;
	_ =	sdelay $0x2  }
0xc4: {  	v53 =	vor.u32 s14, v1;
	s12 =	sadd.s32 $0x10, s7  }
0xc5: {  	s6 =	sadd.s32 $0xFFFFFFE0, s7;
	v54 =	vor.u32 s13, v1;
	v8 =	vsel vm1, v53, v8;
	v56 =	vor.u32 s12, v1  }
0xc6: {  	s14 =	sadd.s32 $0x30, s7;
	s13 =	sadd.s32 $0xFFFFFFF0, s7;
	v58 =	vor.u32 s6, v1;
	v8 =	vsel vm4, v54, v8;
	v59 =	vor.u32 s5, v1;
	s11 =	sadd.s32 $0xFFFFFFD0, s7  }
0xc7: {  	v60 =	vor.u32 s13, v1;
	v61 =	vor.u32 s14, v1;
	v55 =	vor.u32 s11, v1;
	v57, _, _ =	vpop (xrf0)  }
0xc8: {  	v11 =	vsel vm5, v58, v11;
	v14 =	vsel vm3, v55, v14;
	v16 =	vbroadcast v57, $0xF  }
0xc9: {  	v62 =	vsel vm7, v59, v11;
	v8 =	vsel vm2, v60, v8;
	v14 =	vsel vm6, v56, v14  }
0xca: {  	v8 =	vsel vm8, v61, v8;
	vm1 =	veq.f32 v10, v16;
	vm2 =	veq.f32 v13, v16  }
0xcb: {  	vm3 =	veq.f32 v7, v16;
	v63 =	vnsel vm1, $0x800, v12;
	vm1 =	veq.f32 v6, v16  }
0xcc: {  	v7 =	vnsel vm2, $0x800, v62;
	v8 =	vnsel vm3, $0x800, v8;
	v6 =	vnsel vm1, $0x800, v14  }
0xcd: {  	vm2 =	vlt.s32 v7, v8;
	vm1 =	vlt.s32 v63, v6  }
0xce: {  	v7 =	vsel vm2, v7, v8;
	v6 =	vsel vm1, v63, v6  }
0xcf: {  	vm1 =	vlt.s32 v6, v7  }
0xd0: {  	v6 =	vsel vm1, v6, v7  }
0xd1: {  	v6 =	vxor.u32 $0x80000000, v6  }
0xd2: {  	(xrf0) =	vmin.scan.msk.u32 $0xffff, v6;
	_ =	sdelay $0x5  }
0xd3: {  	v6, _, _ =	vpop (xrf0)  }
0xd4: {  	(v2sf) =	vpush v6, $0xF;
	_ =	sdelay $0x9  }
0xd5: {  	s0 =	sadd.s32 $0x1, s0  }
0xd6: {  	p1 =	sne.s32 s0, $0x80  }
.Ltmp2:
0xd7: {  	_ = 	snop;
	(pc) =	sbr.rel @p1 .LBB2_5-.Ltmp2, $4  }
0xd8: {  	[tilespmem:s4+$0xFFFFFFF0] =	vst v17  }
0xd9: {  	[tilespmem:s4+$0x30] =	vst v18  }
0xda: {  	[tilespmem:s1+$0xFFFFFFF0] =	vst v50;
	s30 =	spop (v2sf)  }
0xdb: {  	[tilespmem:s1+$0x30] =	vst v5;
	s1 =	sxor.u32 $0x80000000, s30  }
0xdc: {  	s5 =	simm.s32 $0x0;
	p1 =	por $0x1, $0x1  }
.LBB2_9:
0xdd: {  	v5 =	vld [tilespmem:s5+$0x2800]  }
0xde: {  	v6 =	vld [tilespmem:s5+$0x2880]  }
0xdf: {  	v7 =	vld [tilespmem:s5+$0x2900]  }
0xe0: {  	v8 =	vld [tilespmem:s5+$0x2810]  }
0xe1: {  	v9 =	vld [tilespmem:s5+$0x2890]  }
0xe2: {  	v10 =	vld [tilespmem:s5+$0x2910]  }
0xe3: {  	v11 =	vld [tilespmem:s5+$0x2820]  }
0xe4: {  	v12 =	vld [tilespmem:s5+$0x28A0]  }
0xe5: {  	v13 =	vld [tilespmem:s5+$0x2830]  }
0xe6: {  	v14 =	vld [tilespmem:s5+$0x28B0]  }
0xe7: {  	v15 =	vld [tilespmem:s5+$0x2920];
	v5 =	vmul.f32 v5, v5;
	v6 =	vmul.f32 v6, v6  }
0xe8: {  	v16 =	vld [tilespmem:s5+$0x2930];
	v7 =	vmul.f32 v7, v7;
	v8 =	vmul.f32 v8, v8  }
0xe9: {  	v9 =	vmul.f32 v9, v9;
	v10 =	vmul.f32 v10, v10  }
0xea: {  	v60 =	vmul.f32 v12, v12;
	v5 =	vadd.f32 v6, v5;
	v6 =	vmul.f32 v11, v11  }
0xeb: {  	v61 =	vmul.f32 v13, v13;
	v62 =	vmul.f32 v14, v14;
	v8 =	vadd.f32 v9, v8  }
0xec: {  	p2 =	por p1, p1;
	v5 =	vadd.f32 v7, v5;
	v6 =	vadd.f32 v60, v6;
	v7 =	vmul.f32 v15, v15  }
.Ltmp3:
0xed: {  	v63 =	vmul.f32 v16, v16;
	v9 =	vadd.f32 v62, v61;
	v8 =	vadd.f32 v10, v8;
	(pc) =	sbr.rel @p2 .LBB2_9-.Ltmp3, $4  }
0xee: {  	[tilespmem:s5+$0x2980] =	vst v5;
	v5 =	vadd.f32 v7, v6  }
0xef: {  	s30 =	simm.s32 $0x840;
	s1 =	simm.s32 $0x1040;
	[tilespmem:s5+$0x2990] =	vst v8;
	v6 =	vadd.f32 v63, v9  }
0xf0: {  	s2 =	simm.s32 $0x2040;
	s11 =	simm.s32 $0x2B40;
	s4 =	simm.s32 $0x3340;
	[tilespmem:s5+$0x29A0] =	vst v5  }
0xf1: {  	s0 =	simm.s32 $0x3B40;
	p1 =	por $0x0, $0x0;
	[tilespmem:s5+$0x29B0] =	vst v6;
	s5 =	simm.s32 $0x40  }
0xf2: {  	v5 =	vld [tilespmem:s5+$0x30]  }
0xf3: {  	v6 =	vld [tilespmem:s30+$0x30]  }
0xf4: {  	v7 =	vld [tilespmem:s30+$0xFFFFFFC0]  }
0xf5: {  	v8 =	vld [tilespmem:s1+$0x30]  }
0xf6: {  	v9 =	vld [tilespmem:s5+$0xFFFFFFD0]  }
0xf7: {  	v10 =	vld [tilespmem:s30+$0xFFFFFFD0]  }
0xf8: {  	v11 =	vld [tilespmem:s5+$0xFFFFFFE0]  }
0xf9: {  	v16 =	vld [tilespmem:s30+$0xFFFFFFE0]  }
0xfa: {  	v17 =	vld [tilespmem:s5+$0xFFFFFFF0]  }
0xfb: {  	v19 =	vld [tilespmem:s30+$0xFFFFFFF0]  }
0xfc: {  	v22 =	vld [tilespmem:s5+$0x0]  }
0xfd: {  	v25 =	vld [tilespmem:s5+$0x20]  }
0xfe: {  	v29 =	vld [tilespmem:s30+$0x20];
	v12 =	vmul.f32 v5, v5  }
0xff: {  	v30 =	vld [tilespmem:s5+$0xFFFFFFC0];
	v13 =	vmul.f32 v6, v6;
	v14 =	vmul.f32 v7, v7;
	v15 =	vshrl.u32 v7, $0x10  }
0x100: {  	v34 =	vld [tilespmem:s1+$0xFFFFFFC0];
	v18 =	vshrl.u32 v5, $0x10;
	v20 =	vshrl.u32 v6, $0x10;
	v21 =	vshrl.u32 v8, $0x10  }
0x101: {  	v46 =	vld [tilespmem:s1+$0xFFFFFFF0];
	v23 =	vmul.f32 v10, v10;
	v24 =	vmul.f32 v11, v11;
	v26 =	vshrl.u32 v9, $0x10  }
0x102: {  	v52 =	vld [tilespmem:s1+$0x0];
	v27 =	vmul.f32 v16, v16;
	v28 =	vmul.f32 v17, v17;
	v31 =	vshrl.u32 v10, $0x10  }
0x103: {  	v55 =	vld [tilespmem:s1+$0x10];
	v32 =	vmul.f32 v19, v19;
	v33 =	vmul.f32 v22, v22;
	v35 =	vshrl.u32 v11, $0x10  }
0x104: {  	v39 =	vshrl.u32 v16, $0x10;
	v40 =	vshrl.u32 v17, $0x10;
	v43 =	vshrl.u32 v19, $0x10  }
0x105: {  	v44 =	vshrl.u32 v22, $0x10;
	v45 =	vmul.f32 v25, v25;
	v49 =	vmul.f32 v29, v29  }
0x106: {  	v50 =	vmul.f32 v30, v30;
	v51 =	vshrl.u32 v30, $0x10;
	v54 =	vshrl.u32 v34, $0x10  }
0x107: {  	v56 =	vshrl.u32 v25, $0x10;
	v57 =	vshrl.u32 v29, $0x10;
	v59 =	vshrl.u32 v46, $0x10  }
0x108: {  	v62 =	vshrl.u32 v52, $0x10;
	v60 =	vshrl.u32 v55, $0x10;
	v18 =	vand.u32 $0x1, v18  }
0x109: {  	v42 =	vld [tilespmem:s1+$0xFFFFFFE0];
	v15 =	vand.u32 $0x1, v15;
	v63 =	vand.u32 $0x1, v54;
	v26 =	vand.u32 $0x1, v26  }
0x10a: {  	v31 =	vand.u32 $0x1, v31;
	v35 =	vand.u32 $0x1, v35;
	v39 =	vand.u32 $0x1, v39  }
0x10b: {  	v38 =	vld [tilespmem:s1+$0xFFFFFFD0];
	v40 =	vand.u32 $0x1, v40;
	v43 =	vand.u32 $0x1, v43;
	v44 =	vand.u32 $0x1, v44  }
0x10c: {  	v56 =	vand.u32 $0x1, v56;
	v57 =	vand.u32 $0x1, v57;
	v12 =	vadd.f32 v13, v12  }
0x10d: {  	v13 =	vmul.f32 v8, v8;
	v5 =	vadd.s32 v18, v5;
	v14 =	vadd.f32 v14, v50  }
0x10e: {  	v24 =	vadd.f32 v27, v24;
	v27 =	vshrl.u32 v42, $0x10;
	v28 =	vadd.f32 v32, v28  }
0x10f: {  	v45 =	vadd.f32 v49, v45;
	v32 =	vand.u32 $0x1, v59;
	v7 =	vadd.s32 v15, v7  }
0x110: {  	v15 =	vmul.f32 v38, v38;
	v49 =	vmul.f32 v42, v42;
	v10 =	vadd.s32 v31, v10  }
0x111: {  	v31 =	vmul.f32 v52, v52;
	v11 =	vadd.s32 v35, v11;
	v16 =	vadd.s32 v39, v16  }
0x112: {  	v17 =	vadd.s32 v40, v17;
	v39 =	vadd.s32 v43, v19;
	v40 =	vadd.s32 v44, v22  }
0x113: {  	v25 =	vadd.s32 v56, v25;
	v29 =	vadd.s32 v57, v29;
	v5 =	vadd.s32 $0x7FFF, v5  }
0x114: {  	v18 =	vld [tilespmem:s30+$0x0];
	v27 =	vand.u32 $0x1, v27;
	v32 =	vadd.s32 v32, v46;
	v19 =	vadd.s32 $0x7FFF, v11  }
0x115: {  	v50 =	vld [tilespmem:s1+$0x20];
	v17 =	vadd.s32 $0x7FFF, v17;
	v12 =	vadd.f32 v13, v12;
	v13 =	vand.u32 $0x1, v20  }
0x116: {  	v5 =	vand.u32 $0xFFFF0000, v5;
	v6 =	vadd.s32 v13, v6;
	v13 =	vand.u32 $0x1, v21  }
0x117: {  	v27 =	vadd.s32 v27, v42;
	v6 =	vadd.s32 $0x7FFF, v6;
	v8 =	vadd.s32 v13, v8  }
0x118: {  	v20 =	vld [tilespmem:s5+$0x10];
	v13 =	vmul.f32 v9, v9;
	v9 =	vadd.s32 v26, v9;
	v26 =	vmul.f32 v46, v46  }
0x119: {  	v6 =	vand.u32 $0xFFFF0000, v6;
	v8 =	vadd.s32 $0x7FFF, v8;
	v36 =	vmul.f32 v18, v18  }
0x11a: {  	v21 =	vld [tilespmem:s30+$0x10];
	v47 =	vshrl.u32 v18, $0x10;
	v61 =	vshrl.u32 v50, $0x10;
	v22 =	vadd.s32 $0x7FFF, v9  }
0x11b: {  	[tilespmem:s2+$0x30] =	vst v12;
	v9 =	vadd.s32 $0x7FFF, v29;
	v8 =	vand.u32 $0xFFFF0000, v8;
	v13 =	vadd.f32 v23, v13  }
0x11c: {  	[tilespmem:s11+$0x30] =	vst v5;
	v23 =	vshrl.u32 v38, $0x10;
	v47 =	vand.u32 $0x1, v47;
	v54 =	vand.u32 $0x1, v61  }
0x11d: {  	[tilespmem:s4+$0x30] =	vst v6;
	v6 =	vadd.f32 v26, v28;
	v37 =	vmul.f32 v20, v20;
	v48 =	vshrl.u32 v20, $0x10  }
0x11e: {  	v33 =	vadd.f32 v36, v33;
	v23 =	vand.u32 $0x1, v23;
	v58 =	vadd.s32 v47, v18  }
0x11f: {  	v18 =	vadd.s32 $0x7FFF, v16;
	v16 =	vadd.s32 $0x7FFF, v39;
	v41 =	vmul.f32 v21, v21  }
0x120: {  	v53 =	vshrl.u32 v21, $0x10;
	v48 =	vand.u32 $0x1, v48;
	v23 =	vadd.s32 v23, v38  }
0x121: {  	v38 =	vmul.f32 v55, v55;
	v5 =	vadd.f32 v15, v13;
	v13 =	vadd.f32 v49, v24  }
0x122: {  	v24 =	vadd.s32 $0x7FFF, v7;
	v15 =	vadd.s32 $0x7FFF, v32;
	v53 =	vand.u32 $0x1, v53  }
0x123: {  	v59 =	vadd.s32 v48, v20;
	v7 =	vadd.f32 v31, v33;
	v20 =	vadd.s32 $0x7FFF, v23  }
0x124: {  	v24 =	vand.u32 $0xFFFF0000, v24;
	v36 =	vadd.f32 v41, v37;
	v37 =	vand.u32 $0x1, v51  }
0x125: {  	v41 =	vand.u32 $0x1, v62;
	v51 =	vand.u32 $0x1, v60;
	v62 =	vmul.f32 v34, v34  }
0x126: {  	v34 =	vadd.s32 v63, v34;
	v63 =	vmul.f32 v50, v50;
	v60 =	vadd.s32 v53, v21;
	[tilespmem:s2+$0xFFFFFFD0] =	vst v5  }
0x127: {  	v21 =	vadd.s32 $0x7FFF, v10;
	v5 =	vadd.s32 $0x7FFF, v27;
	[tilespmem:s2+$0xFFFFFFE0] =	vst v13;
	v13 =	vadd.s32 $0x7FFF, v58  }
0x128: {  	[tilespmem:s0+$0x30] =	vst v8;
	v10 =	vadd.s32 $0x7FFF, v25;
	v30 =	vadd.s32 v37, v30;
	v41 =	vadd.s32 v41, v52  }
0x129: {  	[tilespmem:s2+$0xFFFFFFF0] =	vst v6;
	v61 =	vadd.s32 v51, v55;
	v26 =	vadd.s32 $0x7FFF, v34;
	v12 =	vadd.f32 v62, v14  }
0x12a: {  	[tilespmem:s2+$0x0] =	vst v7;
	v11 =	vadd.s32 $0x7FFF, v60;
	v62 =	vadd.s32 v54, v50;
	v8 =	vadd.f32 v38, v36  }
0x12b: {  	v30 =	vadd.s32 $0x7FFF, v30;
	v63 =	vadd.f32 v63, v45;
	v14 =	vadd.s32 $0x7FFF, v40;
	[tilespmem:s2+$0xFFFFFFC0] =	vst v12  }
0x12c: {  	s9 =	simm.s32 $0x0;
	s10 =	simm.s32 $0xC0;
	v6 =	vadd.s32 $0x7FFF, v41;
	v7 =	vadd.s32 $0x7FFF, v61;
	v23 =	vand.u32 $0xFFFF0000, v26;
	[tilespmem:s2+$0x10] =	vst v8  }
0x12d: {  	s7 =	simm.s32 $0x2B40;
	s6 =	simm.s32 $0x3B40;
	s5 =	simm.s32 $0x3340;
	v25 =	vand.u32 $0xFFFF0000, v30;
	v12 =	vadd.s32 $0x7FFF, v59;
	v8 =	vadd.s32 $0x7FFF, v62;
	[tilespmem:s2+$0x20] =	vst v63  }
.LBB2_11:
0x12e: {  	v26 =	vld [tilespmem:s10+$0x30];
	[tilespmem:s11+$0xFFFFFFC0] =	vst v25;
	v22 =	vand.u32 $0xFFFF0000, v22;
	v21 =	vand.u32 $0xFFFF0000, v21;
	v20 =	vand.u32 $0xFFFF0000, v20;
	s30 =	sadd.s32 $0x80, s30  }
0x12f: {  	v19 =	vand.u32 $0xFFFF0000, v19;
	v18 =	vand.u32 $0xFFFF0000, v18;
	v25 =	vld [tilespmem:s30+$0x30];
	[tilespmem:s4+$0xFFFFFFC0] =	vst v24;
	v24 =	vand.u32 $0xFFFF0000, v5  }
0x130: {  	v17 =	vand.u32 $0xFFFF0000, v17;
	v16 =	vand.u32 $0xFFFF0000, v16;
	v15 =	vand.u32 $0xFFFF0000, v15;
	s1 =	sadd.s32 $0x80, s1;
	v5 =	vld [tilespmem:s30+$0xFFFFFFC0];
	[tilespmem:s0+$0xFFFFFFC0] =	vst v23  }
0x131: {  	v27 =	vand.u32 $0xFFFF0000, v13;
	v28 =	vand.u32 $0xFFFF0000, v6;
	v23 =	vld [tilespmem:s1+$0x30];
	[tilespmem:s11+$0xFFFFFFD0] =	vst v22;
	v22 =	vand.u32 $0xFFFF0000, v14  }
0x132: {  	s9 =	sadd.s32 $0x8, s9;
	v29 =	vand.u32 $0xFFFF0000, v11;
	v30 =	vand.u32 $0xFFFF0000, v7;
	v6 =	vld [tilespmem:s10+$0xFFFFFFD0];
	[tilespmem:s4+$0xFFFFFFD0] =	vst v21;
	v21 =	vand.u32 $0xFFFF0000, v12  }
0x133: {  	v31 =	vand.u32 $0xFFFF0000, v9;
	v32 =	vand.u32 $0xFFFF0000, v8;
	p2 =	slt.u32 s9, $0x78;
	v7 =	vld [tilespmem:s30+$0xFFFFFFD0];
	[tilespmem:s0+$0xFFFFFFD0] =	vst v20;
	v20 =	vand.u32 $0xFFFF0000, v10  }
0x134: {  	v11 =	vmul.f32 v26, v26;
	v8 =	vld [tilespmem:s10+$0xFFFFFFE0];
	v12 =	vmul.f32 v25, v25;
	[tilespmem:s11+$0xFFFFFFE0] =	vst v19  }
0x135: {  	v19 =	vmul.f32 v5, v5;
	v33 =	vshrl.u32 v5, $0x10;
	v9 =	vld [tilespmem:s30+$0xFFFFFFE0];
	[tilespmem:s4+$0xFFFFFFE0] =	vst v18  }
0x136: {  	v10 =	vld [tilespmem:s10+$0xFFFFFFF0];
	v13 =	vadd.f32 v12, v11;
	v14 =	vmul.f32 v23, v23;
	v12 =	vshrl.u32 v26, $0x10;
	[tilespmem:s0+$0xFFFFFFE0] =	vst v24  }
0x137: {  	v24 =	vshrl.u32 v25, $0x10;
	v34 =	vshrl.u32 v23, $0x10;
	v11 =	vld [tilespmem:s30+$0xFFFFFFF0];
	v18 =	vand.u32 $0x1, v12;
	[tilespmem:s11+$0xFFFFFFF0] =	vst v17  }
0x138: {  	v12 =	vld [tilespmem:s10+$0x0];
	v17 =	vadd.f32 v14, v13;
	v14 =	vadd.s32 v18, v26;
	v18 =	vand.u32 $0x1, v24;
	[tilespmem:s4+$0xFFFFFFF0] =	vst v16  }
0x139: {  	s2 =	sadd.s32 $0x80, s2;
	v24 =	vand.u32 $0x1, v34;
	v13 =	vld [tilespmem:s30+$0x0];
	v16 =	vadd.s32 $0x7FFF, v14;
	v18 =	vadd.s32 v18, v25;
	[tilespmem:s0+$0xFFFFFFF0] =	vst v15  }
0x13a: {  	s11 =	sadd.s32 $0x80, s11;
	v14 =	vld [tilespmem:s10+$0x10];
	[tilespmem:s2+$0x30] =	vst v17;
	v16 =	vand.u32 $0xFFFF0000, v16;
	v17 =	vadd.s32 $0x7FFF, v18;
	v18 =	vadd.s32 v24, v23  }
0x13b: {  	s4 =	sadd.s32 $0x80, s4;
	v23 =	vmul.f32 v6, v6;
	v15 =	vld [tilespmem:s30+$0x10];
	[tilespmem:s11+$0x30] =	vst v16;
	v17 =	vand.u32 $0xFFFF0000, v17;
	v18 =	vadd.s32 $0x7FFF, v18  }
0x13c: {  	v25 =	vmul.f32 v8, v8;
	s0 =	sadd.s32 $0x80, s0;
	v24 =	vmul.f32 v7, v7;
	v16 =	vld [tilespmem:s10+$0x20];
	[tilespmem:s4+$0x30] =	vst v17;
	v18 =	vand.u32 $0xFFFF0000, v18  }
0x13d: {  	s8 =	simm.s32 $0x0;
	p1 =	por $0x1, $0x1;
	v26 =	vshrl.u32 v6, $0x10;
	v34 =	vmul.f32 v9, v9;
	v35 =	vmul.f32 v10, v10;
	v17 =	vld [tilespmem:s30+$0x20];
	[tilespmem:s0+$0x30] =	vst v18  }
0x13e: {  	v36 =	vshrl.u32 v7, $0x10;
	v37 =	vmul.f32 v11, v11;
	v38 =	vmul.f32 v12, v12;
	v18 =	vld [tilespmem:s10+$0xFFFFFFC0];
	[tilespmem:s7+$0x0] =	vst v22  }
0x13f: {  	v39 =	vshrl.u32 v8, $0x10;
	v40 =	vmul.f32 v13, v13;
	v22 =	vld [tilespmem:s1+$0xFFFFFFC0];
	v41 =	vmul.f32 v14, v14;
	[tilespmem:s5+$0x0] =	vst v27  }
0x140: {  	v42 =	vshrl.u32 v9, $0x10;
	v43 =	vshrl.u32 v10, $0x10;
	v27 =	vld [tilespmem:s1+$0xFFFFFFD0];
	v44 =	vmul.f32 v15, v15;
	[tilespmem:s6+$0x0] =	vst v28  }
0x141: {  	v45 =	vshrl.u32 v11, $0x10;
	v46 =	vshrl.u32 v12, $0x10;
	v28 =	vld [tilespmem:s1+$0xFFFFFFE0];
	v47 =	vmul.f32 v16, v16;
	[tilespmem:s7+$0x10] =	vst v21  }
0x142: {  	v48 =	vshrl.u32 v13, $0x10;
	v49 =	vshrl.u32 v14, $0x10;
	v21 =	vld [tilespmem:s1+$0xFFFFFFF0];
	v50 =	vmul.f32 v17, v17;
	[tilespmem:s5+$0x10] =	vst v29  }
0x143: {  	v53 =	vshrl.u32 v15, $0x10;
	v29 =	vmul.f32 v18, v18;
	v51 =	vshrl.u32 v18, $0x10;
	v52 =	vld [tilespmem:s1+$0x0];
	[tilespmem:s6+$0x10] =	vst v30  }
0x144: {  	v55 =	vshrl.u32 v16, $0x10;
	v56 =	vshrl.u32 v17, $0x10;
	v30 =	vshrl.u32 v22, $0x10;
	v54 =	vld [tilespmem:s1+$0x10];
	[tilespmem:s7+$0x20] =	vst v20;
	s7 =	smov.u32 s11  }
0x145: {  	v20 =	vadd.f32 v24, v23;
	v19 =	vadd.f32 v19, v29;
	v23 =	vshrl.u32 v27, $0x10;
	v24 =	vld [tilespmem:s1+$0x20];
	[tilespmem:s5+$0x20] =	vst v31;
	s5 =	smov.u32 s4  }
0x146: {  	v25 =	vadd.f32 v34, v25;
	v31 =	vadd.f32 v37, v35;
	v29 =	vshrl.u32 v28, $0x10;
	[tilespmem:s6+$0x20] =	vst v32;
	s6 =	smov.u32 s0  }
0x147: {  	v34 =	vadd.f32 v40, v38;
	v35 =	vadd.f32 v44, v41;
	v32 =	vshrl.u32 v21, $0x10  }
0x148: {  	v40 =	vadd.f32 v50, v47;
	v37 =	vand.u32 $0x1, v51;
	v38 =	vshrl.u32 v52, $0x10  }
0x149: {  	v33 =	vand.u32 $0x1, v33;
	v30 =	vand.u32 $0x1, v30;
	v41 =	vshrl.u32 v54, $0x10  }
0x14a: {  	v26 =	vand.u32 $0x1, v26;
	v36 =	vand.u32 $0x1, v36;
	v44 =	vshrl.u32 v24, $0x10  }
0x14b: {  	v39 =	vand.u32 $0x1, v39;
	v42 =	vand.u32 $0x1, v42;
	v23 =	vand.u32 $0x1, v23  }
0x14c: {  	v43 =	vand.u32 $0x1, v43;
	v45 =	vand.u32 $0x1, v45;
	v29 =	vand.u32 $0x1, v29  }
0x14d: {  	v46 =	vand.u32 $0x1, v46;
	v47 =	vand.u32 $0x1, v48;
	v32 =	vand.u32 $0x1, v32  }
0x14e: {  	v48 =	vand.u32 $0x1, v49;
	v49 =	vand.u32 $0x1, v53;
	v38 =	vand.u32 $0x1, v38  }
0x14f: {  	v50 =	vand.u32 $0x1, v55;
	v51 =	vand.u32 $0x1, v56;
	v41 =	vand.u32 $0x1, v41  }
0x150: {  	v53 =	vmul.f32 v22, v22;
	v55 =	vmul.f32 v27, v27;
	v44 =	vand.u32 $0x1, v44  }
0x151: {  	v18 =	vadd.s32 v37, v18;
	v37 =	vmul.f32 v28, v28;
	v56 =	vmul.f32 v21, v21  }
0x152: {  	v5 =	vadd.s32 v33, v5;
	v33 =	vmul.f32 v52, v52;
	v57 =	vmul.f32 v54, v54  }
0x153: {  	v6 =	vadd.s32 v26, v6;
	v22 =	vadd.s32 v30, v22;
	v26 =	vmul.f32 v24, v24  }
0x154: {  	v7 =	vadd.s32 v36, v7;
	v8 =	vadd.s32 v39, v8;
	v23 =	vadd.s32 v23, v27  }
0x155: {  	v9 =	vadd.s32 v42, v9;
	v10 =	vadd.s32 v43, v10;
	v27 =	vadd.s32 v29, v28  }
0x156: {  	v11 =	vadd.s32 v45, v11;
	v12 =	vadd.s32 v46, v12;
	v28 =	vadd.s32 v32, v21  }
0x157: {  	v13 =	vadd.s32 v47, v13;
	v30 =	vadd.s32 v48, v14;
	v29 =	vadd.s32 v38, v52  }
0x158: {  	v32 =	vadd.s32 v49, v15;
	v38 =	vadd.s32 v50, v16;
	v36 =	vadd.s32 v41, v54  }
0x159: {  	v39 =	vadd.s32 v51, v17;
	v14 =	vadd.f32 v53, v19;
	v24 =	vadd.s32 v44, v24  }
0x15a: {  	v15 =	vadd.f32 v55, v20;
	v16 =	vadd.f32 v37, v25;
	v41 =	vadd.s32 $0x7FFF, v18  }
0x15b: {  	v37 =	vadd.s32 $0x7FFF, v5;
	v25 =	vadd.f32 v33, v34;
	[tilespmem:s2+$0xFFFFFFC0] =	vst v14;
	v14 =	vadd.f32 v56, v31  }
0x15c: {  	v33 =	vadd.f32 v57, v35;
	v26 =	vadd.f32 v26, v40;
	v31 =	vadd.s32 $0x7FFF, v22;
	[tilespmem:s2+$0xFFFFFFD0] =	vst v15  }
0x15d: {  	v21 =	vadd.s32 $0x7FFF, v7;
	v20 =	vadd.s32 $0x7FFF, v23;
	v22 =	vadd.s32 $0x7FFF, v6;
	[tilespmem:s2+$0xFFFFFFE0] =	vst v16  }
0x15e: {  	v19 =	vadd.s32 $0x7FFF, v8;
	v5 =	vadd.s32 $0x7FFF, v27;
	v18 =	vadd.s32 $0x7FFF, v9;
	[tilespmem:s2+$0xFFFFFFF0] =	vst v14  }
.Ltmp4:
0x15f: {  	v17 =	vadd.s32 $0x7FFF, v10;
	v15 =	vadd.s32 $0x7FFF, v28;
	v16 =	vadd.s32 $0x7FFF, v11;
	[tilespmem:s2+$0x0] =	vst v25;
	(pc) =	sbr.rel @p2 .LBB2_11-.Ltmp4, $4  }
0x160: {  	v13 =	vadd.s32 $0x7FFF, v13;
	v6 =	vadd.s32 $0x7FFF, v29;
	v14 =	vadd.s32 $0x7FFF, v12;
	[tilespmem:s2+$0x10] =	vst v33  }
0x161: {  	v7 =	vadd.s32 $0x7FFF, v36;
	v11 =	vadd.s32 $0x7FFF, v32;
	v12 =	vadd.s32 $0x7FFF, v30;
	[tilespmem:s2+$0x20] =	vst v26  }
0x162: {  	v10 =	vadd.s32 $0x7FFF, v38;
	v9 =	vadd.s32 $0x7FFF, v39;
	v8 =	vadd.s32 $0x7FFF, v24  }
0x163: {  	s10 =	sadd.s32 $0x80, s10;
	v24 =	vand.u32 $0xFFFF0000, v37;
	v23 =	vand.u32 $0xFFFF0000, v31;
	v25 =	vand.u32 $0xFFFF0000, v41  }
0x164: {  	[tilespmem:s11+$0xFFFFFFC0] =	vst v25  }
0x165: {  	v22 =	vand.u32 $0xFFFF0000, v22;
	[tilespmem:s4+$0xFFFFFFC0] =	vst v24  }
0x166: {  	v19 =	vand.u32 $0xFFFF0000, v19;
	[tilespmem:s11+$0xFFFFFFD0] =	vst v22  }
0x167: {  	v17 =	vand.u32 $0xFFFF0000, v17;
	[tilespmem:s11+$0xFFFFFFE0] =	vst v19  }
0x168: {  	[tilespmem:s11+$0xFFFFFFF0] =	vst v17  }
0x169: {  	v21 =	vand.u32 $0xFFFF0000, v21;
	[tilespmem:s0+$0xFFFFFFC0] =	vst v23  }
0x16a: {  	v18 =	vand.u32 $0xFFFF0000, v18;
	[tilespmem:s4+$0xFFFFFFD0] =	vst v21  }
0x16b: {  	v20 =	vand.u32 $0xFFFF0000, v20;
	[tilespmem:s4+$0xFFFFFFE0] =	vst v18  }
0x16c: {  	v5 =	vand.u32 $0xFFFF0000, v5;
	[tilespmem:s0+$0xFFFFFFD0] =	vst v20  }
0x16d: {  	[tilespmem:s0+$0xFFFFFFE0] =	vst v5;
	v5 =	vand.u32 $0xFFFF0000, v16  }
0x16e: {  	v15 =	vand.u32 $0xFFFF0000, v15;
	[tilespmem:s4+$0xFFFFFFF0] =	vst v5  }
0x16f: {  	v5 =	vand.u32 $0xFFFF0000, v14;
	[tilespmem:s0+$0xFFFFFFF0] =	vst v15  }
0x170: {  	v13 =	vand.u32 $0xFFFF0000, v13;
	[tilespmem:s7+$0x0] =	vst v5  }
0x171: {  	v5 =	vand.u32 $0xFFFF0000, v6;
	v6 =	vand.u32 $0xFFFF0000, v12;
	[tilespmem:s5+$0x0] =	vst v13  }
0x172: {  	[tilespmem:s7+$0x10] =	vst v6  }
0x173: {  	[tilespmem:s6+$0x0] =	vst v5;
	v5 =	vand.u32 $0xFFFF0000, v11  }
0x174: {  	v6 =	vand.u32 $0xFFFF0000, v7;
	[tilespmem:s5+$0x10] =	vst v5  }
0x175: {  	v5 =	vand.u32 $0xFFFF0000, v10;
	[tilespmem:s6+$0x10] =	vst v6  }
0x176: {  	v6 =	vand.u32 $0xFFFF0000, v9;
	[tilespmem:s7+$0x20] =	vst v5  }
0x177: {  	v5 =	vand.u32 $0xFFFF0000, v8;
	[tilespmem:s5+$0x20] =	vst v6  }
0x178: {  	[tilespmem:s6+$0x20] =	vst v5  }
.LBB2_13:
0x179: {  	v5 =	vld [tilespmem:s8+$0x2800];
	_ =	sdelay $0x1  }
0x17a: {  	v6 =	vld [tilespmem:s8+$0x2810]  }
0x17b: {  	v7 =	vld [tilespmem:s8+$0x2820];
	_ =	sdelay $0x1  }
0x17c: {  	v9 =	vld [tilespmem:s8+$0x2830];
	v8 =	vshrl.u32 v5, $0x10  }
0x17d: {  	v8 =	vand.u32 $0x1, v8  }
0x17e: {  	v51 =	vshrl.u32 v6, $0x10;
	v5 =	vadd.s32 v8, v5  }
0x17f: {  	v10 =	vshrl.u32 v7, $0x10;
	v8 =	vand.u32 $0x1, v51;
	v5 =	vadd.s32 $0x7FFF, v5  }
0x180: {  	v52 =	vand.u32 $0x1, v10;
	v6 =	vadd.s32 v8, v6;
	v5 =	vand.u32 $0xFFFF0000, v5  }
0x181: {  	v53 =	vld [tilespmem:s8+$0x2880];
	[tilespmem:s8+$0x4300] =	vst v5;
	v5 =	vadd.s32 $0x7FFF, v6;
	v6 =	vadd.s32 v52, v7;
	v7 =	vshrl.u32 v9, $0x10  }
0x182: {  	v54 =	vld [tilespmem:s8+$0x28B0];
	v5 =	vand.u32 $0xFFFF0000, v5;
	v6 =	vadd.s32 $0x7FFF, v6;
	v7 =	vand.u32 $0x1, v7  }
0x183: {  	[tilespmem:s8+$0x4310] =	vst v5;
	v5 =	vand.u32 $0xFFFF0000, v6;
	v6 =	vadd.s32 v7, v9;
	v7 =	vld [tilespmem:s8+$0x2890]  }
0x184: {  	[tilespmem:s8+$0x4320] =	vst v5;
	v5 =	vadd.s32 $0x7FFF, v6;
	v6 =	vld [tilespmem:s8+$0x28A0];
	_ =	sdelay $0x1  }
0x185: {  	v5 =	vand.u32 $0xFFFF0000, v5  }
0x186: {  	[tilespmem:s8+$0x4330] =	vst v5;
	v5 =	vshrl.u32 v53, $0x10  }
0x187: {  	v58 =	vshrl.u32 v54, $0x10;
	v5 =	vand.u32 $0x1, v5;
	v55 =	vshrl.u32 v7, $0x10  }
0x188: {  	v5 =	vadd.s32 v5, v53;
	v8 =	vand.u32 $0x1, v55;
	v56 =	vshrl.u32 v6, $0x10  }
0x189: {  	v5 =	vadd.s32 $0x7FFF, v5;
	v7 =	vadd.s32 v8, v7;
	v57 =	vand.u32 $0x1, v56  }
0x18a: {  	v59 =	vld [tilespmem:s8+$0x2900];
	v5 =	vand.u32 $0xFFFF0000, v5;
	v7 =	vadd.s32 $0x7FFF, v7;
	v6 =	vadd.s32 v57, v6  }
0x18b: {  	[tilespmem:s8+$0x4380] =	vst v5;
	v5 =	vand.u32 $0xFFFF0000, v7;
	v6 =	vadd.s32 $0x7FFF, v6;
	v7 =	vand.u32 $0x1, v58  }
0x18c: {  	[tilespmem:s8+$0x4390] =	vst v5;
	v5 =	vand.u32 $0xFFFF0000, v6;
	v6 =	vadd.s32 v7, v54  }
0x18d: {  	v7 =	vld [tilespmem:s8+$0x2910];
	[tilespmem:s8+$0x43A0] =	vst v5;
	v5 =	vadd.s32 $0x7FFF, v6  }
0x18e: {  	v6 =	vld [tilespmem:s8+$0x2920];
	v5 =	vand.u32 $0xFFFF0000, v5  }
0x18f: {  	v60 =	vshrl.u32 v59, $0x10;
	[tilespmem:s8+$0x43B0] =	vst v5;
	v5 =	vld [tilespmem:s8+$0x2930]  }
0x190: {  	v9 =	vand.u32 $0x1, v60  }
0x191: {  	v8 =	vadd.s32 v9, v59  }
0x192: {  	v8 =	vadd.s32 $0x7FFF, v8;
	v61 =	vshrl.u32 v7, $0x10  }
0x193: {  	v8 =	vand.u32 $0xFFFF0000, v8;
	v10 =	vand.u32 $0x1, v61;
	v11 =	vshrl.u32 v6, $0x10  }
0x194: {  	p2 =	por p1, p1;
	v7 =	vadd.s32 v10, v7;
	v62 =	vand.u32 $0x1, v11;
	v63 =	vshrl.u32 v5, $0x10  }
.Ltmp5:
0x195: {  	v6 =	vadd.s32 v62, v6;
	v7 =	vadd.s32 $0x7FFF, v7;
	v9 =	vand.u32 $0x1, v63;
	(pc) =	sbr.rel @p2 .LBB2_13-.Ltmp5, $4  }
0x196: {  	[tilespmem:s8+$0x4400] =	vst v8;
	v7 =	vand.u32 $0xFFFF0000, v7;
	v6 =	vadd.s32 $0x7FFF, v6;
	v5 =	vadd.s32 v9, v5  }
0x197: {  	[tilespmem:s8+$0x4410] =	vst v7;
	v6 =	vand.u32 $0xFFFF0000, v6;
	v5 =	vadd.s32 $0x7FFF, v5  }
0x198: {  	[tilespmem:s8+$0x4420] =	vst v6;
	v5 =	vand.u32 $0xFFFF0000, v5  }
0x199: {  	p1 =	por $0x0, $0x0;
	[tilespmem:s8+$0x4430] =	vst v5;
	s8 =	simm.s32 $0x40  }
0x19a: {  	[tilespmem:$0x2A00] =	vst v2  }
0x19b: {  	[tilespmem:$0x2A10] =	vst v2  }
0x19c: {  	[tilespmem:$0x2A20] =	vst v2  }
0x19d: {  	[tilespmem:$0x2A30] =	vst v2  }
0x19e: {  	[tilespmem:$0x2A40] =	vst v2  }
0x19f: {  	[tilespmem:$0x2A50] =	vst v2  }
0x1a0: {  	[tilespmem:$0x2A60] =	vst v2  }
0x1a1: {  	[tilespmem:$0x2A70] =	vst v2  }
0x1a2: {  	[tilespmem:v3+s21+$0x0] =	vst.idx.msk $0x1, v4  }
0x1a3: {  	s0 =	simm.s32 $0x1;
	s1 =	simm.s32 $0x0;
	[tilespmem:v3+s22+$0x0] =	vst.idx.msk $0x1, v3  }
.LBB2_15:
0x1a4: {  	v8 =	vmov s1;
	_ =	sdelay $0x4  }
0x1a5: {  	v5 =	vld.idx.msk [tilespmem:v8+s23+$0x0], $0xffff  }
0x1a6: {  	v6 =	vld.idx.msk [tilespmem:v8+s24+$0x0], $0xffff  }
0x1a7: {  	v7 =	vld.idx.msk [tilespmem:v8+s25+$0x0], $0xffff  }
0x1a8: {  	p1 =	por $0x1, $0x1;
	v10 =	vimm.f32 $+Inf;
	v9 =	vimm.s32 $0x0;
	s1 =	simm.s32 $0x0;
	v8 =	vld.idx.msk [tilespmem:v8+s26+$0x0], $0xffff  }
.LBB2_16:
0x1a9: {  	v11 =	vld [tilespmem:s1+$0x4300]  }
0x1aa: {  	v12 =	vld [tilespmem:s1+$0x4380]  }
0x1ab: {  	v13 =	vld [tilespmem:s1+$0x4400]  }
0x1ac: {  	v15 =	vld [tilespmem:s1+$0x4310]  }
0x1ad: {  	v18 =	vld [tilespmem:s1+$0x4390]  }
0x1ae: {  	v59 =	vld [tilespmem:s1+$0x2980]  }
0x1af: {  	v24 =	vld [tilespmem:s1+$0x4330]  }
0x1b0: {  	v34 =	vld [tilespmem:s1+$0x43B0]  }
0x1b1: {  	v27 =	vld [tilespmem:s1+$0x2990]  }
0x1b2: {  	v21 =	vld [tilespmem:s1+$0x4410]  }
0x1b3: {  	v36 =	vld [tilespmem:s1+$0x4430];
	v11 =	vmul.f32 v11, v5;
	v12 =	vmul.f32 v12, v6  }
0x1b4: {  	v15 =	vmul.f32 v15, v5;
	v58 =	vmul.f32 v18, v6  }
0x1b5: {  	v30 =	vadd.f32 v59, v8;
	v40 =	vmul.f32 v24, v5;
	v41 =	vmul.f32 v34, v6  }
0x1b6: {  	v13 =	vmul.f32 v13, v7;
	v53 =	vadd.f32 v27, v8;
	v14 =	vadd.f32 v12, v11  }
0x1b7: {  	v60 =	vmul.f32 v21, v7;
	v61 =	vadd.f32 v58, v15;
	v45 =	vadd.f32 v41, v40  }
0x1b8: {  	v44 =	vmul.f32 v36, v7;
	v16 =	vsub.f32 v14, v11;
	v17 =	vadd.f32 v13, v14  }
0x1b9: {  	v28 =	vsub.f32 v61, v15;
	v21 =	vadd.f32 v60, v61  }
0x1ba: {  	v47 =	vadd.f32 v44, v45;
	v25 =	vsub.f32 v45, v40  }
0x1bb: {  	v19 =	vsub.f32 v14, v16;
	v20 =	vsub.f32 v17, v14  }
0x1bc: {  	v12 =	vsub.f32 v12, v16;
	v29 =	vsub.f32 v61, v28  }
0x1bd: {  	v22 =	vld [tilespmem:s1+$0x43A0];
	v23 =	vsub.f32 v21, v61;
	v49 =	vsub.f32 v47, v45  }
0x1be: {  	v63 =	vld [tilespmem:s1+$0x4320];
	v50 =	vsub.f32 v45, v25;
	v18 =	vsub.f32 v41, v25  }
0x1bf: {  	v11 =	vsub.f32 v11, v19;
	v57 =	vsub.f32 v17, v20  }
0x1c0: {  	v31 =	vld [tilespmem:s1+$0x4420];
	v13 =	vsub.f32 v13, v20;
	v32 =	vsub.f32 v21, v23  }
0x1c1: {  	v19 =	vsub.f32 v60, v23;
	v14 =	vsub.f32 v14, v57  }
0x1c2: {  	v33 =	vmul.f32 v22, v6;
	v11 =	vadd.f32 v11, v12;
	v12 =	vsub.f32 v15, v29  }
0x1c3: {  	v15 =	vsub.f32 v61, v32;
	v62 =	vadd.f32 v14, v13;
	v13 =	vmul.f32 v63, v5  }
0x1c4: {  	v51 =	vsub.f32 v47, v49;
	v14 =	vsub.f32 v58, v28  }
0x1c5: {  	v38 =	vmul.f32 v31, v7;
	v37 =	vadd.f32 v15, v19;
	v35 =	vadd.f32 v33, v13  }
0x1c6: {  	v19 =	vsub.f32 v45, v51;
	v11 =	vadd.f32 v62, v11  }
0x1c7: {  	v12 =	vadd.f32 v12, v14;
	v43 =	vadd.f32 v38, v35  }
0x1c8: {  	v14 =	vsub.f32 v40, v50;
	v39 =	vsub.f32 v35, v13  }
0x1c9: {  	v11 =	vadd.f32 v11, v17;
	v46 =	vsub.f32 v43, v35  }
0x1ca: {  	v12 =	vadd.f32 v37, v12;
	v42 =	vsub.f32 v35, v39  }
0x1cb: {  	v14 =	vadd.f32 v14, v18;
	v48 =	vsub.f32 v43, v46  }
0x1cc: {  	v26 =	vld [tilespmem:s1+$0x2A00];
	v16 =	vsub.f32 v33, v39;
	v13 =	vsub.f32 v13, v42  }
0x1cd: {  	v52 =	vld [tilespmem:s1+$0x2A10];
	v15 =	vsub.f32 v38, v46;
	v20 =	vsub.f32 v35, v48  }
0x1ce: {  	v11 =	vadd.f32 v11, v11;
	v13 =	vadd.f32 v13, v16  }
0x1cf: {  	v54 =	vld [tilespmem:s1+$0x29A0];
	v16 =	vsub.f32 v44, v49;
	v15 =	vadd.f32 v20, v15  }
0x1d0: {  	v12 =	vadd.f32 v12, v21;
	v11 =	vsub.f32 v30, v11  }
0x1d1: {  	v55 =	vld [tilespmem:s1+$0x29B0];
	vm1 =	vgt.f32 v26, $0.0e+00;
	v16 =	vadd.f32 v19, v16;
	v13 =	vadd.f32 v15, v13  }
0x1d2: {  	vm2 =	vgt.f32 v52, $0.0e+00;
	v12 =	vadd.f32 v12, v12;
	v11 =	vmax.f32 v11, $0.0e+00  }
0x1d3: {  	v56 =	vld [tilespmem:s1+$0x2A20];
	v11 =	vsel vm1, $0x7F61B1E6, v11;
	v14 =	vadd.f32 v16, v14;
	v13 =	vadd.f32 v13, v43  }
0x1d4: {  	v57 =	vadd.f32 v54, v8;
	v12 =	vsub.f32 v53, v12;
	vm1 =	vlt.f32 v11, v10  }
0x1d5: {  	s2 =	sor.u32 $0x10, s1;
	v10 =	vsel vm1, v11, v10;
	v11 =	vadd.f32 v14, v47;
	v13 =	vadd.f32 v13, v13  }
0x1d6: {  	v59 =	vor.u32 s1, v1;
	v60 =	vor.u32 s2, v1;
	v58 =	vld [tilespmem:s1+$0x2A30];
	v15 =	vadd.f32 v55, v8  }
0x1d7: {  	v12 =	vmax.f32 v12, $0.0e+00;
	v11 =	vadd.f32 v11, v11;
	v13 =	vsub.f32 v57, v13  }
0x1d8: {  	v12 =	vsel vm2, $0x7F61B1E6, v12;
	v9 =	vsel vm1, v59, v9;
	vm2 =	vgt.f32 v56, $0.0e+00  }
0x1d9: {  	p2 =	por p1, p1;
	vm1 =	vlt.f32 v12, v10;
	v11 =	vsub.f32 v15, v11;
	v13 =	vmax.f32 v13, $0.0e+00  }
.Ltmp6:
0x1da: {  	v10 =	vsel vm1, v12, v10;
	v9 =	vsel vm1, v60, v9;
	v61 =	vsel vm2, $0x7F61B1E6, v13;
	(pc) =	sbr.rel @p2 .LBB2_16-.Ltmp6, $4  }
0x1db: {  	s14 =	sor.u32 $0x20, s1;
	v11 =	vmax.f32 v11, $0.0e+00;
	vm2 =	vgt.f32 v58, $0.0e+00;
	vm1 =	vlt.f32 v61, v10  }
0x1dc: {  	s30 =	sor.u32 $0x30, s1;
	v62 =	vor.u32 s14, v1;
	v11 =	vsel vm2, $0x7F61B1E6, v11;
	v10 =	vsel vm1, v61, v10  }
0x1dd: {  	v63 =	vor.u32 s30, v1;
	v9 =	vsel vm1, v62, v9;
	vm1 =	vlt.f32 v11, v10  }
0x1de: {  	p1 =	por $0x0, $0x0;
	s1 =	simm.s32 $0x40;
	v10 =	vsel vm1, v11, v10;
	v9 =	vsel vm1, v63, v9  }
0x1df: {  	(xrf0) =	vmin.scan.msk.f32 $0xffff, v10;
	_ =	sdelay $0x5  }
0x1e0: {  	v5, _, _ =	vpop (xrf0)  }
0x1e1: {  	v5 =	vbroadcast v5, $0xF;
	_ =	sdelay $0x1  }
0x1e2: {  	vm1 =	veq.f32 v10, v5;
	v5 =	vxor.u32 $0x80000000, v9  }
0x1e3: {  	v5 =	vnsel vm1, $0x80000080, v5  }
0x1e4: {  	(xrf0) =	vmin.scan.msk.u32 $0xffff, v5;
	_ =	sdelay $0x5  }
0x1e5: {  	v5, _, _ =	vpop (xrf0)  }
0x1e6: {  	(v2sf) =	vpush v5, $0xF;
	_ =	sdelay $0xe  }
0x1e7: {  	s1 =	spop (v2sf)  }
0x1e8: {  	s1 =	sxor.u32 $0x80000000, s1  }
0x1e9: {  	v6 =	vmov s0;
	s0 =	sadd.s32 $0x1, s0;
	v5 =	vmov s1  }
0x1ea: {  	p1 =	sne.s32 s0, $0x80  }
.Ltmp7:
0x1eb: {  	_ = 	snop;
	(pc) =	sbr.rel @p1 .LBB2_15-.Ltmp7, $3  }
0x1ec: {  	_ =	sdelay $0x1  }
0x1ed: {  	[tilespmem:v5+s21+$0x0] =	vst.idx.msk $0x1, v4  }
0x1ee: {  	[tilespmem:v6+s22+$0x0] =	vst.idx.msk $0x1, v5  }
0x1ef: {  	s0 =	simm.s32 $0x0  }
.LBB2_19:
0x1f0: {  	v5 =	vmov s0  }
0x1f1: {  	v5 =	vand.u32 $0xFFFFFFFE, v5  }
0x1f2: {  	v5 =	vbroadcast v5, $0x0;
	_ =	sdelay $0x5  }
0x1f3: {  	v5 =	vld.idx.msk [tilespmem:v5+s22+$0x0], $0xffff;
	_ =	sdelay $0x7  }
0x1f4: {  	v9 =	vld.idx.msk [tilespmem:v5+s18+$0x0], $0xffff  }
0x1f5: {  	v18 =	vimm.f32 $3.000000010e+38;
	v10 =	vld.idx.msk [tilespmem:v5+s19+$0x0], $0xffff  }
0x1f6: {  	v16 =	vimm.s32 $0x0;
	v13 =	vimm.s32 $0x0;
	v14 =	vimm.f32 $3.000000010e+38;
	v11 =	vld.idx.msk [tilespmem:v5+s20+$0x0], $0xffff  }
0x1f7: {  	v19 =	vimm.s32 $0x0;
	v15 =	vimm.s32 $0x0;
	v21 =	vimm.f32 $3.000000010e+38;
	v6 =	vld.idx.msk [tilespmem:v5+s26+$0x0], $0xffff  }
0x1f8: {  	v17 =	vimm.f32 $3.000000010e+38;
	v25 =	vimm.s32 $0x0;
	v20 =	vimm.s32 $0x0;
	v7 =	vld.idx.msk [tilespmem:v5+s23+$0x0], $0xffff  }
0x1f9: {  	s1 =	simm.s32 $0xFFFFFFFE;
	s2 =	simm.s32 $0x40;
	s4 =	simm.s32 $0x2B40;
	v27 =	vimm.f32 $3.000000010e+38;
	v23 =	vimm.f32 $3.000000010e+38;
	v26 =	vimm.s32 $0x0;
	v8 =	vld.idx.msk [tilespmem:v5+s24+$0x0], $0xffff  }
0x1fa: {  	s11 =	simm.s32 $0x3340;
	s30 =	simm.s32 $0x3B40;
	s5 =	simm.s32 $0x2040;
	v22 =	vimm.s32 $0x0;
	v28 =	vimm.f32 $3.000000010e+38;
	v24 =	vimm.f32 $3.000000010e+38;
	v12 =	vld.idx.msk [tilespmem:v5+s25+$0x0], $0xffff  }
.LBB2_20:
0x1fb: {  	v5 =	vld [tilespmem:s4+$0xFFFFFFC0]  }
0x1fc: {  	v29 =	vld [tilespmem:s11+$0xFFFFFFC0];
	_ =	sdelay $0x1  }
0x1fd: {  	v30 =	vld [tilespmem:s30+$0xFFFFFFC0];
	_ =	sdelay $0x2  }
0x1fe: {  	v5 =	vmul.f32 v5, v7;
	v29 =	vmul.f32 v29, v8;
	_ =	sdelay $0x1  }
0x1ff: {  	v30 =	vmul.f32 v30, v12;
	v31 =	vadd.f32 v29, v5;
	_ =	sdelay $0x1  }
0x200: {  	v32 =	vadd.f32 v30, v31  }
0x201: {  	v33 =	vsub.f32 v31, v5  }
0x202: {  	v34 =	vsub.f32 v32, v31  }
0x203: {  	v35 =	vsub.f32 v31, v33  }
0x204: {  	v36 =	vsub.f32 v32, v34  }
0x205: {  	v29 =	vsub.f32 v29, v33;
	v5 =	vsub.f32 v5, v35  }
0x206: {  	v30 =	vsub.f32 v30, v34;
	v31 =	vsub.f32 v31, v36;
	_ =	sdelay $0x1  }
0x207: {  	v5 =	vadd.f32 v5, v29;
	v29 =	vadd.f32 v31, v30  }
0x208: {  	v30 =	vld [tilespmem:s5+$0xFFFFFFC0]  }
0x209: {  	v5 =	vadd.f32 v29, v5;
	_ =	sdelay $0x1  }
0x20a: {  	v5 =	vadd.f32 v5, v32;
	_ =	sdelay $0x1  }
0x20b: {  	v29 =	vadd.f32 v30, v6;
	v5 =	vadd.f32 v5, v5;
	_ =	sdelay $0x1  }
0x20c: {  	v5 =	vsub.f32 v29, v5  }
0x20d: {  	s6 =	sadd.s32 $0xFFFFFFC0, s2  }
0x20e: {  	v29 =	vor.u32 s6, v1;
	v5 =	vmax.f32 v5, $0.0e+00  }
0x20f: {  	(xrf1) =	vsort.ascd.msk.f32 $0xffff, v5, v29;
	_ =	sdelay $0xa  }
0x210: {  	v30 =	vld [tilespmem:s11+$0xFFFFFFD0]  }
0x211: {  	v29 =	vld [tilespmem:s4+$0xFFFFFFD0];
	v5 =	vmul.u32 $0xFFFFFFFF, v1;
	_ =	sdelay $0x1  }
0x212: {  	v50 =	vld [tilespmem:s30+$0xFFFFFFD0];
	v5 =	vadd.s32 $0xF, v5;
	v31, v49, _ =	vpop (xrf1)  }
0x213: {  	v31 =	vperm.xlane v31, v5  }
0x214: {  	v32 =	vperm.xlane v49, v5  }
0x215: {  	v30 =	vmul.f32 v30, v8;
	v29 =	vmul.f32 v29, v7;
	vm1 =	vlt.f32 v28, v31  }
0x216: {  	v28 =	vsel vm1, v28, v31;
	v26 =	vsel vm1, v26, v32  }
0x217: {  	(xrf1) =	vsort.ascd.msk.f32 $0xffff, v28, v26;
	v26 =	vmul.f32 v50, v12;
	v28 =	vadd.f32 v30, v29;
	_ =	sdelay $0x1  }
0x218: {  	v31 =	vadd.f32 v26, v28  }
0x219: {  	v51 =	vsub.f32 v28, v29  }
0x21a: {  	v52 =	vsub.f32 v31, v28  }
0x21b: {  	v53 =	vsub.f32 v28, v51  }
0x21c: {  	v54 =	vsub.f32 v31, v52  }
0x21d: {  	v30 =	vsub.f32 v30, v51;
	v29 =	vsub.f32 v29, v53  }
0x21e: {  	v26 =	vsub.f32 v26, v52;
	v28 =	vsub.f32 v28, v54;
	_ =	sdelay $0x1  }
0x21f: {  	v29 =	vadd.f32 v29, v30;
	v26 =	vadd.f32 v28, v26  }
0x220: {  	v28 =	vld [tilespmem:s5+$0xFFFFFFD0]  }
0x221: {  	v26 =	vadd.f32 v26, v29;
	_ =	sdelay $0x1  }
0x222: {  	v29, v30, _ =	vpop (xrf1);
	v26 =	vadd.f32 v26, v31  }
0x223: {  	v29 =	vperm.xlane v29, v5  }
0x224: {  	v30 =	vperm.xlane v30, v5;
	v28 =	vadd.f32 v28, v6;
	v26 =	vadd.f32 v26, v26  }
0x225: {  	vm1 =	vlt.f32 v24, v29  }
0x226: {  	v31 =	vsel vm1, v24, v29;
	v55 =	vsel vm1, v22, v30;
	v26 =	vsub.f32 v28, v26  }
0x227: {  	s8 =	sadd.s32 $0xFFFFFFD0, s2;
	v24 =	vsel vm1, v29, v24;
	v22 =	vsel vm1, v30, v22;
	(xrf1) =	vsort.ascd.msk.f32 $0xffff, v31, v55  }
0x228: {  	(xrf1) =	vsort.ascd.msk.f32 $0xffff, v24, v22;
	v22 =	vmax.f32 v26, $0.0e+00;
	v24 =	vor.u32 s8, v1  }
0x229: {  	(xrf1) =	vsort.ascd.msk.f32 $0xffff, v22, v24;
	_ =	sdelay $0xa  }
0x22a: {  	v29 =	vld [tilespmem:s4+$0xFFFFFFE0]  }
0x22b: {  	v30 =	vld [tilespmem:s11+$0xFFFFFFE0];
	v24, v22, _ =	vpop (xrf1)  }
0x22c: {  	v28, v26, _ =	vpop (xrf1)  }
0x22d: {  	v56 =	vld [tilespmem:s30+$0xFFFFFFE0];
	v31, v32, _ =	vpop (xrf1)  }
0x22e: {  	v31 =	vperm.xlane v31, v5  }
0x22f: {  	v32 =	vperm.xlane v32, v5  }
0x230: {  	v29 =	vmul.f32 v29, v7;
	v30 =	vmul.f32 v30, v8;
	vm1 =	vlt.f32 v27, v31  }
0x231: {  	v27 =	vsel vm1, v27, v31;
	v25 =	vsel vm1, v25, v32  }
0x232: {  	(xrf1) =	vsort.ascd.msk.f32 $0xffff, v27, v25;
	v25 =	vmul.f32 v56, v12;
	v27 =	vadd.f32 v30, v29;
	_ =	sdelay $0x1  }
0x233: {  	v31 =	vadd.f32 v25, v27  }
0x234: {  	v57 =	vsub.f32 v27, v29  }
0x235: {  	v58 =	vsub.f32 v31, v27  }
0x236: {  	v59 =	vsub.f32 v27, v57  }
0x237: {  	v60 =	vsub.f32 v31, v58  }
0x238: {  	v30 =	vsub.f32 v30, v57;
	v29 =	vsub.f32 v29, v59  }
0x239: {  	v25 =	vsub.f32 v25, v58;
	v27 =	vsub.f32 v27, v60;
	_ =	sdelay $0x1  }
0x23a: {  	v29 =	vadd.f32 v29, v30;
	v25 =	vadd.f32 v27, v25  }
0x23b: {  	v27 =	vld [tilespmem:s5+$0xFFFFFFE0]  }
0x23c: {  	v25 =	vadd.f32 v25, v29;
	_ =	sdelay $0x1  }
0x23d: {  	v29, v30, _ =	vpop (xrf1);
	v25 =	vadd.f32 v25, v31  }
0x23e: {  	v29 =	vperm.xlane v29, v5  }
0x23f: {  	v30 =	vperm.xlane v30, v5;
	v27 =	vadd.f32 v27, v6;
	v25 =	vadd.f32 v25, v25  }
0x240: {  	vm1 =	vlt.f32 v23, v29  }
0x241: {  	v31 =	vsel vm1, v23, v29;
	v61 =	vsel vm1, v20, v30;
	v25 =	vsub.f32 v27, v25  }
0x242: {  	s9 =	sadd.s32 $0xFFFFFFE0, s2;
	v23 =	vsel vm1, v29, v23;
	v20 =	vsel vm1, v30, v20;
	(xrf1) =	vsort.ascd.msk.f32 $0xffff, v31, v61  }
0x243: {  	(xrf1) =	vsort.ascd.msk.f32 $0xffff, v23, v20;
	v20 =	vmax.f32 v25, $0.0e+00;
	v23 =	vor.u32 s9, v1  }
0x244: {  	(xrf1) =	vsort.ascd.msk.f32 $0xffff, v20, v23;
	_ =	sdelay $0xa  }
0x245: {  	v29 =	vld [tilespmem:s4+$0xFFFFFFF0]  }
0x246: {  	v30 =	vld [tilespmem:s11+$0xFFFFFFF0];
	v23, v20, _ =	vpop (xrf1)  }
0x247: {  	v27, v25, _ =	vpop (xrf1)  }
0x248: {  	v62 =	vld [tilespmem:s30+$0xFFFFFFF0];
	v31, v32, _ =	vpop (xrf1)  }
0x249: {  	v31 =	vperm.xlane v31, v5  }
0x24a: {  	v32 =	vperm.xlane v32, v5  }
0x24b: {  	v29 =	vmul.f32 v29, v7;
	v30 =	vmul.f32 v30, v8;
	vm1 =	vlt.f32 v21, v31  }
0x24c: {  	v21 =	vsel vm1, v21, v31;
	v19 =	vsel vm1, v19, v32  }
0x24d: {  	(xrf1) =	vsort.ascd.msk.f32 $0xffff, v21, v19;
	v19 =	vmul.f32 v62, v12;
	v21 =	vadd.f32 v30, v29;
	_ =	sdelay $0x1  }
0x24e: {  	v31 =	vadd.f32 v19, v21  }
0x24f: {  	v63 =	vsub.f32 v21, v29  }
0x250: {  	v36 =	vsub.f32 v31, v21  }
0x251: {  	v37 =	vsub.f32 v21, v63  }
0x252: {  	v38 =	vsub.f32 v31, v36  }
0x253: {  	v30 =	vsub.f32 v30, v63;
	v29 =	vsub.f32 v29, v37  }
0x254: {  	v19 =	vsub.f32 v19, v36;
	v21 =	vsub.f32 v21, v38;
	_ =	sdelay $0x1  }
0x255: {  	v29 =	vadd.f32 v29, v30;
	v19 =	vadd.f32 v21, v19  }
0x256: {  	v21 =	vld [tilespmem:s5+$0xFFFFFFF0]  }
0x257: {  	v19 =	vadd.f32 v19, v29;
	_ =	sdelay $0x1  }
0x258: {  	v29, v30, _ =	vpop (xrf1);
	v19 =	vadd.f32 v19, v31  }
0x259: {  	v29 =	vperm.xlane v29, v5  }
0x25a: {  	v30 =	vperm.xlane v30, v5;
	v21 =	vadd.f32 v21, v6;
	v19 =	vadd.f32 v19, v19  }
0x25b: {  	vm1 =	vlt.f32 v17, v29  }
0x25c: {  	v31 =	vsel vm1, v17, v29;
	v39 =	vsel vm1, v15, v30;
	v19 =	vsub.f32 v21, v19  }
0x25d: {  	s10 =	sadd.s32 $0xFFFFFFF0, s2;
	v17 =	vsel vm1, v29, v17;
	v15 =	vsel vm1, v30, v15;
	(xrf1) =	vsort.ascd.msk.f32 $0xffff, v31, v39  }
0x25e: {  	(xrf1) =	vsort.ascd.msk.f32 $0xffff, v17, v15;
	v15 =	vmax.f32 v19, $0.0e+00;
	v17 =	vor.u32 s10, v1  }
0x25f: {  	(xrf1) =	vsort.ascd.msk.f32 $0xffff, v15, v17;
	_ =	sdelay $0xa  }
0x260: {  	v29 =	vld [tilespmem:s4+$0x0]  }
0x261: {  	v30 =	vld [tilespmem:s11+$0x0];
	v17, v15, _ =	vpop (xrf1)  }
0x262: {  	v21, v19, _ =	vpop (xrf1)  }
0x263: {  	v40 =	vld [tilespmem:s30+$0x0];
	v31, v32, _ =	vpop (xrf1)  }
0x264: {  	v31 =	vperm.xlane v31, v5  }
0x265: {  	v32 =	vperm.xlane v32, v5  }
0x266: {  	v29 =	vmul.f32 v29, v7;
	v30 =	vmul.f32 v30, v8;
	vm1 =	vlt.f32 v18, v31  }
0x267: {  	v18 =	vsel vm1, v18, v31;
	v16 =	vsel vm1, v16, v32  }
0x268: {  	(xrf1) =	vsort.ascd.msk.f32 $0xffff, v18, v16;
	v16 =	vmul.f32 v40, v12;
	v18 =	vadd.f32 v30, v29;
	_ =	sdelay $0x1  }
0x269: {  	v31 =	vadd.f32 v16, v18  }
0x26a: {  	v41 =	vsub.f32 v18, v29  }
0x26b: {  	v42 =	vsub.f32 v31, v18  }
0x26c: {  	v43 =	vsub.f32 v18, v41  }
0x26d: {  	v44 =	vsub.f32 v31, v42  }
0x26e: {  	v30 =	vsub.f32 v30, v41;
	v29 =	vsub.f32 v29, v43  }
0x26f: {  	v16 =	vsub.f32 v16, v42;
	v18 =	vsub.f32 v18, v44;
	_ =	sdelay $0x1  }
0x270: {  	v29 =	vadd.f32 v29, v30;
	v16 =	vadd.f32 v18, v16  }
0x271: {  	v18 =	vld [tilespmem:s5+$0x0]  }
0x272: {  	v16 =	vadd.f32 v16, v29;
	_ =	sdelay $0x1  }
0x273: {  	v29, v30, _ =	vpop (xrf1);
	v16 =	vadd.f32 v16, v31  }
0x274: {  	v29 =	vperm.xlane v29, v5  }
0x275: {  	v30 =	vperm.xlane v30, v5;
	v18 =	vadd.f32 v18, v6;
	v16 =	vadd.f32 v16, v16  }
0x276: {  	vm1 =	vlt.f32 v14, v29  }
0x277: {  	v31 =	vsel vm1, v14, v29;
	v45 =	vsel vm1, v13, v30;
	v16 =	vsub.f32 v18, v16  }
0x278: {  	v14 =	vsel vm1, v29, v14;
	v13 =	vsel vm1, v30, v13;
	(xrf1) =	vsort.ascd.msk.f32 $0xffff, v31, v45  }
0x279: {  	(xrf1) =	vsort.ascd.msk.f32 $0xffff, v14, v13;
	v13 =	vmax.f32 v16, $0.0e+00;
	v14 =	vor.u32 s2, v1  }
0x27a: {  	(xrf1) =	vsort.ascd.msk.f32 $0xffff, v13, v14;
	_ =	sdelay $0xa  }
0x27b: {  	v29 =	vld [tilespmem:s4+$0x10]  }
0x27c: {  	v30 =	vld [tilespmem:s11+$0x10];
	v14, v13, _ =	vpop (xrf1)  }
0x27d: {  	v18, v16, _ =	vpop (xrf1)  }
0x27e: {  	v46 =	vld [tilespmem:s30+$0x10];
	v31, v32, _ =	vpop (xrf1)  }
0x27f: {  	v31 =	vperm.xlane v31, v5  }
0x280: {  	v32 =	vperm.xlane v32, v5  }
0x281: {  	v29 =	vmul.f32 v29, v7;
	v30 =	vmul.f32 v30, v8;
	vm1 =	vlt.f32 v28, v31  }
0x282: {  	v28 =	vsel vm1, v28, v31;
	v26 =	vsel vm1, v26, v32  }
0x283: {  	(xrf1) =	vsort.ascd.msk.f32 $0xffff, v28, v26;
	v26 =	vmul.f32 v46, v12;
	v28 =	vadd.f32 v30, v29;
	_ =	sdelay $0x1  }
0x284: {  	v31 =	vadd.f32 v26, v28  }
0x285: {  	v47 =	vsub.f32 v28, v29  }
0x286: {  	v48 =	vsub.f32 v31, v28  }
0x287: {  	v49 =	vsub.f32 v28, v47  }
0x288: {  	v50 =	vsub.f32 v31, v48  }
0x289: {  	v30 =	vsub.f32 v30, v47;
	v29 =	vsub.f32 v29, v49  }
0x28a: {  	v26 =	vsub.f32 v26, v48;
	v28 =	vsub.f32 v28, v50;
	_ =	sdelay $0x1  }
0x28b: {  	v29 =	vadd.f32 v29, v30;
	v26 =	vadd.f32 v28, v26  }
0x28c: {  	v28 =	vld [tilespmem:s5+$0x10]  }
0x28d: {  	v26 =	vadd.f32 v26, v29;
	_ =	sdelay $0x1  }
0x28e: {  	v29, v30, _ =	vpop (xrf1);
	v26 =	vadd.f32 v26, v31  }
0x28f: {  	v29 =	vperm.xlane v29, v5  }
0x290: {  	v30 =	vperm.xlane v30, v5;
	v28 =	vadd.f32 v28, v6;
	v26 =	vadd.f32 v26, v26  }
0x291: {  	vm1 =	vlt.f32 v24, v29  }
0x292: {  	v31 =	vsel vm1, v24, v29;
	v51 =	vsel vm1, v22, v30;
	v26 =	vsub.f32 v28, v26  }
0x293: {  	s12 =	sadd.s32 $0x10, s2;
	v24 =	vsel vm1, v29, v24;
	v22 =	vsel vm1, v30, v22;
	(xrf1) =	vsort.ascd.msk.f32 $0xffff, v31, v51  }
0x294: {  	(xrf1) =	vsort.ascd.msk.f32 $0xffff, v24, v22;
	v22 =	vmax.f32 v26, $0.0e+00;
	v24 =	vor.u32 s12, v1  }
0x295: {  	(xrf1) =	vsort.ascd.msk.f32 $0xffff, v22, v24;
	_ =	sdelay $0xa  }
0x296: {  	v29 =	vld [tilespmem:s4+$0x20]  }
0x297: {  	v30 =	vld [tilespmem:s11+$0x20];
	v24, v22, _ =	vpop (xrf1)  }
0x298: {  	v28, v26, _ =	vpop (xrf1)  }
0x299: {  	v52 =	vld [tilespmem:s30+$0x20];
	v31, v32, _ =	vpop (xrf1)  }
0x29a: {  	v31 =	vperm.xlane v31, v5  }
0x29b: {  	v32 =	vperm.xlane v32, v5  }
0x29c: {  	v29 =	vmul.f32 v29, v7;
	v30 =	vmul.f32 v30, v8;
	vm1 =	vlt.f32 v27, v31  }
0x29d: {  	v27 =	vsel vm1, v27, v31;
	v25 =	vsel vm1, v25, v32  }
0x29e: {  	(xrf1) =	vsort.ascd.msk.f32 $0xffff, v27, v25;
	v25 =	vmul.f32 v52, v12;
	v27 =	vadd.f32 v30, v29;
	_ =	sdelay $0x1  }
0x29f: {  	v31 =	vadd.f32 v25, v27  }
0x2a0: {  	v53 =	vsub.f32 v27, v29  }
0x2a1: {  	v54 =	vsub.f32 v31, v27  }
0x2a2: {  	v55 =	vsub.f32 v27, v53  }
0x2a3: {  	v56 =	vsub.f32 v31, v54  }
0x2a4: {  	v30 =	vsub.f32 v30, v53;
	v29 =	vsub.f32 v29, v55  }
0x2a5: {  	v25 =	vsub.f32 v25, v54;
	v27 =	vsub.f32 v27, v56;
	_ =	sdelay $0x1  }
0x2a6: {  	v29 =	vadd.f32 v29, v30;
	v25 =	vadd.f32 v27, v25  }
0x2a7: {  	v27 =	vld [tilespmem:s5+$0x20]  }
0x2a8: {  	v25 =	vadd.f32 v25, v29;
	_ =	sdelay $0x1  }
0x2a9: {  	v29, v30, _ =	vpop (xrf1);
	v25 =	vadd.f32 v25, v31  }
0x2aa: {  	v29 =	vperm.xlane v29, v5  }
0x2ab: {  	v30 =	vperm.xlane v30, v5;
	v27 =	vadd.f32 v27, v6;
	v25 =	vadd.f32 v25, v25  }
0x2ac: {  	vm1 =	vlt.f32 v23, v29  }
0x2ad: {  	v31 =	vsel vm1, v23, v29;
	v57 =	vsel vm1, v20, v30;
	v25 =	vsub.f32 v27, v25  }
0x2ae: {  	s13 =	sadd.s32 $0x20, s2;
	v23 =	vsel vm1, v29, v23;
	v20 =	vsel vm1, v30, v20;
	(xrf1) =	vsort.ascd.msk.f32 $0xffff, v31, v57  }
0x2af: {  	(xrf1) =	vsort.ascd.msk.f32 $0xffff, v23, v20;
	v20 =	vmax.f32 v25, $0.0e+00;
	v23 =	vor.u32 s13, v1  }
0x2b0: {  	(xrf1) =	vsort.ascd.msk.f32 $0xffff, v20, v23;
	_ =	sdelay $0xa  }
0x2b1: {  	v29 =	vld [tilespmem:s4+$0x30]  }
0x2b2: {  	v30 =	vld [tilespmem:s11+$0x30];
	v23, v20, _ =	vpop (xrf1)  }
0x2b3: {  	v27, v25, _ =	vpop (xrf1)  }
0x2b4: {  	v58 =	vld [tilespmem:s30+$0x30];
	v31, v32, _ =	vpop (xrf1)  }
0x2b5: {  	v31 =	vperm.xlane v31, v5  }
0x2b6: {  	v32 =	vperm.xlane v32, v5  }
0x2b7: {  	v29 =	vmul.f32 v29, v7;
	v30 =	vmul.f32 v30, v8;
	vm1 =	vlt.f32 v21, v31  }
0x2b8: {  	v21 =	vsel vm1, v21, v31;
	v19 =	vsel vm1, v19, v32  }
0x2b9: {  	(xrf1) =	vsort.ascd.msk.f32 $0xffff, v21, v19;
	v19 =	vmul.f32 v58, v12;
	v21 =	vadd.f32 v30, v29;
	_ =	sdelay $0x1  }
0x2ba: {  	v31 =	vadd.f32 v19, v21  }
0x2bb: {  	v59 =	vsub.f32 v21, v29  }
0x2bc: {  	v60 =	vsub.f32 v31, v21  }
0x2bd: {  	v61 =	vsub.f32 v21, v59  }
0x2be: {  	v62 =	vsub.f32 v31, v60  }
0x2bf: {  	v30 =	vsub.f32 v30, v59;
	v29 =	vsub.f32 v29, v61  }
0x2c0: {  	v19 =	vsub.f32 v19, v60;
	v21 =	vsub.f32 v21, v62;
	_ =	sdelay $0x1  }
0x2c1: {  	v29 =	vadd.f32 v29, v30;
	v19 =	vadd.f32 v21, v19  }
0x2c2: {  	v21 =	vld [tilespmem:s5+$0x30]  }
0x2c3: {  	v19 =	vadd.f32 v19, v29;
	_ =	sdelay $0x1  }
0x2c4: {  	v29, v30, _ =	vpop (xrf1);
	v19 =	vadd.f32 v19, v31  }
0x2c5: {  	v29 =	vperm.xlane v29, v5  }
0x2c6: {  	v30 =	vperm.xlane v30, v5;
	v21 =	vadd.f32 v21, v6;
	v19 =	vadd.f32 v19, v19  }
0x2c7: {  	vm1 =	vlt.f32 v17, v29  }
0x2c8: {  	v31 =	vsel vm1, v17, v29;
	v63 =	vsel vm1, v15, v30;
	v19 =	vsub.f32 v21, v19  }
0x2c9: {  	s14 =	sadd.s32 $0x30, s2;
	v17 =	vsel vm1, v29, v17;
	v15 =	vsel vm1, v30, v15;
	(xrf1) =	vsort.ascd.msk.f32 $0xffff, v31, v63  }
0x2ca: {  	(xrf1) =	vsort.ascd.msk.f32 $0xffff, v17, v15;
	v15 =	vmax.f32 v19, $0.0e+00;
	v17 =	vor.u32 s14, v1  }
0x2cb: {  	(xrf1) =	vsort.ascd.msk.f32 $0xffff, v15, v17;
	_ =	sdelay $0xb  }
0x2cc: {  	v17, v15, _ =	vpop (xrf1)  }
0x2cd: {  	v21, v19, _ =	vpop (xrf1)  }
0x2ce: {  	v29, v30, _ =	vpop (xrf1)  }
0x2cf: {  	v29 =	vperm.xlane v29, v5  }
0x2d0: {  	v30 =	vperm.xlane v30, v5  }
0x2d1: {  	vm1 =	vlt.f32 v18, v29  }
0x2d2: {  	v18 =	vsel vm1, v18, v29;
	v16 =	vsel vm1, v16, v30  }
0x2d3: {  	(xrf1) =	vsort.ascd.msk.f32 $0xffff, v18, v16;
	_ =	sdelay $0xd  }
0x2d4: {  	v16, v18, _ =	vpop (xrf1)  }
0x2d5: {  	v16 =	vperm.xlane v16, v5  }
0x2d6: {  	v18 =	vperm.xlane v18, v5  }
0x2d7: {  	vm1 =	vlt.f32 v14, v16  }
0x2d8: {  	v29 =	vsel vm1, v14, v16;
	v30 =	vsel vm1, v13, v18  }
0x2d9: {  	v14 =	vsel vm1, v16, v14;
	v13 =	vsel vm1, v18, v13;
	(xrf1) =	vsort.ascd.msk.f32 $0xffff, v29, v30  }
0x2da: {  	(xrf1) =	vsort.ascd.msk.f32 $0xffff, v14, v13;
	_ =	sdelay $0x7  }
0x2db: {  	s1 =	sadd.s32 $0x2, s1  }
0x2dc: {  	p1 =	slt.u32 s1, $0x1E  }
.Ltmp8:
0x2dd: {  	_ = 	snop;
	(pc) =	sbr.rel @p1 .LBB2_20-.Ltmp8, $3  }
0x2de: {  	_ =	sdelay $0x1  }
0x2df: {  	s30 =	sadd.s32 $0x80, s30;
	s2 =	sadd.s32 $0x80, s2;
	v14, v13, _ =	vpop (xrf1)  }
0x2e0: {  	s4 =	sadd.s32 $0x80, s4;
	s11 =	sadd.s32 $0x80, s11;
	s5 =	sadd.s32 $0x80, s5;
	v18, v16, _ =	vpop (xrf1)  }
0x2e1: {  	v7 =	vperm.xlane v27, v5  }
0x2e2: {  	v6 =	vperm.xlane v23, v5;
	v8 =	vperm.xlane v20, v5  }
0x2e3: {  	v12 =	vperm.xlane v25, v5;
	v14 =	vperm.xlane v14, v5;
	vm1 =	vlt.f32 v24, v7  }
0x2e4: {  	v18 =	vperm.xlane v18, v5;
	vm2 =	vlt.f32 v28, v6;
	v7 =	vsel vm1, v24, v7  }
0x2e5: {  	v6 =	vsel vm2, v28, v6;
	v12 =	vsel vm1, v22, v12;
	v8 =	vsel vm2, v26, v8  }
0x2e6: {  	vm1 =	vlt.f32 v17, v18;
	vm2 =	vlt.f32 v21, v14;
	vm3 =	vlt.f32 v7, v6  }
0x2e7: {  	v20 =	vsel vm3, v7, v6;
	v22 =	vsel vm3, v12, v8;
	v6 =	vsel vm3, v6, v7  }
0x2e8: {  	v7 =	vsel vm3, v8, v12;
	v8 =	vperm.xlane v13, v5;
	v12 =	vperm.xlane v16, v5  }
0x2e9: {  	v14 =	vsel vm2, v21, v14;
	v13 =	vsel vm1, v17, v18;
	(xrf1) =	vsort.ascd.msk.f32 $0xffff, v20, v22  }
0x2ea: {  	v12 =	vsel vm1, v15, v12;
	v8 =	vsel vm2, v19, v8;
	vm1 =	vlt.f32 v13, v14  }
0x2eb: {  	(xrf1) =	vsort.ascd.msk.f32 $0xffff, v6, v7;
	v6 =	vsel vm1, v13, v14;
	v7 =	vsel vm1, v12, v8  }
0x2ec: {  	v13 =	vsel vm1, v14, v13;
	v8 =	vsel vm1, v8, v12;
	(xrf1) =	vsort.ascd.msk.f32 $0xffff, v6, v7  }
0x2ed: {  	(xrf1) =	vsort.ascd.msk.f32 $0xffff, v13, v8;
	_ =	sdelay $0xa  }
0x2ee: {  	v6, v7, _ =	vpop (xrf1)  }
0x2ef: {  	v8, v12, _ =	vpop (xrf1)  }
0x2f0: {  	v13, v14, _ =	vpop (xrf1)  }
0x2f1: {  	v15, v16, _ =	vpop (xrf1)  }
0x2f2: {  	v13 =	vperm.xlane v13, v5;
	v15 =	vperm.xlane v15, v5  }
0x2f3: {  	v14 =	vperm.xlane v14, v5  }
0x2f4: {  	v16 =	vperm.xlane v16, v5;
	vm2 =	vlt.f32 v8, v13;
	vm1 =	vlt.f32 v6, v15  }
0x2f5: {  	v8 =	vsel vm2, v8, v13;
	v6 =	vsel vm1, v6, v15  }
0x2f6: {  	v12 =	vsel vm2, v12, v14;
	v7 =	vsel vm1, v7, v16;
	vm1 =	vlt.f32 v6, v8  }
0x2f7: {  	v13 =	vsel vm1, v6, v8;
	v14 =	vsel vm1, v7, v12  }
0x2f8: {  	(xrf1) =	vsort.ascd.msk.f32 $0xffff, v13, v14;
	_ =	sdelay $0x8  }
0x2f9: {  	v6 =	vsel vm1, v8, v6;
	v7 =	vsel vm1, v12, v7  }
0x2fa: {  	(xrf1) =	vsort.ascd.msk.f32 $0xffff, v6, v7;
	_ =	sdelay $0x3  }
0x2fb: {  	_, v7, _ =	vpop (xrf1);
	_ =	sdelay $0x3  }
0x2fc: {  	s1 =	smul.u32 $0x60, s0;
	v6 =	vmul.u32 $0x3, v1;
	v12 =	vld.idx.msk [tilespmem:v7+s3+$0x0], $0xffff  }
0x2fd: {  	v13 =	vld.idx.msk [tilespmem:v7+s16+$0x0], $0xffff  }
0x2fe: {  	s4 =	sor.u32 $0x1, s0;
	v15 =	vor.u32 s1, v6;
	v14 =	vld.idx.msk [tilespmem:v7+s17+$0x0], $0xffff;
	v7 =	vadd.s32 $0x1, v6  }
0x2ff: {  	v19 =	vmov s4;
	v8 =	vadd.s32 $0x2, v6;
	v16 =	vor.u32 s1, v7  }
0x300: {  	v17 =	vor.u32 s1, v8  }
0x301: {  	v12 =	vsub.f32 v12, v9  }
0x302: {  	_, v18, _ =	vpop (xrf1);
	v13 =	vsub.f32 v13, v10  }
0x303: {  	v14 =	vsub.f32 v14, v11;
	[tilespmem:v15+s28+$0x0] =	vst.idx.msk $0xffff, v12  }
0x304: {  	v15 =	vld.idx.msk [tilespmem:v19+s22+$0x0], $0xffff;
	[tilespmem:v16+s28+$0x0] =	vst.idx.msk $0xffff, v13  }
0x305: {  	[tilespmem:v17+s28+$0x0] =	vst.idx.msk $0xffff, v14  }
0x306: {  	v13 =	vld.idx.msk [tilespmem:v18+s16+$0x0], $0xffff  }
0x307: {  	v14 =	vld.idx.msk [tilespmem:v18+s17+$0x0], $0xffff  }
0x308: {  	v12 =	vld.idx.msk [tilespmem:v18+s3+$0x0], $0xffff  }
0x309: {  	s1 =	sor.u32 $0x30, s1  }
0x30a: {  	v23 =	vimm.s32 $0x0;
	v18 =	vadd.s32 s1, v6  }
0x30b: {  	s2 =	smul.u32 $0x3, s0;
	vm1 =	vmmov $0x1;
	v20 =	vadd.s32 s1, v7;
	v25 =	vadd.s32 s1, v8  }
0x30c: {  	v13 =	vsub.f32 v13, v10;
	v14 =	vsub.f32 v14, v11;
	v11 =	vsel vm0, v11, v10;
	v10 =	vld.idx.msk [tilespmem:v15+s18+$0x0], $0xffff  }
0x30d: {  	v31 =	vadd.s32 s2, v1;
	v12 =	vsub.f32 v12, v9;
	v27 =	vsel vm1, v9, v11;
	v9 =	vld.idx.msk [tilespmem:v15+s19+$0x0], $0xffff  }
0x30e: {  	v30 =	vimm.f32 $3.000000010e+38;
	v29 =	vimm.s32 $0x0;
	v24 =	vimm.f32 $3.000000010e+38;
	v11 =	vld.idx.msk [tilespmem:v15+s20+$0x0], $0xffff  }
0x30f: {  	v28 =	vimm.s32 $0x0;
	v26 =	vimm.f32 $3.000000010e+38;
	v21 =	vimm.f32 $3.000000010e+38;
	[tilespmem:v18+s28+$0x0] =	vst.idx.msk $0xffff, v12;
	v12 =	vld.idx.msk [tilespmem:v15+s26+$0x0], $0xffff  }
0x310: {  	v22 =	vimm.s32 $0x0;
	v19 =	vimm.s32 $0x0;
	v16 =	vimm.s32 $0x0;
	[tilespmem:v20+s28+$0x0] =	vst.idx.msk $0xffff, v13;
	v13 =	vld.idx.msk [tilespmem:v15+s23+$0x0], $0xffff  }
0x311: {  	s11 =	simm.s32 $0x2B40;
	s5 =	simm.s32 $0x3340;
	s30 =	simm.s32 $0x3B40;
	v17 =	vimm.f32 $3.000000010e+38;
	v18 =	vimm.s32 $0x0;
	v20 =	vimm.f32 $3.000000010e+38;
	[tilespmem:v25+s28+$0x0] =	vst.idx.msk $0xffff, v14;
	v14 =	vld.idx.msk [tilespmem:v15+s24+$0x0], $0xffff  }
0x312: {  	s6 =	simm.s32 $0x2040;
	s2 =	simm.s32 $0x40;
	s1 =	simm.s32 $0xFFFFFFFE;
	v15 =	vld.idx.msk [tilespmem:v15+s25+$0x0], $0xffff;
	v25 =	vimm.s32 $0x0;
	[tilespmem:v31+s29+$0x0] =	vst.idx.msk $0x7, v27;
	v31 =	vimm.f32 $3.000000010e+38;
	v27 =	vimm.f32 $3.000000010e+38  }
.LBB2_22:
0x313: {  	v32 =	vld [tilespmem:s11+$0xFFFFFFC0]  }
0x314: {  	v33 =	vld [tilespmem:s5+$0xFFFFFFC0];
	_ =	sdelay $0x1  }
0x315: {  	v34 =	vld [tilespmem:s30+$0xFFFFFFC0];
	_ =	sdelay $0x2  }
0x316: {  	v32 =	vmul.f32 v32, v13;
	v33 =	vmul.f32 v33, v14;
	_ =	sdelay $0x1  }
0x317: {  	v34 =	vmul.f32 v34, v15;
	v35 =	vadd.f32 v33, v32;
	_ =	sdelay $0x1  }
0x318: {  	v36 =	vadd.f32 v34, v35  }
0x319: {  	v37 =	vsub.f32 v35, v32  }
0x31a: {  	v38 =	vsub.f32 v36, v35  }
0x31b: {  	v39 =	vsub.f32 v35, v37  }
0x31c: {  	v40 =	vsub.f32 v36, v38  }
0x31d: {  	v33 =	vsub.f32 v33, v37;
	v32 =	vsub.f32 v32, v39  }
0x31e: {  	v34 =	vsub.f32 v34, v38;
	v35 =	vsub.f32 v35, v40;
	_ =	sdelay $0x1  }
0x31f: {  	v32 =	vadd.f32 v32, v33;
	v52 =	vadd.f32 v35, v34  }
0x320: {  	v53 =	vld [tilespmem:s6+$0xFFFFFFC0]  }
0x321: {  	v32 =	vadd.f32 v52, v32;
	_ =	sdelay $0x1  }
0x322: {  	v32 =	vadd.f32 v32, v36;
	_ =	sdelay $0x1  }
0x323: {  	v54 =	vadd.f32 v53, v12;
	v32 =	vadd.f32 v32, v32;
	_ =	sdelay $0x1  }
0x324: {  	v32 =	vsub.f32 v54, v32  }
0x325: {  	s7 =	sadd.s32 $0xFFFFFFC0, s2  }
0x326: {  	v55 =	vor.u32 s7, v1;
	v32 =	vmax.f32 v32, $0.0e+00  }
0x327: {  	(xrf1) =	vsort.ascd.msk.f32 $0xffff, v32, v55;
	_ =	sdelay $0xa  }
0x328: {  	v56 =	vld [tilespmem:s11+$0xFFFFFFD0]  }
0x329: {  	v57 =	vld [tilespmem:s5+$0xFFFFFFD0];
	_ =	sdelay $0x1  }
0x32a: {  	v60 =	vld [tilespmem:s30+$0xFFFFFFD0];
	v59, v58, _ =	vpop (xrf1)  }
0x32b: {  	v34 =	vperm.xlane v59, v5  }
0x32c: {  	v35 =	vperm.xlane v58, v5  }
0x32d: {  	v33 =	vmul.f32 v57, v14;
	v32 =	vmul.f32 v56, v13;
	vm2 =	vlt.f32 v31, v34  }
0x32e: {  	v31 =	vsel vm2, v31, v34;
	v29 =	vsel vm2, v29, v35  }
0x32f: {  	(xrf1) =	vsort.ascd.msk.f32 $0xffff, v31, v29;
	v29 =	vmul.f32 v60, v15;
	v31 =	vadd.f32 v33, v32;
	_ =	sdelay $0x1  }
0x330: {  	v61 =	vadd.f32 v29, v31  }
0x331: {  	v62 =	vsub.f32 v31, v32  }
0x332: {  	v63 =	vsub.f32 v61, v31  }
0x333: {  	v40 =	vsub.f32 v31, v62  }
0x334: {  	v41 =	vsub.f32 v61, v63  }
0x335: {  	v33 =	vsub.f32 v33, v62;
	v32 =	vsub.f32 v32, v40  }
0x336: {  	v29 =	vsub.f32 v29, v63;
	v31 =	vsub.f32 v31, v41;
	_ =	sdelay $0x1  }
0x337: {  	v32 =	vadd.f32 v32, v33;
	v29 =	vadd.f32 v31, v29  }
0x338: {  	v31 =	vld [tilespmem:s6+$0xFFFFFFD0]  }
0x339: {  	v29 =	vadd.f32 v29, v32;
	_ =	sdelay $0x1  }
0x33a: {  	v42, v33, _ =	vpop (xrf1);
	v29 =	vadd.f32 v29, v61  }
0x33b: {  	v32 =	vperm.xlane v42, v5  }
0x33c: {  	v33 =	vperm.xlane v33, v5;
	v31 =	vadd.f32 v31, v12;
	v29 =	vadd.f32 v29, v29  }
0x33d: {  	vm2 =	vlt.f32 v27, v32  }
0x33e: {  	v43 =	vsel vm2, v27, v32;
	v44 =	vsel vm2, v25, v33;
	v29 =	vsub.f32 v31, v29  }
0x33f: {  	s8 =	sadd.s32 $0xFFFFFFD0, s2;
	v27 =	vsel vm2, v32, v27;
	v25 =	vsel vm2, v33, v25;
	(xrf1) =	vsort.ascd.msk.f32 $0xffff, v43, v44  }
0x340: {  	(xrf1) =	vsort.ascd.msk.f32 $0xffff, v27, v25;
	v25 =	vmax.f32 v29, $0.0e+00;
	v27 =	vor.u32 s8, v1  }
0x341: {  	(xrf1) =	vsort.ascd.msk.f32 $0xffff, v25, v27;
	_ =	sdelay $0xa  }
0x342: {  	v45 =	vld [tilespmem:s11+$0xFFFFFFE0]  }
0x343: {  	v46 =	vld [tilespmem:s5+$0xFFFFFFE0];
	v27, v25, _ =	vpop (xrf1)  }
0x344: {  	v31, v29, _ =	vpop (xrf1)  }
0x345: {  	v47 =	vld [tilespmem:s30+$0xFFFFFFE0];
	v34, v35, _ =	vpop (xrf1)  }
0x346: {  	v34 =	vperm.xlane v34, v5  }
0x347: {  	v35 =	vperm.xlane v35, v5  }
0x348: {  	v32 =	vmul.f32 v45, v13;
	v33 =	vmul.f32 v46, v14;
	vm2 =	vlt.f32 v30, v34  }
0x349: {  	v30 =	vsel vm2, v30, v34;
	v28 =	vsel vm2, v28, v35  }
0x34a: {  	(xrf1) =	vsort.ascd.msk.f32 $0xffff, v30, v28;
	v28 =	vmul.f32 v47, v15;
	v30 =	vadd.f32 v33, v32;
	_ =	sdelay $0x1  }
0x34b: {  	v48 =	vadd.f32 v28, v30  }
0x34c: {  	v49 =	vsub.f32 v30, v32  }
0x34d: {  	v50 =	vsub.f32 v48, v30  }
0x34e: {  	v51 =	vsub.f32 v30, v49  }
0x34f: {  	v52 =	vsub.f32 v48, v50  }
0x350: {  	v33 =	vsub.f32 v33, v49;
	v32 =	vsub.f32 v32, v51  }
0x351: {  	v28 =	vsub.f32 v28, v50;
	v30 =	vsub.f32 v30, v52;
	_ =	sdelay $0x1  }
0x352: {  	v32 =	vadd.f32 v32, v33;
	v28 =	vadd.f32 v30, v28  }
0x353: {  	v30 =	vld [tilespmem:s6+$0xFFFFFFE0]  }
0x354: {  	v28 =	vadd.f32 v28, v32;
	_ =	sdelay $0x1  }
0x355: {  	v53, v33, _ =	vpop (xrf1);
	v28 =	vadd.f32 v28, v48  }
0x356: {  	v32 =	vperm.xlane v53, v5  }
0x357: {  	v33 =	vperm.xlane v33, v5;
	v30 =	vadd.f32 v30, v12;
	v28 =	vadd.f32 v28, v28  }
0x358: {  	vm2 =	vlt.f32 v26, v32  }
0x359: {  	v54 =	vsel vm2, v26, v32;
	v55 =	vsel vm2, v22, v33;
	v28 =	vsub.f32 v30, v28  }
0x35a: {  	s9 =	sadd.s32 $0xFFFFFFE0, s2;
	v26 =	vsel vm2, v32, v26;
	v22 =	vsel vm2, v33, v22;
	(xrf1) =	vsort.ascd.msk.f32 $0xffff, v54, v55  }
0x35b: {  	(xrf1) =	vsort.ascd.msk.f32 $0xffff, v26, v22;
	v22 =	vmax.f32 v28, $0.0e+00;
	v26 =	vor.u32 s9, v1  }
0x35c: {  	(xrf1) =	vsort.ascd.msk.f32 $0xffff, v22, v26;
	_ =	sdelay $0xa  }
0x35d: {  	v57 =	vld [tilespmem:s5+$0xFFFFFFF0]  }
0x35e: {  	v56 =	vld [tilespmem:s11+$0xFFFFFFF0];
	v26, v22, _ =	vpop (xrf1)  }
0x35f: {  	v30, v28, _ =	vpop (xrf1)  }
0x360: {  	v58 =	vld [tilespmem:s30+$0xFFFFFFF0];
	v34, v35, _ =	vpop (xrf1)  }
0x361: {  	v34 =	vperm.xlane v34, v5  }
0x362: {  	v35 =	vperm.xlane v35, v5  }
0x363: {  	v32 =	vmul.f32 v56, v13;
	v33 =	vmul.f32 v57, v14;
	vm2 =	vlt.f32 v24, v34  }
0x364: {  	v24 =	vsel vm2, v24, v34;
	v23 =	vsel vm2, v23, v35  }
0x365: {  	(xrf1) =	vsort.ascd.msk.f32 $0xffff, v24, v23;
	v23 =	vmul.f32 v58, v15;
	v24 =	vadd.f32 v33, v32;
	_ =	sdelay $0x1  }
0x366: {  	v59 =	vadd.f32 v23, v24  }
0x367: {  	v60 =	vsub.f32 v24, v32  }
0x368: {  	v61 =	vsub.f32 v59, v24  }
0x369: {  	v62 =	vsub.f32 v24, v60  }
0x36a: {  	v63 =	vsub.f32 v59, v61  }
0x36b: {  	v33 =	vsub.f32 v33, v60;
	v32 =	vsub.f32 v32, v62  }
0x36c: {  	v23 =	vsub.f32 v23, v61;
	v24 =	vsub.f32 v24, v63;
	_ =	sdelay $0x1  }
0x36d: {  	v32 =	vadd.f32 v32, v33;
	v23 =	vadd.f32 v24, v23  }
0x36e: {  	v24 =	vld [tilespmem:s6+$0xFFFFFFF0]  }
0x36f: {  	v23 =	vadd.f32 v23, v32;
	_ =	sdelay $0x1  }
0x370: {  	v37, v33, _ =	vpop (xrf1);
	v23 =	vadd.f32 v23, v59  }
0x371: {  	v32 =	vperm.xlane v37, v5  }
0x372: {  	v33 =	vperm.xlane v33, v5;
	v24 =	vadd.f32 v24, v12;
	v23 =	vadd.f32 v23, v23  }
0x373: {  	vm2 =	vlt.f32 v20, v32  }
0x374: {  	v38 =	vsel vm2, v20, v32;
	v39 =	vsel vm2, v18, v33;
	v23 =	vsub.f32 v24, v23  }
0x375: {  	s10 =	sadd.s32 $0xFFFFFFF0, s2;
	v20 =	vsel vm2, v32, v20;
	v18 =	vsel vm2, v33, v18;
	(xrf1) =	vsort.ascd.msk.f32 $0xffff, v38, v39  }
0x376: {  	(xrf1) =	vsort.ascd.msk.f32 $0xffff, v20, v18;
	v18 =	vmax.f32 v23, $0.0e+00;
	v20 =	vor.u32 s10, v1  }
0x377: {  	(xrf1) =	vsort.ascd.msk.f32 $0xffff, v18, v20;
	_ =	sdelay $0xa  }
0x378: {  	v40 =	vld [tilespmem:s11+$0x0]  }
0x379: {  	v41 =	vld [tilespmem:s5+$0x0];
	v20, v18, _ =	vpop (xrf1)  }
0x37a: {  	v24, v23, _ =	vpop (xrf1)  }
0x37b: {  	v42 =	vld [tilespmem:s30+$0x0];
	v34, v35, _ =	vpop (xrf1)  }
0x37c: {  	v34 =	vperm.xlane v34, v5  }
0x37d: {  	v35 =	vperm.xlane v35, v5  }
0x37e: {  	v32 =	vmul.f32 v40, v13;
	v33 =	vmul.f32 v41, v14;
	vm2 =	vlt.f32 v21, v34  }
0x37f: {  	v21 =	vsel vm2, v21, v34;
	v19 =	vsel vm2, v19, v35  }
0x380: {  	(xrf1) =	vsort.ascd.msk.f32 $0xffff, v21, v19;
	v19 =	vmul.f32 v42, v15;
	v21 =	vadd.f32 v33, v32;
	_ =	sdelay $0x1  }
0x381: {  	v43 =	vadd.f32 v19, v21  }
0x382: {  	v44 =	vsub.f32 v21, v32  }
0x383: {  	v45 =	vsub.f32 v43, v21  }
0x384: {  	v46 =	vsub.f32 v21, v44  }
0x385: {  	v47 =	vsub.f32 v43, v45  }
0x386: {  	v33 =	vsub.f32 v33, v44;
	v32 =	vsub.f32 v32, v46  }
0x387: {  	v19 =	vsub.f32 v19, v45;
	v21 =	vsub.f32 v21, v47;
	_ =	sdelay $0x1  }
0x388: {  	v32 =	vadd.f32 v32, v33;
	v19 =	vadd.f32 v21, v19  }
0x389: {  	v21 =	vld [tilespmem:s6+$0x0]  }
0x38a: {  	v19 =	vadd.f32 v19, v32;
	_ =	sdelay $0x1  }
0x38b: {  	v48, v33, _ =	vpop (xrf1);
	v19 =	vadd.f32 v19, v43  }
0x38c: {  	v32 =	vperm.xlane v48, v5  }
0x38d: {  	v33 =	vperm.xlane v33, v5;
	v21 =	vadd.f32 v21, v12;
	v19 =	vadd.f32 v19, v19  }
0x38e: {  	vm2 =	vlt.f32 v17, v32  }
0x38f: {  	v49 =	vsel vm2, v17, v32;
	v50 =	vsel vm2, v16, v33;
	v19 =	vsub.f32 v21, v19  }
0x390: {  	v17 =	vsel vm2, v32, v17;
	v16 =	vsel vm2, v33, v16;
	(xrf1) =	vsort.ascd.msk.f32 $0xffff, v49, v50  }
0x391: {  	(xrf1) =	vsort.ascd.msk.f32 $0xffff, v17, v16;
	v16 =	vmax.f32 v19, $0.0e+00;
	v17 =	vor.u32 s2, v1  }
0x392: {  	(xrf1) =	vsort.ascd.msk.f32 $0xffff, v16, v17;
	_ =	sdelay $0xa  }
0x393: {  	v51 =	vld [tilespmem:s11+$0x10]  }
0x394: {  	v52 =	vld [tilespmem:s5+$0x10];
	v17, v16, _ =	vpop (xrf1)  }
0x395: {  	v21, v19, _ =	vpop (xrf1)  }
0x396: {  	v53 =	vld [tilespmem:s30+$0x10];
	v34, v35, _ =	vpop (xrf1)  }
0x397: {  	v34 =	vperm.xlane v34, v5  }
0x398: {  	v35 =	vperm.xlane v35, v5  }
0x399: {  	v32 =	vmul.f32 v51, v13;
	v33 =	vmul.f32 v52, v14;
	vm2 =	vlt.f32 v31, v34  }
0x39a: {  	v31 =	vsel vm2, v31, v34;
	v29 =	vsel vm2, v29, v35  }
0x39b: {  	(xrf1) =	vsort.ascd.msk.f32 $0xffff, v31, v29;
	v29 =	vmul.f32 v53, v15;
	v31 =	vadd.f32 v33, v32;
	_ =	sdelay $0x1  }
0x39c: {  	v54 =	vadd.f32 v29, v31  }
0x39d: {  	v55 =	vsub.f32 v31, v32  }
0x39e: {  	v56 =	vsub.f32 v54, v31  }
0x39f: {  	v57 =	vsub.f32 v31, v55  }
0x3a0: {  	v58 =	vsub.f32 v54, v56  }
0x3a1: {  	v33 =	vsub.f32 v33, v55;
	v32 =	vsub.f32 v32, v57  }
0x3a2: {  	v29 =	vsub.f32 v29, v56;
	v31 =	vsub.f32 v31, v58;
	_ =	sdelay $0x1  }
0x3a3: {  	v32 =	vadd.f32 v32, v33;
	v29 =	vadd.f32 v31, v29  }
0x3a4: {  	v31 =	vld [tilespmem:s6+$0x10]  }
0x3a5: {  	v29 =	vadd.f32 v29, v32;
	_ =	sdelay $0x1  }
0x3a6: {  	v59, v33, _ =	vpop (xrf1);
	v29 =	vadd.f32 v29, v54  }
0x3a7: {  	v32 =	vperm.xlane v59, v5  }
0x3a8: {  	v33 =	vperm.xlane v33, v5;
	v31 =	vadd.f32 v31, v12;
	v29 =	vadd.f32 v29, v29  }
0x3a9: {  	vm2 =	vlt.f32 v27, v32  }
0x3aa: {  	v60 =	vsel vm2, v27, v32;
	v61 =	vsel vm2, v25, v33;
	v29 =	vsub.f32 v31, v29  }
0x3ab: {  	s12 =	sadd.s32 $0x10, s2;
	v27 =	vsel vm2, v32, v27;
	v25 =	vsel vm2, v33, v25;
	(xrf1) =	vsort.ascd.msk.f32 $0xffff, v60, v61  }
0x3ac: {  	(xrf1) =	vsort.ascd.msk.f32 $0xffff, v27, v25;
	v25 =	vmax.f32 v29, $0.0e+00;
	v27 =	vor.u32 s12, v1  }
0x3ad: {  	(xrf1) =	vsort.ascd.msk.f32 $0xffff, v25, v27;
	_ =	sdelay $0xa  }
0x3ae: {  	v62 =	vld [tilespmem:s11+$0x20]  }
0x3af: {  	v63 =	vld [tilespmem:s5+$0x20];
	v27, v25, _ =	vpop (xrf1)  }
0x3b0: {  	v31, v29, _ =	vpop (xrf1)  }
0x3b1: {  	v40 =	vld [tilespmem:s30+$0x20];
	v34, v35, _ =	vpop (xrf1)  }
0x3b2: {  	v34 =	vperm.xlane v34, v5  }
0x3b3: {  	v35 =	vperm.xlane v35, v5  }
0x3b4: {  	v32 =	vmul.f32 v62, v13;
	v33 =	vmul.f32 v63, v14;
	vm2 =	vlt.f32 v30, v34  }
0x3b5: {  	v30 =	vsel vm2, v30, v34;
	v28 =	vsel vm2, v28, v35  }
0x3b6: {  	(xrf1) =	vsort.ascd.msk.f32 $0xffff, v30, v28;
	v28 =	vmul.f32 v40, v15;
	v30 =	vadd.f32 v33, v32;
	_ =	sdelay $0x1  }
0x3b7: {  	v41 =	vadd.f32 v28, v30  }
0x3b8: {  	v42 =	vsub.f32 v30, v32  }
0x3b9: {  	v43 =	vsub.f32 v41, v30  }
0x3ba: {  	v44 =	vsub.f32 v30, v42  }
0x3bb: {  	v45 =	vsub.f32 v41, v43  }
0x3bc: {  	v33 =	vsub.f32 v33, v42;
	v32 =	vsub.f32 v32, v44  }
0x3bd: {  	v28 =	vsub.f32 v28, v43;
	v30 =	vsub.f32 v30, v45;
	_ =	sdelay $0x1  }
0x3be: {  	v32 =	vadd.f32 v32, v33;
	v28 =	vadd.f32 v30, v28  }
0x3bf: {  	v30 =	vld [tilespmem:s6+$0x20]  }
0x3c0: {  	v28 =	vadd.f32 v28, v32;
	_ =	sdelay $0x1  }
0x3c1: {  	v46, v33, _ =	vpop (xrf1);
	v28 =	vadd.f32 v28, v41  }
0x3c2: {  	v32 =	vperm.xlane v46, v5  }
0x3c3: {  	v33 =	vperm.xlane v33, v5;
	v30 =	vadd.f32 v30, v12;
	v28 =	vadd.f32 v28, v28  }
0x3c4: {  	vm2 =	vlt.f32 v26, v32  }
0x3c5: {  	v47 =	vsel vm2, v26, v32;
	v48 =	vsel vm2, v22, v33;
	v28 =	vsub.f32 v30, v28  }
0x3c6: {  	s13 =	sadd.s32 $0x20, s2;
	v26 =	vsel vm2, v32, v26;
	v22 =	vsel vm2, v33, v22;
	(xrf1) =	vsort.ascd.msk.f32 $0xffff, v47, v48  }
0x3c7: {  	(xrf1) =	vsort.ascd.msk.f32 $0xffff, v26, v22;
	v22 =	vmax.f32 v28, $0.0e+00;
	v26 =	vor.u32 s13, v1  }
0x3c8: {  	(xrf1) =	vsort.ascd.msk.f32 $0xffff, v22, v26;
	_ =	sdelay $0xa  }
0x3c9: {  	v49 =	vld [tilespmem:s11+$0x30]  }
0x3ca: {  	v50 =	vld [tilespmem:s5+$0x30];
	v26, v22, _ =	vpop (xrf1)  }
0x3cb: {  	v30, v28, _ =	vpop (xrf1)  }
0x3cc: {  	v51 =	vld [tilespmem:s30+$0x30];
	v34, v35, _ =	vpop (xrf1)  }
0x3cd: {  	v34 =	vperm.xlane v34, v5  }
0x3ce: {  	v35 =	vperm.xlane v35, v5  }
0x3cf: {  	v32 =	vmul.f32 v49, v13;
	v33 =	vmul.f32 v50, v14;
	vm2 =	vlt.f32 v24, v34  }
0x3d0: {  	v24 =	vsel vm2, v24, v34;
	v23 =	vsel vm2, v23, v35  }
0x3d1: {  	(xrf1) =	vsort.ascd.msk.f32 $0xffff, v24, v23;
	v23 =	vmul.f32 v51, v15;
	v24 =	vadd.f32 v33, v32;
	_ =	sdelay $0x1  }
0x3d2: {  	v52 =	vadd.f32 v23, v24  }
0x3d3: {  	v53 =	vsub.f32 v24, v32  }
0x3d4: {  	v54 =	vsub.f32 v52, v24  }
0x3d5: {  	v55 =	vsub.f32 v24, v53  }
0x3d6: {  	v56 =	vsub.f32 v52, v54  }
0x3d7: {  	v33 =	vsub.f32 v33, v53;
	v32 =	vsub.f32 v32, v55  }
0x3d8: {  	v23 =	vsub.f32 v23, v54;
	v24 =	vsub.f32 v24, v56;
	_ =	sdelay $0x1  }
0x3d9: {  	v32 =	vadd.f32 v32, v33;
	v23 =	vadd.f32 v24, v23  }
0x3da: {  	v24 =	vld [tilespmem:s6+$0x30]  }
0x3db: {  	v23 =	vadd.f32 v23, v32;
	_ =	sdelay $0x1  }
0x3dc: {  	v57, v33, _ =	vpop (xrf1);
	v23 =	vadd.f32 v23, v52  }
0x3dd: {  	v32 =	vperm.xlane v57, v5  }
0x3de: {  	v33 =	vperm.xlane v33, v5;
	v24 =	vadd.f32 v24, v12;
	v23 =	vadd.f32 v23, v23  }
0x3df: {  	vm2 =	vlt.f32 v20, v32  }
0x3e0: {  	v58 =	vsel vm2, v20, v32;
	v59 =	vsel vm2, v18, v33;
	v23 =	vsub.f32 v24, v23  }
0x3e1: {  	s14 =	sadd.s32 $0x30, s2;
	v20 =	vsel vm2, v32, v20;
	v18 =	vsel vm2, v33, v18;
	(xrf1) =	vsort.ascd.msk.f32 $0xffff, v58, v59  }
0x3e2: {  	(xrf1) =	vsort.ascd.msk.f32 $0xffff, v20, v18;
	v18 =	vmax.f32 v23, $0.0e+00;
	v20 =	vor.u32 s14, v1  }
0x3e3: {  	(xrf1) =	vsort.ascd.msk.f32 $0xffff, v18, v20;
	_ =	sdelay $0xb  }
0x3e4: {  	v20, v18, _ =	vpop (xrf1)  }
0x3e5: {  	v24, v23, _ =	vpop (xrf1)  }
0x3e6: {  	v60, v61, _ =	vpop (xrf1)  }
0x3e7: {  	v32 =	vperm.xlane v60, v5  }
0x3e8: {  	v33 =	vperm.xlane v61, v5  }
0x3e9: {  	vm2 =	vlt.f32 v21, v32  }
0x3ea: {  	v21 =	vsel vm2, v21, v32;
	v19 =	vsel vm2, v19, v33  }
0x3eb: {  	(xrf1) =	vsort.ascd.msk.f32 $0xffff, v21, v19;
	_ =	sdelay $0xd  }
0x3ec: {  	v19, v21, _ =	vpop (xrf1)  }
0x3ed: {  	v19 =	vperm.xlane v19, v5  }
0x3ee: {  	v21 =	vperm.xlane v21, v5  }
0x3ef: {  	vm2 =	vlt.f32 v17, v19  }
0x3f0: {  	v62 =	vsel vm2, v17, v19;
	v63 =	vsel vm2, v16, v21  }
0x3f1: {  	v17 =	vsel vm2, v19, v17;
	v16 =	vsel vm2, v21, v16;
	(xrf1) =	vsort.ascd.msk.f32 $0xffff, v62, v63  }
0x3f2: {  	(xrf1) =	vsort.ascd.msk.f32 $0xffff, v17, v16;
	_ =	sdelay $0x7  }
0x3f3: {  	s1 =	sadd.s32 $0x2, s1  }
0x3f4: {  	p1 =	slt.u32 s1, $0x1E  }
.Ltmp9:
0x3f5: {  	_ = 	snop;
	(pc) =	sbr.rel @p1 .LBB2_22-.Ltmp9, $3  }
0x3f6: {  	_ =	sdelay $0x1  }
0x3f7: {  	s30 =	sadd.s32 $0x80, s30;
	s11 =	sadd.s32 $0x80, s11;
	v17, v16, _ =	vpop (xrf1)  }
0x3f8: {  	s5 =	sadd.s32 $0x80, s5;
	s2 =	sadd.s32 $0x80, s2;
	s6 =	sadd.s32 $0x80, s6;
	v21, v19, _ =	vpop (xrf1)  }
0x3f9: {  	v12 =	vperm.xlane v30, v5;
	v13 =	vperm.xlane v26, v5  }
0x3fa: {  	v14 =	vperm.xlane v22, v5;
	v15 =	vperm.xlane v28, v5  }
0x3fb: {  	v17 =	vperm.xlane v17, v5;
	v21 =	vperm.xlane v21, v5  }
0x3fc: {  	v44 =	vperm.xlane v16, v5;
	vm2 =	vlt.f32 v27, v12;
	vm3 =	vlt.f32 v31, v13  }
0x3fd: {  	v45 =	vperm.xlane v19, v5;
	v12 =	vsel vm2, v27, v12;
	v13 =	vsel vm3, v31, v13  }
0x3fe: {  	v15 =	vsel vm2, v25, v15;
	v14 =	vsel vm3, v29, v14;
	vm2 =	vlt.f32 v20, v21  }
0x3ff: {  	vm3 =	vlt.f32 v24, v17;
	vm4 =	vlt.f32 v12, v13;
	v46 =	vsel vm2, v20, v21  }
0x400: {  	v17 =	vsel vm3, v24, v17;
	v42 =	vsel vm4, v12, v13;
	v25 =	vsel vm4, v15, v14  }
0x401: {  	v12 =	vsel vm4, v13, v12;
	v43 =	vsel vm4, v14, v15;
	v15 =	vsel vm2, v18, v45  }
0x402: {  	v14 =	vsel vm3, v23, v44;
	vm2 =	vlt.f32 v46, v17;
	(xrf1) =	vsort.ascd.msk.f32 $0xffff, v42, v25  }
0x403: {  	v47 =	vsel vm2, v46, v17;
	v48 =	vsel vm2, v15, v14;
	(xrf1) =	vsort.ascd.msk.f32 $0xffff, v12, v43  }
0x404: {  	v16 =	vsel vm2, v17, v46;
	v14 =	vsel vm2, v14, v15;
	(xrf1) =	vsort.ascd.msk.f32 $0xffff, v47, v48  }
0x405: {  	(xrf1) =	vsort.ascd.msk.f32 $0xffff, v16, v14;
	_ =	sdelay $0xa  }
0x406: {  	v12, v13, _ =	vpop (xrf1)  }
0x407: {  	v49, v15, _ =	vpop (xrf1)  }
0x408: {  	v50, v17, _ =	vpop (xrf1)  }
0x409: {  	v52, v51, _ =	vpop (xrf1)  }
0x40a: {  	v16 =	vperm.xlane v50, v5;
	v18 =	vperm.xlane v52, v5  }
0x40b: {  	v17 =	vperm.xlane v17, v5  }
0x40c: {  	v5 =	vperm.xlane v51, v5;
	vm3 =	vlt.f32 v49, v16;
	vm2 =	vlt.f32 v12, v18  }
0x40d: {  	v14 =	vsel vm3, v49, v16;
	v12 =	vsel vm2, v12, v18  }
0x40e: {  	v53 =	vsel vm3, v15, v17;
	v5 =	vsel vm2, v13, v5;
	vm2 =	vlt.f32 v12, v14  }
0x40f: {  	v54 =	vsel vm2, v12, v14;
	v55 =	vsel vm2, v5, v53  }
0x410: {  	(xrf1) =	vsort.ascd.msk.f32 $0xffff, v54, v55;
	_ =	sdelay $0x8  }
0x411: {  	v12 =	vsel vm2, v14, v12;
	v5 =	vsel vm2, v53, v5  }
0x412: {  	(xrf1) =	vsort.ascd.msk.f32 $0xffff, v12, v5;
	_ =	sdelay $0x3  }
0x413: {  	_, v5, _ =	vpop (xrf1);
	_ =	sdelay $0x3  }
0x414: {  	s1 =	smul.u32 $0x60, s4;
	v56 =	vld.idx.msk [tilespmem:v5+s3+$0x0], $0xffff  }
0x415: {  	v57 =	vld.idx.msk [tilespmem:v5+s16+$0x0], $0xffff  }
0x416: {  	v58 =	vadd.s32 s1, v6;
	v5 =	vld.idx.msk [tilespmem:v5+s17+$0x0], $0xffff  }
0x417: {  	v59 =	vadd.s32 s1, v7  }
0x418: {  	v60 =	vadd.s32 s1, v8  }
0x419: {  	v12 =	vsub.f32 v56, v10  }
0x41a: {  	_, v61, _ =	vpop (xrf1);
	v13 =	vsub.f32 v57, v9  }
0x41b: {  	v5 =	vsub.f32 v5, v11;
	[tilespmem:v58+s28+$0x0] =	vst.idx.msk $0xffff, v12  }
0x41c: {  	[tilespmem:v59+s28+$0x0] =	vst.idx.msk $0xffff, v13  }
0x41d: {  	[tilespmem:v60+s28+$0x0] =	vst.idx.msk $0xffff, v5  }
0x41e: {  	v5 =	vld.idx.msk [tilespmem:v61+s3+$0x0], $0xffff  }
0x41f: {  	s1 =	sadd.s32 $0x30, s1;
	v12 =	vld.idx.msk [tilespmem:v61+s16+$0x0], $0xffff  }
0x420: {  	v6 =	vadd.s32 s1, v6;
	v13 =	vld.idx.msk [tilespmem:v61+s17+$0x0], $0xffff  }
0x421: {  	s2 =	smul.u32 $0x3, s4;
	v7 =	vadd.s32 s1, v7  }
0x422: {  	v62 =	vadd.s32 s1, v8  }
0x423: {  	p1 =	slt.u32 s0, $0x7E;
	v63 =	vadd.s32 s2, v1;
	v5 =	vsub.f32 v5, v10  }
.Ltmp10:
0x424: {  	v12 =	vsub.f32 v12, v9;
	(pc) =	sbr.rel @p1 .LBB2_19-.Ltmp10, $4  }
0x425: {  	v13 =	vsub.f32 v13, v11;
	[tilespmem:v6+s28+$0x0] =	vst.idx.msk $0xffff, v5  }
0x426: {  	v5 =	vsel vm0, v11, v9;
	[tilespmem:v7+s28+$0x0] =	vst.idx.msk $0xffff, v12  }
0x427: {  	s30 =	sadd.s32 $0x2, s0;
	v5 =	vsel vm1, v10, v5;
	[tilespmem:v62+s28+$0x0] =	vst.idx.msk $0xffff, v13  }
0x428: {  	s0 =	smov.u32 s30;
	[tilespmem:v63+s29+$0x0] =	vst.idx.msk $0x7, v5  }
0x429: {  	s0 =	rddreg [dreg:$0x8]  }
0x42a: {  	s0 =	sor.u32 s0, s31  }
0x42b: {  	s1 =	rddreg [dreg:$0x1];
	s0 =	sshrl.u32 s0, $0x3  }
0x42c: {  	s4 =	simm.s32 $0x400;
	s1 =	sadd.s32 s1, s0;
	s0 =	simm.s32 $0x80  }
0x42d: {  	[hbm4b:s1+s0] =	stream.strided.scatter [tilespmem:s28], [sflag:$0x1], $0x3000, s4, s0, $0x38;
	[tilespmem:$0x7600] =	vst v63  }
0x42e: {  	_ =	swait.ge [sflag:s15], $0x3000  }
0x42f: {  	s30 =	rddreg [dreg:$0x9];
	[sflag:s15] =	ssyncset.done $0x0  }
0x430: {  	s1 =	sor.u32 s30, s31;
	[sflag:s15] =	ssyncadd.s32 $0xFFFFD000  }
0x431: {  	s1 =	sshrl.u32 s1, $0x3;
	s2 =	rddreg [dreg:$0x2]  }
.Ltmp11:
0x432: {  	s1 =	sadd.s32 s2, s1;
	(pc) =	sbr.rel @p0 .LBB2_2-.Ltmp11, $4  }
0x433: {  	[hbm4b:s1+s0] =	stream.strided.scatter [tilespmem:s29], [sflag:$0x1], $0x180, s4, s0, $0x38;
	[tilespmem:$0x7600] =	vst v63  }
0x434: {  	_ =	swait.ge [sflag:s15], $0x180  }
0x435: {  	[sflag:s15] =	ssyncset.done $0x0  }
0x436: {  	p1 =	por $0x0, $0x0;
	[sflag:s15] =	ssyncadd.s32 $0xFFFFFE80  }
0x437: {  	s1 =	rddreg [dreg:$0xc]  }
0x438: {  	s0 =	rddreg [dreg:$0xa];
	s1 =	sadd.s32 $0x1, s1  }
0x439: {  	p0 =	sne.s32 s1, s0  }
.Ltmp12:
0x43a: {  	_ = 	snop;
	(pc) =	sbr.rel @p0 .LBB2_1-.Ltmp12, $1  }
0x43b: {  	_ =	sdelay $0x3  }
0x43c: {  	_ =	sfence.sel $0x180000  }
0x43d: {  	[bflag:$0x0] =	sbarrier.arrive $0xFFFF  }
0x43e: {  	_ =	strace $0x90000047  }
0x43f: {  	s0 =	stileid.u32;
	[bflag:$0x2] =	sbarrier.arrive $0xFFFF  }
0x440: {  	p0 =	sne.s32 s0, $0x0;
	s0 =	rddreg [dreg:$0x3]  }
0x441: {  	s0 =	sadd.s32 @!p0 $0x100000, s0  }
0x442: {  	[sflag:s0] =	ssyncadd.tile.s32 @!p0 $0x1;
	_ =	shalt  }
.Lfunc_end2:
_tile_overlayer_lowered:
.L_overlay_start_2:
0x443: {  	(tag) =	ssettag $0x2  }
0x444: {  	s0 =	rddreg [dreg:$0x0];
	s2 =	stileid.u32  }
0x445: {  	s1 =	rddreg [dreg:$0x1];
	p0 =	sne.s32 s2, $0x0  }
0x446: {  	s3 =	rddreg [dreg:$0x2];
	[bflag:$0x3] =	sbarrier.arrive $0xFFFF;
	s2 =	simm.s32 @!p0 $0x1C01  }
0x447: {  	[timem:s3], [sflag:s2] =	dma.local @!p0 [hbm:s0], s1  }
0x448: {  	s0 =	simm.s32 @!p0 $0x1  }
0x449: {  	_ =	swait.ge @!p0 [sflag:s0], s1  }
0x44a: {  	s1 =	ssub.s32 @!p0 $0x0, s1;
	[sflag:s0] =	ssyncset.done @!p0 $0x0  }
0x44b: {  	[sflag:s0] =	ssyncadd.s32 @!p0 s1  }
0x44c: {  	[bflag:$0x3] =	sbarrier.arrive $0xFFFF  }
0x44d: {  	_ =	shalt  }

</sc_bundles>
